<compile_context>
chip_gen: v7x
topology: tpu7x:2x2x1
jax: 0.10.2.dev20260603
libtpu: 0.0.44.dev20260713+nightly
codegen_flags: <defaults>
</compile_context>

<pallas_src>
import functools

import jax
import jax.numpy as jnp
from jax import lax
from jax.experimental import pallas as pl
from jax.experimental.pallas import tpu as pltpu
from jax.experimental.pallas import tpu_sc as plsc

BATCH = 16384
SEQ = 200
TABLE = 1000000
NUM_CORES = 2
NUM_SUBCORES = 16
NUM_WORKERS = NUM_CORES * NUM_SUBCORES
ROWS_PER_WORKER = BATCH // NUM_WORKERS
CHUNK_ROWS = 32
CHUNK = CHUNK_ROWS * SEQ
NUM_CHUNKS = ROWS_PER_WORKER // CHUNK_ROWS
LANES = 16
COL_STARTS = tuple(j * LANES for j in range(12)) + (SEQ - LANES,)

STAGE = 4000
NUM_STAGE = TABLE // STAGE
STAGE_ROUNDS = -(-NUM_STAGE // NUM_SUBCORES)


def _sc_gather_exp(x_hbm, table_hbm, out_hbm, tab_sh,
                   ixd0, ixd1, ixf0, ixf1, vlf0, vlf1,
                   ti0, ti1, to0, to1, si0, si1, sg0, sg1, so0, so1):
    cid = lax.axis_index("c")
    sid = lax.axis_index("s")
    wid = sid * NUM_CORES + cid
    row_base = wid * ROWS_PER_WORKER

    ixd = (ixd0, ixd1)
    ixf = (ixf0, ixf1)
    vlf = (vlf0, vlf1)
    tis = (ti0, ti1)
    tos = (to0, to1)
    sis = (si0, si1)
    sgs = (sg0, sg1)
    sos = (so0, so1)

    def idx_copy(ch, b):
        return pltpu.make_async_copy(
            x_hbm.at[pl.ds(row_base + ch * CHUNK_ROWS, CHUNK_ROWS), :],
            ixd[b], sis[b])

    idx_copy(0, 0).start()
    idx_copy(1, 1).start()

    def stage_chunk(t):
        return sid + t * NUM_SUBCORES

    def stage_in(t):
        b = t % 2
        return pltpu.make_async_copy(
            table_hbm.at[pl.ds(stage_chunk(t) * STAGE, STAGE)],
            vlf[b].at[pl.ds(0, STAGE)], tis[b])

    def stage_out(t):
        b = t % 2
        return pltpu.make_async_copy(
            vlf[b].at[pl.ds(0, STAGE)],
            tab_sh.at[pl.ds(stage_chunk(t) * STAGE, STAGE)], tos[b])

    @pl.when(stage_chunk(0) < NUM_STAGE)
    def _():
        stage_in(0).start()

    for t in range(STAGE_ROUNDS):
        @pl.when(stage_chunk(t) < NUM_STAGE)
        def _():
            if t >= 1:
                stage_out(t - 1).wait()
            if t + 1 < STAGE_ROUNDS:
                @pl.when(stage_chunk(t + 1) < NUM_STAGE)
                def _():
                    stage_in(t + 1).start()
            stage_in(t).wait()
            stage_out(t).start()

    last_valid = stage_chunk(STAGE_ROUNDS - 1) < NUM_STAGE

    @pl.when(last_valid)
    def _():
        stage_out(STAGE_ROUNDS - 1).wait()

    @pl.when(jnp.logical_not(last_valid))
    def _():
        stage_out(STAGE_ROUNDS - 2).wait()

    plsc.subcore_barrier()

    def repack_in(b):
        def body(r, carry):
            for c in COL_STARTS:
                ixf[b][pl.ds(r * SEQ + c, LANES)] = ixd[b][r, pl.ds(c, LANES)]
            return carry

        lax.fori_loop(0, CHUNK_ROWS, body, 0, unroll=2)

    def repack_out_exp(b):
        def body(i, carry):
            sl = pl.ds(i * LANES, LANES)
            vlf[b][sl] = jnp.exp(vlf[b][sl])
            return carry

        lax.fori_loop(0, CHUNK // LANES, body, 0, unroll=8)

    def gather(b):
        return pltpu.make_async_copy(tab_sh.at[ixf[b]], vlf[b], sgs[b])

    def out_copy(ch, b):
        return pltpu.make_async_copy(
            vlf[b],
            out_hbm.at[pl.ds((row_base + ch * CHUNK_ROWS) * SEQ, CHUNK)],
            sos[b])

    idx_copy(0, 0).wait()
    repack_in(0)
    gather(0).start()

    NPAIR = NUM_CHUNKS // 2

    def pair_body(k, carry):
        p = 2 * k
        idx_copy(p + 1, 1).wait()
        repack_in(1)

        @pl.when(k < NPAIR - 1)
        def _():
            idx_copy(p + 2, 0).start()

        gather(0).wait()
        gather(1).start()

        @pl.when(k >= 1)
        def _():
            out_copy(p - 2, 0).wait()

        repack_out_exp(0)
        out_copy(p, 0).start()

        @pl.when(k < NPAIR - 1)
        def _():
            idx_copy(p + 2, 0).wait()
            repack_in(0)
            idx_copy(p + 3, 1).start()

        gather(1).wait()

        @pl.when(k < NPAIR - 1)
        def _():
            gather(0).start()

        @pl.when(k >= 1)
        def _():
            out_copy(p - 1, 1).wait()

        repack_out_exp(1)
        out_copy(p + 1, 1).start()
        return carry

    lax.fori_loop(0, NPAIR, pair_body, 0)

    out_copy(NUM_CHUNKS - 2, 0).wait()
    out_copy(NUM_CHUNKS - 1, 1).wait()


@jax.jit
def _run(x, table_flat):
    mesh = plsc.VectorSubcoreMesh(core_axis_name="c", subcore_axis_name="s")
    return pl.kernel(
        _sc_gather_exp,
        out_type=jax.ShapeDtypeStruct((BATCH * SEQ,), jnp.float32),
        mesh=mesh,
        scratch_types=[
            pltpu.VMEM_SHARED((TABLE,), jnp.float32),
            pltpu.VMEM((CHUNK_ROWS, SEQ), jnp.int32),
            pltpu.VMEM((CHUNK_ROWS, SEQ), jnp.int32),
            pltpu.VMEM((CHUNK,), jnp.int32),
            pltpu.VMEM((CHUNK,), jnp.int32),
            pltpu.VMEM((CHUNK,), jnp.float32),
            pltpu.VMEM((CHUNK,), jnp.float32),
        ] + [pltpu.SemaphoreType.DMA] * 10,
    )(x, table_flat)


def kernel(x, table):
    return _run(x, table.reshape(-1)).reshape(BATCH, SEQ)

# --- scband reference (transcript-rebuilt; emitter-appended) ---
"""Pipeline reference for scband-s2-kmer-model-18098992185407 (READ-ONLY COPY).

The authoritative reference and input builder live on the scoring server;
editing this copy changes nothing except your own understanding.
"""

import jax, jax.numpy as jnp
import numpy as np

MOTIF_COUNT = 1000000
EMBED_DIM = 1
BATCH = 16384
SEQ = 200


def setup_inputs(seed: int = 0) -> dict:
    key = jax.random.key(seed)
    k1, k2 = jax.random.split(key)
    x = jax.random.randint(k1, (BATCH, SEQ), 0, MOTIF_COUNT)
    # nn.Embedding weight, normal(0,1) init by default in torch
    table = jax.random.normal(k2, (MOTIF_COUNT, EMBED_DIM), dtype=jnp.float32) * 0.02
    return {"x": x, "table": table}


def reference(x, table):
    # embedding lookup -> squeeze(-1) -> exp  (log_counts=False path)
    emb = jnp.take(table, x, axis=0)          # [B, S, 1]
    z = jnp.squeeze(emb, axis=-1)             # [B, S]
    return jnp.exp(z)

if __name__ == "__main__":
    import jax
    _d = setup_inputs()
    print(jax.jit(kernel)(*tuple(_d.values())))

</pallas_src>

<mosaic_0001>
#map = affine_map<(d0, d1) -> (0, 0)>
#map1 = affine_map<(d0, d1) -> (0)>
module attributes {stable_mosaic.version = 14 : i64} {
  func.func @_sc_gather_exp(%arg0: i32, %arg1: i32, %arg2: memref<16384x200xi32, #tpu.memory_space<hbm>>, %arg3: memref<1000000xf32, #tpu.memory_space<hbm>>, %arg4: memref<3276800xf32, #tpu.memory_space<hbm>>, %arg5: memref<1000000xf32, #tpu.memory_space<vmem_shared>>, %arg6: memref<32x200xi32, #tpu.memory_space<vmem>>, %arg7: memref<32x200xi32, #tpu.memory_space<vmem>>, %arg8: memref<6400xi32, #tpu.memory_space<vmem>>, %arg9: memref<6400xi32, #tpu.memory_space<vmem>>, %arg10: memref<6400xf32, #tpu.memory_space<vmem>>, %arg11: memref<6400xf32, #tpu.memory_space<vmem>>, %arg12: memref<!tpu.dma_semaphore, #tpu.memory_space<semaphore_mem>>, %arg13: memref<!tpu.dma_semaphore, #tpu.memory_space<semaphore_mem>>, %arg14: memref<!tpu.dma_semaphore, #tpu.memory_space<semaphore_mem>>, %arg15: memref<!tpu.dma_semaphore, #tpu.memory_space<semaphore_mem>>, %arg16: memref<!tpu.dma_semaphore, #tpu.memory_space<semaphore_mem>>, %arg17: memref<!tpu.dma_semaphore, #tpu.memory_space<semaphore_mem>>, %arg18: memref<!tpu.dma_semaphore, #tpu.memory_space<semaphore_mem>>, %arg19: memref<!tpu.dma_semaphore, #tpu.memory_space<semaphore_mem>>, %arg20: memref<!tpu.dma_semaphore, #tpu.memory_space<semaphore_mem>>, %arg21: memref<!tpu.dma_semaphore, #tpu.memory_space<semaphore_mem>>) attributes {dimension_semantics = [#tpu.dimension_semantics<core_parallel>, #tpu.dimension_semantics<subcore_parallel>], iteration_bounds = array<i64: 2, 16>, scalar_prefetch = 0 : i64, scratch_operands = 17 : i64, tpu.core_type = #tpu.core_type<sc_vector_subcore>, window_params = [{transform_indices = #map}, {transform_indices = #map1}, {transform_indices = #map1}]} {
    %mul3A = arith.constant 2 : i32
    %mul3A_0 = arith.muli %arg1, %mul3A : i32
    %add3A = arith.addi %mul3A_0, %arg0 : i32
    %mul3A_1 = arith.constant 512 : i32
    %mul3A_2 = arith.muli %add3A, %mul3A_1 : i32
    %add3A_3 = arith.constant 0 : i32
    %add3A_4 = arith.addi %mul3A_2, %add3A_3 : i32
    %dma_start3A = arith.constant 0 : i32
    %dma_start3A_5 = tpu.memref_slice %arg2[%add3A_4, %dma_start3A] : memref<16384x200xi32, #tpu.memory_space<hbm>> -> memref<32x200xi32, #tpu.memory_space<hbm>>
    %dma_start3A_6 = arith.constant 0 : i32
    %dma_start3A_7 = tpu.memref_slice %arg2[%add3A_4, %dma_start3A_6] : memref<16384x200xi32, #tpu.memory_space<hbm>> -> memref<32x200xi32, #tpu.memory_space<hbm>>
    tpu.enqueue_dma source(%dma_start3A_7 : memref<32x200xi32, #tpu.memory_space<hbm>>) target(%arg6 : memref<32x200xi32, #tpu.memory_space<vmem>>) target_semaphore(%arg16 : memref<!tpu.dma_semaphore, #tpu.memory_space<semaphore_mem>>)
    %add3A_8 = arith.constant 32 : i32
    %add3A_9 = arith.addi %mul3A_2, %add3A_8 : i32
    %dma_start3A_10 = arith.constant 0 : i32
    %dma_start3A_11 = tpu.memref_slice %arg2[%add3A_9, %dma_start3A_10] : memref<16384x200xi32, #tpu.memory_space<hbm>> -> memref<32x200xi32, #tpu.memory_space<hbm>>
    %dma_start3A_12 = arith.constant 0 : i32
    %dma_start3A_13 = tpu.memref_slice %arg2[%add3A_9, %dma_start3A_12] : memref<16384x200xi32, #tpu.memory_space<hbm>> -> memref<32x200xi32, #tpu.memory_space<hbm>>
    tpu.enqueue_dma source(%dma_start3A_13 : memref<32x200xi32, #tpu.memory_space<hbm>>) target(%arg7 : memref<32x200xi32, #tpu.memory_space<vmem>>) target_semaphore(%arg17 : memref<!tpu.dma_semaphore, #tpu.memory_space<semaphore_mem>>)
    %add3A_14 = arith.constant 0 : i32
    %add3A_15 = arith.addi %arg1, %add3A_14 : i32
    %lt3A = arith.constant 250 : i32
    %lt3A_16 = arith.cmpi slt, %add3A_15, %lt3A : i32
    %convert_element_type3A = arith.extui %lt3A_16 : i1 to i32
    %cond3A = arith.constant 0 : i32
    %cond3A_17 = arith.cmpi ne, %convert_element_type3A, %cond3A : i32
    scf.if %cond3A_17 {
      %add3A_171 = arith.constant 0 : i32
      %add3A_172 = arith.addi %arg1, %add3A_171 : i32
      %mul3A_173 = arith.constant 4000 : i32
      %mul3A_174 = arith.muli %add3A_172, %mul3A_173 : i32
      %dma_start3A_175 = arith.constant 0 : i32
      %dma_start3A_176 = tpu.memref_slice %arg10[%dma_start3A_175] : memref<6400xf32, #tpu.memory_space<vmem>> -> memref<4000xf32, #tpu.memory_space<vmem>>
      %dma_start3A_177 = tpu.memref_slice %arg3[%mul3A_174] : memref<1000000xf32, #tpu.memory_space<hbm>> -> memref<4000xf32, #tpu.memory_space<hbm>>
      %dma_start3A_178 = arith.constant 0 : i32
      %dma_start3A_179 = tpu.memref_slice %arg10[%dma_start3A_178] : memref<6400xf32, #tpu.memory_space<vmem>> -> memref<4000xf32, #tpu.memory_space<vmem>>
      %dma_start3A_180 = tpu.memref_slice %arg3[%mul3A_174] : memref<1000000xf32, #tpu.memory_space<hbm>> -> memref<4000xf32, #tpu.memory_space<hbm>>
      tpu.enqueue_dma source(%dma_start3A_180 : memref<4000xf32, #tpu.memory_space<hbm>>) target(%dma_start3A_179 : memref<4000xf32, #tpu.memory_space<vmem>>) target_semaphore(%arg12 : memref<!tpu.dma_semaphore, #tpu.memory_space<semaphore_mem>>)
    } else {
    }
    %add3A_18 = arith.constant 0 : i32
    %add3A_19 = arith.addi %arg1, %add3A_18 : i32
    %lt3A_20 = arith.constant 250 : i32
    %lt3A_21 = arith.cmpi slt, %add3A_19, %lt3A_20 : i32
    %convert_element_type3A_22 = arith.extui %lt3A_21 : i1 to i32
    %cond3A_23 = arith.constant 0 : i32
    %cond3A_24 = arith.cmpi ne, %convert_element_type3A_22, %cond3A_23 : i32
    scf.if %cond3A_24 {
      %add3A_171 = arith.constant 16 : i32
      %add3A_172 = arith.addi %arg1, %add3A_171 : i32
      %lt3A_173 = arith.constant 250 : i32
      %lt3A_174 = arith.cmpi slt, %add3A_172, %lt3A_173 : i32
      %convert_element_type3A_175 = arith.extui %lt3A_174 : i1 to i32
      %cond3A_176 = arith.constant 0 : i32
      %cond3A_177 = arith.cmpi ne, %convert_element_type3A_175, %cond3A_176 : i32
      scf.if %cond3A_177 {
        %add3A_198 = arith.constant 16 : i32
        %add3A_199 = arith.addi %arg1, %add3A_198 : i32
        %mul3A_200 = arith.constant 4000 : i32
        %mul3A_201 = arith.muli %add3A_199, %mul3A_200 : i32
        %dma_start3A_202 = arith.constant 0 : i32
        %dma_start3A_203 = tpu.memref_slice %arg11[%dma_start3A_202] : memref<6400xf32, #tpu.memory_space<vmem>> -> memref<4000xf32, #tpu.memory_space<vmem>>
        %dma_start3A_204 = tpu.memref_slice %arg3[%mul3A_201] : memref<1000000xf32, #tpu.memory_space<hbm>> -> memref<4000xf32, #tpu.memory_space<hbm>>
        %dma_start3A_205 = arith.constant 0 : i32
        %dma_start3A_206 = tpu.memref_slice %arg11[%dma_start3A_205] : memref<6400xf32, #tpu.memory_space<vmem>> -> memref<4000xf32, #tpu.memory_space<vmem>>
        %dma_start3A_207 = tpu.memref_slice %arg3[%mul3A_201] : memref<1000000xf32, #tpu.memory_space<hbm>> -> memref<4000xf32, #tpu.memory_space<hbm>>
        tpu.enqueue_dma source(%dma_start3A_207 : memref<4000xf32, #tpu.memory_space<hbm>>) target(%dma_start3A_206 : memref<4000xf32, #tpu.memory_space<vmem>>) target_semaphore(%arg13 : memref<!tpu.dma_semaphore, #tpu.memory_space<semaphore_mem>>)
      } else {
      }
      %add3A_178 = arith.constant 0 : i32
      %add3A_179 = arith.addi %arg1, %add3A_178 : i32
      %mul3A_180 = arith.constant 4000 : i32
      %mul3A_181 = arith.muli %add3A_179, %mul3A_180 : i32
      %dma_wait3A_182 = arith.constant 0 : i32
      %dma_wait3A_183 = tpu.memref_slice %arg10[%dma_wait3A_182] : memref<6400xf32, #tpu.memory_space<vmem>> -> memref<4000xf32, #tpu.memory_space<vmem>>
      %dma_wait3A_184 = tpu.memref_slice %arg3[%mul3A_181] : memref<1000000xf32, #tpu.memory_space<hbm>> -> memref<4000xf32, #tpu.memory_space<hbm>>
      %dma_wait3A_185 = arith.constant 0 : i32
      %dma_wait3A_186 = tpu.memref_slice %arg10[%dma_wait3A_185] : memref<6400xf32, #tpu.memory_space<vmem>> -> memref<4000xf32, #tpu.memory_space<vmem>>
      %dma_wait3A_187 = tpu.memref_slice %arg3[%mul3A_181] : memref<1000000xf32, #tpu.memory_space<hbm>> -> memref<4000xf32, #tpu.memory_space<hbm>>
      tpu.wait_dma2 semaphore(%arg12 : memref<!tpu.dma_semaphore, #tpu.memory_space<semaphore_mem>>) src(%dma_wait3A_187 : memref<4000xf32, #tpu.memory_space<hbm>>) dst(%dma_wait3A_186 : memref<4000xf32, #tpu.memory_space<vmem>>)
      %add3A_188 = arith.constant 0 : i32
      %add3A_189 = arith.addi %arg1, %add3A_188 : i32
      %mul3A_190 = arith.constant 4000 : i32
      %mul3A_191 = arith.muli %add3A_189, %mul3A_190 : i32
      %dma_start3A_192 = arith.constant 0 : i32
      %dma_start3A_193 = tpu.memref_slice %arg10[%dma_start3A_192] : memref<6400xf32, #tpu.memory_space<vmem>> -> memref<4000xf32, #tpu.memory_space<vmem>>
      %dma_start3A_194 = tpu.memref_slice %arg5[%mul3A_191] : memref<1000000xf32, #tpu.memory_space<vmem_shared>> -> memref<4000xf32, #tpu.memory_space<vmem_shared>>
      %dma_start3A_195 = tpu.memref_slice %arg5[%mul3A_191] : memref<1000000xf32, #tpu.memory_space<vmem_shared>> -> memref<4000xf32, #tpu.memory_space<vmem_shared>>
      %dma_start3A_196 = arith.constant 0 : i32
      %dma_start3A_197 = tpu.memref_slice %arg10[%dma_start3A_196] : memref<6400xf32, #tpu.memory_space<vmem>> -> memref<4000xf32, #tpu.memory_space<vmem>>
      tpu.enqueue_dma source(%dma_start3A_197 : memref<4000xf32, #tpu.memory_space<vmem>>) target(%dma_start3A_195 : memref<4000xf32, #tpu.memory_space<vmem_shared>>) target_semaphore(%arg14 : memref<!tpu.dma_semaphore, #tpu.memory_space<semaphore_mem>>)
    } else {
    }
    %add3A_25 = arith.constant 16 : i32
    %add3A_26 = arith.addi %arg1, %add3A_25 : i32
    %lt3A_27 = arith.constant 250 : i32
    %lt3A_28 = arith.cmpi slt, %add3A_26, %lt3A_27 : i32
    %convert_element_type3A_29 = arith.extui %lt3A_28 : i1 to i32
    %cond3A_30 = arith.constant 0 : i32
    %cond3A_31 = arith.cmpi ne, %convert_element_type3A_29, %cond3A_30 : i32
    scf.if %cond3A_31 {
      %add3A_171 = arith.constant 0 : i32
      %add3A_172 = arith.addi %arg1, %add3A_171 : i32
      %mul3A_173 = arith.constant 4000 : i32
      %mul3A_174 = arith.muli %add3A_172, %mul3A_173 : i32
      %dma_wait3A_175 = arith.constant 0 : i32
      %dma_wait3A_176 = tpu.memref_slice %arg10[%dma_wait3A_175] : memref<6400xf32, #tpu.memory_space<vmem>> -> memref<4000xf32, #tpu.memory_space<vmem>>
      %dma_wait3A_177 = tpu.memref_slice %arg5[%mul3A_174] : memref<1000000xf32, #tpu.memory_space<vmem_shared>> -> memref<4000xf32, #tpu.memory_space<vmem_shared>>
      %dma_wait3A_178 = tpu.memref_slice %arg5[%mul3A_174] : memref<1000000xf32, #tpu.memory_space<vmem_shared>> -> memref<4000xf32, #tpu.memory_space<vmem_shared>>
      %dma_wait3A_179 = arith.constant 0 : i32
      %dma_wait3A_180 = tpu.memref_slice %arg10[%dma_wait3A_179] : memref<6400xf32, #tpu.memory_space<vmem>> -> memref<4000xf32, #tpu.memory_space<vmem>>
      tpu.wait_dma2 semaphore(%arg14 : memref<!tpu.dma_semaphore, #tpu.memory_space<semaphore_mem>>) src(%dma_wait3A_180 : memref<4000xf32, #tpu.memory_space<vmem>>) dst(%dma_wait3A_178 : memref<4000xf32, #tpu.memory_space<vmem_shared>>)
      %add3A_181 = arith.constant 32 : i32
      %add3A_182 = arith.addi %arg1, %add3A_181 : i32
      %lt3A_183 = arith.constant 250 : i32
      %lt3A_184 = arith.cmpi slt, %add3A_182, %lt3A_183 : i32
      %convert_element_type3A_185 = arith.extui %lt3A_184 : i1 to i32
      %cond3A_186 = arith.constant 0 : i32
      %cond3A_187 = arith.cmpi ne, %convert_element_type3A_185, %cond3A_186 : i32
      scf.if %cond3A_187 {
        %add3A_208 = arith.constant 32 : i32
        %add3A_209 = arith.addi %arg1, %add3A_208 : i32
        %mul3A_210 = arith.constant 4000 : i32
        %mul3A_211 = arith.muli %add3A_209, %mul3A_210 : i32
        %dma_start3A_212 = arith.constant 0 : i32
        %dma_start3A_213 = tpu.memref_slice %arg10[%dma_start3A_212] : memref<6400xf32, #tpu.memory_space<vmem>> -> memref<4000xf32, #tpu.memory_space<vmem>>
        %dma_start3A_214 = tpu.memref_slice %arg3[%mul3A_211] : memref<1000000xf32, #tpu.memory_space<hbm>> -> memref<4000xf32, #tpu.memory_space<hbm>>
        %dma_start3A_215 = arith.constant 0 : i32
        %dma_start3A_216 = tpu.memref_slice %arg10[%dma_start3A_215] : memref<6400xf32, #tpu.memory_space<vmem>> -> memref<4000xf32, #tpu.memory_space<vmem>>
        %dma_start3A_217 = tpu.memref_slice %arg3[%mul3A_211] : memref<1000000xf32, #tpu.memory_space<hbm>> -> memref<4000xf32, #tpu.memory_space<hbm>>
        tpu.enqueue_dma source(%dma_start3A_217 : memref<4000xf32, #tpu.memory_space<hbm>>) target(%dma_start3A_216 : memref<4000xf32, #tpu.memory_space<vmem>>) target_semaphore(%arg12 : memref<!tpu.dma_semaphore, #tpu.memory_space<semaphore_mem>>)
      } else {
      }
      %add3A_188 = arith.constant 16 : i32
      %add3A_189 = arith.addi %arg1, %add3A_188 : i32
      %mul3A_190 = arith.constant 4000 : i32
      %mul3A_191 = arith.muli %add3A_189, %mul3A_190 : i32
      %dma_wait3A_192 = arith.constant 0 : i32
      %dma_wait3A_193 = tpu.memref_slice %arg11[%dma_wait3A_192] : memref<6400xf32, #tpu.memory_space<vmem>> -> memref<4000xf32, #tpu.memory_space<vmem>>
      %dma_wait3A_194 = tpu.memref_slice %arg3[%mul3A_191] : memref<1000000xf32, #tpu.memory_space<hbm>> -> memref<4000xf32, #tpu.memory_space<hbm>>
      %dma_wait3A_195 = arith.constant 0 : i32
      %dma_wait3A_196 = tpu.memref_slice %arg11[%dma_wait3A_195] : memref<6400xf32, #tpu.memory_space<vmem>> -> memref<4000xf32, #tpu.memory_space<vmem>>
      %dma_wait3A_197 = tpu.memref_slice %arg3[%mul3A_191] : memref<1000000xf32, #tpu.memory_space<hbm>> -> memref<4000xf32, #tpu.memory_space<hbm>>
      tpu.wait_dma2 semaphore(%arg13 : memref<!tpu.dma_semaphore, #tpu.memory_space<semaphore_mem>>) src(%dma_wait3A_197 : memref<4000xf32, #tpu.memory_space<hbm>>) dst(%dma_wait3A_196 : memref<4000xf32, #tpu.memory_space<vmem>>)
      %add3A_198 = arith.constant 16 : i32
      %add3A_199 = arith.addi %arg1, %add3A_198 : i32
      %mul3A_200 = arith.constant 4000 : i32
      %mul3A_201 = arith.muli %add3A_199, %mul3A_200 : i32
      %dma_start3A_202 = arith.constant 0 : i32
      %dma_start3A_203 = tpu.memref_slice %arg11[%dma_start3A_202] : memref<6400xf32, #tpu.memory_space<vmem>> -> memref<4000xf32, #tpu.memory_space<vmem>>
      %dma_start3A_204 = tpu.memref_slice %arg5[%mul3A_201] : memref<1000000xf32, #tpu.memory_space<vmem_shared>> -> memref<4000xf32, #tpu.memory_space<vmem_shared>>
      %dma_start3A_205 = tpu.memref_slice %arg5[%mul3A_201] : memref<1000000xf32, #tpu.memory_space<vmem_shared>> -> memref<4000xf32, #tpu.memory_space<vmem_shared>>
      %dma_start3A_206 = arith.constant 0 : i32
      %dma_start3A_207 = tpu.memref_slice %arg11[%dma_start3A_206] : memref<6400xf32, #tpu.memory_space<vmem>> -> memref<4000xf32, #tpu.memory_space<vmem>>
      tpu.enqueue_dma source(%dma_start3A_207 : memref<4000xf32, #tpu.memory_space<vmem>>) target(%dma_start3A_205 : memref<4000xf32, #tpu.memory_space<vmem_shared>>) target_semaphore(%arg15 : memref<!tpu.dma_semaphore, #tpu.memory_space<semaphore_mem>>)
    } else {
    }
    %add3A_32 = arith.constant 32 : i32
    %add3A_33 = arith.addi %arg1, %add3A_32 : i32
    %lt3A_34 = arith.constant 250 : i32
    %lt3A_35 = arith.cmpi slt, %add3A_33, %lt3A_34 : i32
    %convert_element_type3A_36 = arith.extui %lt3A_35 : i1 to i32
    %cond3A_37 = arith.constant 0 : i32
    %cond3A_38 = arith.cmpi ne, %convert_element_type3A_36, %cond3A_37 : i32
    scf.if %cond3A_38 {
      %add3A_171 = arith.constant 16 : i32
      %add3A_172 = arith.addi %arg1, %add3A_171 : i32
      %mul3A_173 = arith.constant 4000 : i32
      %mul3A_174 = arith.muli %add3A_172, %mul3A_173 : i32
      %dma_wait3A_175 = arith.constant 0 : i32
      %dma_wait3A_176 = tpu.memref_slice %arg11[%dma_wait3A_175] : memref<6400xf32, #tpu.memory_space<vmem>> -> memref<4000xf32, #tpu.memory_space<vmem>>
      %dma_wait3A_177 = tpu.memref_slice %arg5[%mul3A_174] : memref<1000000xf32, #tpu.memory_space<vmem_shared>> -> memref<4000xf32, #tpu.memory_space<vmem_shared>>
      %dma_wait3A_178 = tpu.memref_slice %arg5[%mul3A_174] : memref<1000000xf32, #tpu.memory_space<vmem_shared>> -> memref<4000xf32, #tpu.memory_space<vmem_shared>>
      %dma_wait3A_179 = arith.constant 0 : i32
      %dma_wait3A_180 = tpu.memref_slice %arg11[%dma_wait3A_179] : memref<6400xf32, #tpu.memory_space<vmem>> -> memref<4000xf32, #tpu.memory_space<vmem>>
      tpu.wait_dma2 semaphore(%arg15 : memref<!tpu.dma_semaphore, #tpu.memory_space<semaphore_mem>>) src(%dma_wait3A_180 : memref<4000xf32, #tpu.memory_space<vmem>>) dst(%dma_wait3A_178 : memref<4000xf32, #tpu.memory_space<vmem_shared>>)
      %add3A_181 = arith.constant 48 : i32
      %add3A_182 = arith.addi %arg1, %add3A_181 : i32
      %lt3A_183 = arith.constant 250 : i32
      %lt3A_184 = arith.cmpi slt, %add3A_182, %lt3A_183 : i32
      %convert_element_type3A_185 = arith.extui %lt3A_184 : i1 to i32
      %cond3A_186 = arith.constant 0 : i32
      %cond3A_187 = arith.cmpi ne, %convert_element_type3A_185, %cond3A_186 : i32
      scf.if %cond3A_187 {
        %add3A_208 = arith.constant 48 : i32
        %add3A_209 = arith.addi %arg1, %add3A_208 : i32
        %mul3A_210 = arith.constant 4000 : i32
        %mul3A_211 = arith.muli %add3A_209, %mul3A_210 : i32
        %dma_start3A_212 = arith.constant 0 : i32
        %dma_start3A_213 = tpu.memref_slice %arg11[%dma_start3A_212] : memref<6400xf32, #tpu.memory_space<vmem>> -> memref<4000xf32, #tpu.memory_space<vmem>>
        %dma_start3A_214 = tpu.memref_slice %arg3[%mul3A_211] : memref<1000000xf32, #tpu.memory_space<hbm>> -> memref<4000xf32, #tpu.memory_space<hbm>>
        %dma_start3A_215 = arith.constant 0 : i32
        %dma_start3A_216 = tpu.memref_slice %arg11[%dma_start3A_215] : memref<6400xf32, #tpu.memory_space<vmem>> -> memref<4000xf32, #tpu.memory_space<vmem>>
        %dma_start3A_217 = tpu.memref_slice %arg3[%mul3A_211] : memref<1000000xf32, #tpu.memory_space<hbm>> -> memref<4000xf32, #tpu.memory_space<hbm>>
        tpu.enqueue_dma source(%dma_start3A_217 : memref<4000xf32, #tpu.memory_space<hbm>>) target(%dma_start3A_216 : memref<4000xf32, #tpu.memory_space<vmem>>) target_semaphore(%arg13 : memref<!tpu.dma_semaphore, #tpu.memory_space<semaphore_mem>>)
      } else {
      }
      %add3A_188 = arith.constant 32 : i32
      %add3A_189 = arith.addi %arg1, %add3A_188 : i32
      %mul3A_190 = arith.constant 4000 : i32
      %mul3A_191 = arith.muli %add3A_189, %mul3A_190 : i32
      %dma_wait3A_192 = arith.constant 0 : i32
      %dma_wait3A_193 = tpu.memref_slice %arg10[%dma_wait3A_192] : memref<6400xf32, #tpu.memory_space<vmem>> -> memref<4000xf32, #tpu.memory_space<vmem>>
      %dma_wait3A_194 = tpu.memref_slice %arg3[%mul3A_191] : memref<1000000xf32, #tpu.memory_space<hbm>> -> memref<4000xf32, #tpu.memory_space<hbm>>
      %dma_wait3A_195 = arith.constant 0 : i32
      %dma_wait3A_196 = tpu.memref_slice %arg10[%dma_wait3A_195] : memref<6400xf32, #tpu.memory_space<vmem>> -> memref<4000xf32, #tpu.memory_space<vmem>>
      %dma_wait3A_197 = tpu.memref_slice %arg3[%mul3A_191] : memref<1000000xf32, #tpu.memory_space<hbm>> -> memref<4000xf32, #tpu.memory_space<hbm>>
      tpu.wait_dma2 semaphore(%arg12 : memref<!tpu.dma_semaphore, #tpu.memory_space<semaphore_mem>>) src(%dma_wait3A_197 : memref<4000xf32, #tpu.memory_space<hbm>>) dst(%dma_wait3A_196 : memref<4000xf32, #tpu.memory_space<vmem>>)
      %add3A_198 = arith.constant 32 : i32
      %add3A_199 = arith.addi %arg1, %add3A_198 : i32
      %mul3A_200 = arith.constant 4000 : i32
      %mul3A_201 = arith.muli %add3A_199, %mul3A_200 : i32
      %dma_start3A_202 = arith.constant 0 : i32
      %dma_start3A_203 = tpu.memref_slice %arg10[%dma_start3A_202] : memref<6400xf32, #tpu.memory_space<vmem>> -> memref<4000xf32, #tpu.memory_space<vmem>>
      %dma_start3A_204 = tpu.memref_slice %arg5[%mul3A_201] : memref<1000000xf32, #tpu.memory_space<vmem_shared>> -> memref<4000xf32, #tpu.memory_space<vmem_shared>>
      %dma_start3A_205 = tpu.memref_slice %arg5[%mul3A_201] : memref<1000000xf32, #tpu.memory_space<vmem_shared>> -> memref<4000xf32, #tpu.memory_space<vmem_shared>>
      %dma_start3A_206 = arith.constant 0 : i32
      %dma_start3A_207 = tpu.memref_slice %arg10[%dma_start3A_206] : memref<6400xf32, #tpu.memory_space<vmem>> -> memref<4000xf32, #tpu.memory_space<vmem>>
      tpu.enqueue_dma source(%dma_start3A_207 : memref<4000xf32, #tpu.memory_space<vmem>>) target(%dma_start3A_205 : memref<4000xf32, #tpu.memory_space<vmem_shared>>) target_semaphore(%arg14 : memref<!tpu.dma_semaphore, #tpu.memory_space<semaphore_mem>>)
    } else {
    }
    %add3A_39 = arith.constant 48 : i32
    %add3A_40 = arith.addi %arg1, %add3A_39 : i32
    %lt3A_41 = arith.constant 250 : i32
    %lt3A_42 = arith.cmpi slt, %add3A_40, %lt3A_41 : i32
    %convert_element_type3A_43 = arith.extui %lt3A_42 : i1 to i32
    %cond3A_44 = arith.constant 0 : i32
    %cond3A_45 = arith.cmpi ne, %convert_element_type3A_43, %cond3A_44 : i32
    scf.if %cond3A_45 {
      %add3A_171 = arith.constant 32 : i32
      %add3A_172 = arith.addi %arg1, %add3A_171 : i32
      %mul3A_173 = arith.constant 4000 : i32
      %mul3A_174 = arith.muli %add3A_172, %mul3A_173 : i32
      %dma_wait3A_175 = arith.constant 0 : i32
      %dma_wait3A_176 = tpu.memref_slice %arg10[%dma_wait3A_175] : memref<6400xf32, #tpu.memory_space<vmem>> -> memref<4000xf32, #tpu.memory_space<vmem>>
      %dma_wait3A_177 = tpu.memref_slice %arg5[%mul3A_174] : memref<1000000xf32, #tpu.memory_space<vmem_shared>> -> memref<4000xf32, #tpu.memory_space<vmem_shared>>
      %dma_wait3A_178 = tpu.memref_slice %arg5[%mul3A_174] : memref<1000000xf32, #tpu.memory_space<vmem_shared>> -> memref<4000xf32, #tpu.memory_space<vmem_shared>>
      %dma_wait3A_179 = arith.constant 0 : i32
      %dma_wait3A_180 = tpu.memref_slice %arg10[%dma_wait3A_179] : memref<6400xf32, #tpu.memory_space<vmem>> -> memref<4000xf32, #tpu.memory_space<vmem>>
      tpu.wait_dma2 semaphore(%arg14 : memref<!tpu.dma_semaphore, #tpu.memory_space<semaphore_mem>>) src(%dma_wait3A_180 : memref<4000xf32, #tpu.memory_space<vmem>>) dst(%dma_wait3A_178 : memref<4000xf32, #tpu.memory_space<vmem_shared>>)
      %add3A_181 = arith.constant 64 : i32
      %add3A_182 = arith.addi %arg1, %add3A_181 : i32
      %lt3A_183 = arith.constant 250 : i32
      %lt3A_184 = arith.cmpi slt, %add3A_182, %lt3A_183 : i32
      %convert_element_type3A_185 = arith.extui %lt3A_184 : i1 to i32
      %cond3A_186 = arith.constant 0 : i32
      %cond3A_187 = arith.cmpi ne, %convert_element_type3A_185, %cond3A_186 : i32
      scf.if %cond3A_187 {
        %add3A_208 = arith.constant 64 : i32
        %add3A_209 = arith.addi %arg1, %add3A_208 : i32
        %mul3A_210 = arith.constant 4000 : i32
        %mul3A_211 = arith.muli %add3A_209, %mul3A_210 : i32
        %dma_start3A_212 = arith.constant 0 : i32
        %dma_start3A_213 = tpu.memref_slice %arg10[%dma_start3A_212] : memref<6400xf32, #tpu.memory_space<vmem>> -> memref<4000xf32, #tpu.memory_space<vmem>>
        %dma_start3A_214 = tpu.memref_slice %arg3[%mul3A_211] : memref<1000000xf32, #tpu.memory_space<hbm>> -> memref<4000xf32, #tpu.memory_space<hbm>>
        %dma_start3A_215 = arith.constant 0 : i32
        %dma_start3A_216 = tpu.memref_slice %arg10[%dma_start3A_215] : memref<6400xf32, #tpu.memory_space<vmem>> -> memref<4000xf32, #tpu.memory_space<vmem>>
        %dma_start3A_217 = tpu.memref_slice %arg3[%mul3A_211] : memref<1000000xf32, #tpu.memory_space<hbm>> -> memref<4000xf32, #tpu.memory_space<hbm>>
        tpu.enqueue_dma source(%dma_start3A_217 : memref<4000xf32, #tpu.memory_space<hbm>>) target(%dma_start3A_216 : memref<4000xf32, #tpu.memory_space<vmem>>) target_semaphore(%arg12 : memref<!tpu.dma_semaphore, #tpu.memory_space<semaphore_mem>>)
      } else {
      }
      %add3A_188 = arith.constant 48 : i32
      %add3A_189 = arith.addi %arg1, %add3A_188 : i32
      %mul3A_190 = arith.constant 4000 : i32
      %mul3A_191 = arith.muli %add3A_189, %mul3A_190 : i32
      %dma_wait3A_192 = arith.constant 0 : i32
      %dma_wait3A_193 = tpu.memref_slice %arg11[%dma_wait3A_192] : memref<6400xf32, #tpu.memory_space<vmem>> -> memref<4000xf32, #tpu.memory_space<vmem>>
      %dma_wait3A_194 = tpu.memref_slice %arg3[%mul3A_191] : memref<1000000xf32, #tpu.memory_space<hbm>> -> memref<4000xf32, #tpu.memory_space<hbm>>
      %dma_wait3A_195 = arith.constant 0 : i32
      %dma_wait3A_196 = tpu.memref_slice %arg11[%dma_wait3A_195] : memref<6400xf32, #tpu.memory_space<vmem>> -> memref<4000xf32, #tpu.memory_space<vmem>>
      %dma_wait3A_197 = tpu.memref_slice %arg3[%mul3A_191] : memref<1000000xf32, #tpu.memory_space<hbm>> -> memref<4000xf32, #tpu.memory_space<hbm>>
      tpu.wait_dma2 semaphore(%arg13 : memref<!tpu.dma_semaphore, #tpu.memory_space<semaphore_mem>>) src(%dma_wait3A_197 : memref<4000xf32, #tpu.memory_space<hbm>>) dst(%dma_wait3A_196 : memref<4000xf32, #tpu.memory_space<vmem>>)
      %add3A_198 = arith.constant 48 : i32
      %add3A_199 = arith.addi %arg1, %add3A_198 : i32
      %mul3A_200 = arith.constant 4000 : i32
      %mul3A_201 = arith.muli %add3A_199, %mul3A_200 : i32
      %dma_start3A_202 = arith.constant 0 : i32
      %dma_start3A_203 = tpu.memref_slice %arg11[%dma_start3A_202] : memref<6400xf32, #tpu.memory_space<vmem>> -> memref<4000xf32, #tpu.memory_space<vmem>>
      %dma_start3A_204 = tpu.memref_slice %arg5[%mul3A_201] : memref<1000000xf32, #tpu.memory_space<vmem_shared>> -> memref<4000xf32, #tpu.memory_space<vmem_shared>>
      %dma_start3A_205 = tpu.memref_slice %arg5[%mul3A_201] : memref<1000000xf32, #tpu.memory_space<vmem_shared>> -> memref<4000xf32, #tpu.memory_space<vmem_shared>>
      %dma_start3A_206 = arith.constant 0 : i32
      %dma_start3A_207 = tpu.memref_slice %arg11[%dma_start3A_206] : memref<6400xf32, #tpu.memory_space<vmem>> -> memref<4000xf32, #tpu.memory_space<vmem>>
      tpu.enqueue_dma source(%dma_start3A_207 : memref<4000xf32, #tpu.memory_space<vmem>>) target(%dma_start3A_205 : memref<4000xf32, #tpu.memory_space<vmem_shared>>) target_semaphore(%arg15 : memref<!tpu.dma_semaphore, #tpu.memory_space<semaphore_mem>>)
    } else {
    }
    %add3A_46 = arith.constant 64 : i32
    %add3A_47 = arith.addi %arg1, %add3A_46 : i32
    %lt3A_48 = arith.constant 250 : i32
    %lt3A_49 = arith.cmpi slt, %add3A_47, %lt3A_48 : i32
    %convert_element_type3A_50 = arith.extui %lt3A_49 : i1 to i32
    %cond3A_51 = arith.constant 0 : i32
    %cond3A_52 = arith.cmpi ne, %convert_element_type3A_50, %cond3A_51 : i32
    scf.if %cond3A_52 {
      %add3A_171 = arith.constant 48 : i32
      %add3A_172 = arith.addi %arg1, %add3A_171 : i32
      %mul3A_173 = arith.constant 4000 : i32
      %mul3A_174 = arith.muli %add3A_172, %mul3A_173 : i32
      %dma_wait3A_175 = arith.constant 0 : i32
      %dma_wait3A_176 = tpu.memref_slice %arg11[%dma_wait3A_175] : memref<6400xf32, #tpu.memory_space<vmem>> -> memref<4000xf32, #tpu.memory_space<vmem>>
      %dma_wait3A_177 = tpu.memref_slice %arg5[%mul3A_174] : memref<1000000xf32, #tpu.memory_space<vmem_shared>> -> memref<4000xf32, #tpu.memory_space<vmem_shared>>
      %dma_wait3A_178 = tpu.memref_slice %arg5[%mul3A_174] : memref<1000000xf32, #tpu.memory_space<vmem_shared>> -> memref<4000xf32, #tpu.memory_space<vmem_shared>>
      %dma_wait3A_179 = arith.constant 0 : i32
      %dma_wait3A_180 = tpu.memref_slice %arg11[%dma_wait3A_179] : memref<6400xf32, #tpu.memory_space<vmem>> -> memref<4000xf32, #tpu.memory_space<vmem>>
      tpu.wait_dma2 semaphore(%arg15 : memref<!tpu.dma_semaphore, #tpu.memory_space<semaphore_mem>>) src(%dma_wait3A_180 : memref<4000xf32, #tpu.memory_space<vmem>>) dst(%dma_wait3A_178 : memref<4000xf32, #tpu.memory_space<vmem_shared>>)
      %add3A_181 = arith.constant 80 : i32
      %add3A_182 = arith.addi %arg1, %add3A_181 : i32
      %lt3A_183 = arith.constant 250 : i32
      %lt3A_184 = arith.cmpi slt, %add3A_182, %lt3A_183 : i32
      %convert_element_type3A_185 = arith.extui %lt3A_184 : i1 to i32
      %cond3A_186 = arith.constant 0 : i32
      %cond3A_187 = arith.cmpi ne, %convert_element_type3A_185, %cond3A_186 : i32
      scf.if %cond3A_187 {
        %add3A_208 = arith.constant 80 : i32
        %add3A_209 = arith.addi %arg1, %add3A_208 : i32
        %mul3A_210 = arith.constant 4000 : i32
        %mul3A_211 = arith.muli %add3A_209, %mul3A_210 : i32
        %dma_start3A_212 = arith.constant 0 : i32
        %dma_start3A_213 = tpu.memref_slice %arg11[%dma_start3A_212] : memref<6400xf32, #tpu.memory_space<vmem>> -> memref<4000xf32, #tpu.memory_space<vmem>>
        %dma_start3A_214 = tpu.memref_slice %arg3[%mul3A_211] : memref<1000000xf32, #tpu.memory_space<hbm>> -> memref<4000xf32, #tpu.memory_space<hbm>>
        %dma_start3A_215 = arith.constant 0 : i32
        %dma_start3A_216 = tpu.memref_slice %arg11[%dma_start3A_215] : memref<6400xf32, #tpu.memory_space<vmem>> -> memref<4000xf32, #tpu.memory_space<vmem>>
        %dma_start3A_217 = tpu.memref_slice %arg3[%mul3A_211] : memref<1000000xf32, #tpu.memory_space<hbm>> -> memref<4000xf32, #tpu.memory_space<hbm>>
        tpu.enqueue_dma source(%dma_start3A_217 : memref<4000xf32, #tpu.memory_space<hbm>>) target(%dma_start3A_216 : memref<4000xf32, #tpu.memory_space<vmem>>) target_semaphore(%arg13 : memref<!tpu.dma_semaphore, #tpu.memory_space<semaphore_mem>>)
      } else {
      }
      %add3A_188 = arith.constant 64 : i32
      %add3A_189 = arith.addi %arg1, %add3A_188 : i32
      %mul3A_190 = arith.constant 4000 : i32
      %mul3A_191 = arith.muli %add3A_189, %mul3A_190 : i32
      %dma_wait3A_192 = arith.constant 0 : i32
      %dma_wait3A_193 = tpu.memref_slice %arg10[%dma_wait3A_192] : memref<6400xf32, #tpu.memory_space<vmem>> -> memref<4000xf32, #tpu.memory_space<vmem>>
      %dma_wait3A_194 = tpu.memref_slice %arg3[%mul3A_191] : memref<1000000xf32, #tpu.memory_space<hbm>> -> memref<4000xf32, #tpu.memory_space<hbm>>
      %dma_wait3A_195 = arith.constant 0 : i32
      %dma_wait3A_196 = tpu.memref_slice %arg10[%dma_wait3A_195] : memref<6400xf32, #tpu.memory_space<vmem>> -> memref<4000xf32, #tpu.memory_space<vmem>>
      %dma_wait3A_197 = tpu.memref_slice %arg3[%mul3A_191] : memref<1000000xf32, #tpu.memory_space<hbm>> -> memref<4000xf32, #tpu.memory_space<hbm>>
      tpu.wait_dma2 semaphore(%arg12 : memref<!tpu.dma_semaphore, #tpu.memory_space<semaphore_mem>>) src(%dma_wait3A_197 : memref<4000xf32, #tpu.memory_space<hbm>>) dst(%dma_wait3A_196 : memref<4000xf32, #tpu.memory_space<vmem>>)
      %add3A_198 = arith.constant 64 : i32
      %add3A_199 = arith.addi %arg1, %add3A_198 : i32
      %mul3A_200 = arith.constant 4000 : i32
      %mul3A_201 = arith.muli %add3A_199, %mul3A_200 : i32
      %dma_start3A_202 = arith.constant 0 : i32
      %dma_start3A_203 = tpu.memref_slice %arg10[%dma_start3A_202] : memref<6400xf32, #tpu.memory_space<vmem>> -> memref<4000xf32, #tpu.memory_space<vmem>>
      %dma_start3A_204 = tpu.memref_slice %arg5[%mul3A_201] : memref<1000000xf32, #tpu.memory_space<vmem_shared>> -> memref<4000xf32, #tpu.memory_space<vmem_shared>>
      %dma_start3A_205 = tpu.memref_slice %arg5[%mul3A_201] : memref<1000000xf32, #tpu.memory_space<vmem_shared>> -> memref<4000xf32, #tpu.memory_space<vmem_shared>>
      %dma_start3A_206 = arith.constant 0 : i32
      %dma_start3A_207 = tpu.memref_slice %arg10[%dma_start3A_206] : memref<6400xf32, #tpu.memory_space<vmem>> -> memref<4000xf32, #tpu.memory_space<vmem>>
      tpu.enqueue_dma source(%dma_start3A_207 : memref<4000xf32, #tpu.memory_space<vmem>>) target(%dma_start3A_205 : memref<4000xf32, #tpu.memory_space<vmem_shared>>) target_semaphore(%arg14 : memref<!tpu.dma_semaphore, #tpu.memory_space<semaphore_mem>>)
    } else {
    }
    %add3A_53 = arith.constant 80 : i32
    %add3A_54 = arith.addi %arg1, %add3A_53 : i32
    %lt3A_55 = arith.constant 250 : i32
    %lt3A_56 = arith.cmpi slt, %add3A_54, %lt3A_55 : i32
    %convert_element_type3A_57 = arith.extui %lt3A_56 : i1 to i32
    %cond3A_58 = arith.constant 0 : i32
    %cond3A_59 = arith.cmpi ne, %convert_element_type3A_57, %cond3A_58 : i32
    scf.if %cond3A_59 {
      %add3A_171 = arith.constant 64 : i32
      %add3A_172 = arith.addi %arg1, %add3A_171 : i32
      %mul3A_173 = arith.constant 4000 : i32
      %mul3A_174 = arith.muli %add3A_172, %mul3A_173 : i32
      %dma_wait3A_175 = arith.constant 0 : i32
      %dma_wait3A_176 = tpu.memref_slice %arg10[%dma_wait3A_175] : memref<6400xf32, #tpu.memory_space<vmem>> -> memref<4000xf32, #tpu.memory_space<vmem>>
      %dma_wait3A_177 = tpu.memref_slice %arg5[%mul3A_174] : memref<1000000xf32, #tpu.memory_space<vmem_shared>> -> memref<4000xf32, #tpu.memory_space<vmem_shared>>
      %dma_wait3A_178 = tpu.memref_slice %arg5[%mul3A_174] : memref<1000000xf32, #tpu.memory_space<vmem_shared>> -> memref<4000xf32, #tpu.memory_space<vmem_shared>>
      %dma_wait3A_179 = arith.constant 0 : i32
      %dma_wait3A_180 = tpu.memref_slice %arg10[%dma_wait3A_179] : memref<6400xf32, #tpu.memory_space<vmem>> -> memref<4000xf32, #tpu.memory_space<vmem>>
      tpu.wait_dma2 semaphore(%arg14 : memref<!tpu.dma_semaphore, #tpu.memory_space<semaphore_mem>>) src(%dma_wait3A_180 : memref<4000xf32, #tpu.memory_space<vmem>>) dst(%dma_wait3A_178 : memref<4000xf32, #tpu.memory_space<vmem_shared>>)
      %add3A_181 = arith.constant 96 : i32
      %add3A_182 = arith.addi %arg1, %add3A_181 : i32
      %lt3A_183 = arith.constant 250 : i32
      %lt3A_184 = arith.cmpi slt, %add3A_182, %lt3A_183 : i32
      %convert_element_type3A_185 = arith.extui %lt3A_184 : i1 to i32
      %cond3A_186 = arith.constant 0 : i32
      %cond3A_187 = arith.cmpi ne, %convert_element_type3A_185, %cond3A_186 : i32
      scf.if %cond3A_187 {
        %add3A_208 = arith.constant 96 : i32
        %add3A_209 = arith.addi %arg1, %add3A_208 : i32
        %mul3A_210 = arith.constant 4000 : i32
        %mul3A_211 = arith.muli %add3A_209, %mul3A_210 : i32
        %dma_start3A_212 = arith.constant 0 : i32
        %dma_start3A_213 = tpu.memref_slice %arg10[%dma_start3A_212] : memref<6400xf32, #tpu.memory_space<vmem>> -> memref<4000xf32, #tpu.memory_space<vmem>>
        %dma_start3A_214 = tpu.memref_slice %arg3[%mul3A_211] : memref<1000000xf32, #tpu.memory_space<hbm>> -> memref<4000xf32, #tpu.memory_space<hbm>>
        %dma_start3A_215 = arith.constant 0 : i32
        %dma_start3A_216 = tpu.memref_slice %arg10[%dma_start3A_215] : memref<6400xf32, #tpu.memory_space<vmem>> -> memref<4000xf32, #tpu.memory_space<vmem>>
        %dma_start3A_217 = tpu.memref_slice %arg3[%mul3A_211] : memref<1000000xf32, #tpu.memory_space<hbm>> -> memref<4000xf32, #tpu.memory_space<hbm>>
        tpu.enqueue_dma source(%dma_start3A_217 : memref<4000xf32, #tpu.memory_space<hbm>>) target(%dma_start3A_216 : memref<4000xf32, #tpu.memory_space<vmem>>) target_semaphore(%arg12 : memref<!tpu.dma_semaphore, #tpu.memory_space<semaphore_mem>>)
      } else {
      }
      %add3A_188 = arith.constant 80 : i32
      %add3A_189 = arith.addi %arg1, %add3A_188 : i32
      %mul3A_190 = arith.constant 4000 : i32
      %mul3A_191 = arith.muli %add3A_189, %mul3A_190 : i32
      %dma_wait3A_192 = arith.constant 0 : i32
      %dma_wait3A_193 = tpu.memref_slice %arg11[%dma_wait3A_192] : memref<6400xf32, #tpu.memory_space<vmem>> -> memref<4000xf32, #tpu.memory_space<vmem>>
      %dma_wait3A_194 = tpu.memref_slice %arg3[%mul3A_191] : memref<1000000xf32, #tpu.memory_space<hbm>> -> memref<4000xf32, #tpu.memory_space<hbm>>
      %dma_wait3A_195 = arith.constant 0 : i32
      %dma_wait3A_196 = tpu.memref_slice %arg11[%dma_wait3A_195] : memref<6400xf32, #tpu.memory_space<vmem>> -> memref<4000xf32, #tpu.memory_space<vmem>>
      %dma_wait3A_197 = tpu.memref_slice %arg3[%mul3A_191] : memref<1000000xf32, #tpu.memory_space<hbm>> -> memref<4000xf32, #tpu.memory_space<hbm>>
      tpu.wait_dma2 semaphore(%arg13 : memref<!tpu.dma_semaphore, #tpu.memory_space<semaphore_mem>>) src(%dma_wait3A_197 : memref<4000xf32, #tpu.memory_space<hbm>>) dst(%dma_wait3A_196 : memref<4000xf32, #tpu.memory_space<vmem>>)
      %add3A_198 = arith.constant 80 : i32
      %add3A_199 = arith.addi %arg1, %add3A_198 : i32
      %mul3A_200 = arith.constant 4000 : i32
      %mul3A_201 = arith.muli %add3A_199, %mul3A_200 : i32
      %dma_start3A_202 = arith.constant 0 : i32
      %dma_start3A_203 = tpu.memref_slice %arg11[%dma_start3A_202] : memref<6400xf32, #tpu.memory_space<vmem>> -> memref<4000xf32, #tpu.memory_space<vmem>>
      %dma_start3A_204 = tpu.memref_slice %arg5[%mul3A_201] : memref<1000000xf32, #tpu.memory_space<vmem_shared>> -> memref<4000xf32, #tpu.memory_space<vmem_shared>>
      %dma_start3A_205 = tpu.memref_slice %arg5[%mul3A_201] : memref<1000000xf32, #tpu.memory_space<vmem_shared>> -> memref<4000xf32, #tpu.memory_space<vmem_shared>>
      %dma_start3A_206 = arith.constant 0 : i32
      %dma_start3A_207 = tpu.memref_slice %arg11[%dma_start3A_206] : memref<6400xf32, #tpu.memory_space<vmem>> -> memref<4000xf32, #tpu.memory_space<vmem>>
      tpu.enqueue_dma source(%dma_start3A_207 : memref<4000xf32, #tpu.memory_space<vmem>>) target(%dma_start3A_205 : memref<4000xf32, #tpu.memory_space<vmem_shared>>) target_semaphore(%arg15 : memref<!tpu.dma_semaphore, #tpu.memory_space<semaphore_mem>>)
    } else {
    }
    %add3A_60 = arith.constant 96 : i32
    %add3A_61 = arith.addi %arg1, %add3A_60 : i32
    %lt3A_62 = arith.constant 250 : i32
    %lt3A_63 = arith.cmpi slt, %add3A_61, %lt3A_62 : i32
    %convert_element_type3A_64 = arith.extui %lt3A_63 : i1 to i32
    %cond3A_65 = arith.constant 0 : i32
    %cond3A_66 = arith.cmpi ne, %convert_element_type3A_64, %cond3A_65 : i32
    scf.if %cond3A_66 {
      %add3A_171 = arith.constant 80 : i32
      %add3A_172 = arith.addi %arg1, %add3A_171 : i32
      %mul3A_173 = arith.constant 4000 : i32
      %mul3A_174 = arith.muli %add3A_172, %mul3A_173 : i32
      %dma_wait3A_175 = arith.constant 0 : i32
      %dma_wait3A_176 = tpu.memref_slice %arg11[%dma_wait3A_175] : memref<6400xf32, #tpu.memory_space<vmem>> -> memref<4000xf32, #tpu.memory_space<vmem>>
      %dma_wait3A_177 = tpu.memref_slice %arg5[%mul3A_174] : memref<1000000xf32, #tpu.memory_space<vmem_shared>> -> memref<4000xf32, #tpu.memory_space<vmem_shared>>
      %dma_wait3A_178 = tpu.memref_slice %arg5[%mul3A_174] : memref<1000000xf32, #tpu.memory_space<vmem_shared>> -> memref<4000xf32, #tpu.memory_space<vmem_shared>>
      %dma_wait3A_179 = arith.constant 0 : i32
      %dma_wait3A_180 = tpu.memref_slice %arg11[%dma_wait3A_179] : memref<6400xf32, #tpu.memory_space<vmem>> -> memref<4000xf32, #tpu.memory_space<vmem>>
      tpu.wait_dma2 semaphore(%arg15 : memref<!tpu.dma_semaphore, #tpu.memory_space<semaphore_mem>>) src(%dma_wait3A_180 : memref<4000xf32, #tpu.memory_space<vmem>>) dst(%dma_wait3A_178 : memref<4000xf32, #tpu.memory_space<vmem_shared>>)
      %add3A_181 = arith.constant 112 : i32
      %add3A_182 = arith.addi %arg1, %add3A_181 : i32
      %lt3A_183 = arith.constant 250 : i32
      %lt3A_184 = arith.cmpi slt, %add3A_182, %lt3A_183 : i32
      %convert_element_type3A_185 = arith.extui %lt3A_184 : i1 to i32
      %cond3A_186 = arith.constant 0 : i32
      %cond3A_187 = arith.cmpi ne, %convert_element_type3A_185, %cond3A_186 : i32
      scf.if %cond3A_187 {
        %add3A_208 = arith.constant 112 : i32
        %add3A_209 = arith.addi %arg1, %add3A_208 : i32
        %mul3A_210 = arith.constant 4000 : i32
        %mul3A_211 = arith.muli %add3A_209, %mul3A_210 : i32
        %dma_start3A_212 = arith.constant 0 : i32
        %dma_start3A_213 = tpu.memref_slice %arg11[%dma_start3A_212] : memref<6400xf32, #tpu.memory_space<vmem>> -> memref<4000xf32, #tpu.memory_space<vmem>>
        %dma_start3A_214 = tpu.memref_slice %arg3[%mul3A_211] : memref<1000000xf32, #tpu.memory_space<hbm>> -> memref<4000xf32, #tpu.memory_space<hbm>>
        %dma_start3A_215 = arith.constant 0 : i32
        %dma_start3A_216 = tpu.memref_slice %arg11[%dma_start3A_215] : memref<6400xf32, #tpu.memory_space<vmem>> -> memref<4000xf32, #tpu.memory_space<vmem>>
        %dma_start3A_217 = tpu.memref_slice %arg3[%mul3A_211] : memref<1000000xf32, #tpu.memory_space<hbm>> -> memref<4000xf32, #tpu.memory_space<hbm>>
        tpu.enqueue_dma source(%dma_start3A_217 : memref<4000xf32, #tpu.memory_space<hbm>>) target(%dma_start3A_216 : memref<4000xf32, #tpu.memory_space<vmem>>) target_semaphore(%arg13 : memref<!tpu.dma_semaphore, #tpu.memory_space<semaphore_mem>>)
      } else {
      }
      %add3A_188 = arith.constant 96 : i32
      %add3A_189 = arith.addi %arg1, %add3A_188 : i32
      %mul3A_190 = arith.constant 4000 : i32
      %mul3A_191 = arith.muli %add3A_189, %mul3A_190 : i32
      %dma_wait3A_192 = arith.constant 0 : i32
      %dma_wait3A_193 = tpu.memref_slice %arg10[%dma_wait3A_192] : memref<6400xf32, #tpu.memory_space<vmem>> -> memref<4000xf32, #tpu.memory_space<vmem>>
      %dma_wait3A_194 = tpu.memref_slice %arg3[%mul3A_191] : memref<1000000xf32, #tpu.memory_space<hbm>> -> memref<4000xf32, #tpu.memory_space<hbm>>
      %dma_wait3A_195 = arith.constant 0 : i32
      %dma_wait3A_196 = tpu.memref_slice %arg10[%dma_wait3A_195] : memref<6400xf32, #tpu.memory_space<vmem>> -> memref<4000xf32, #tpu.memory_space<vmem>>
      %dma_wait3A_197 = tpu.memref_slice %arg3[%mul3A_191] : memref<1000000xf32, #tpu.memory_space<hbm>> -> memref<4000xf32, #tpu.memory_space<hbm>>
      tpu.wait_dma2 semaphore(%arg12 : memref<!tpu.dma_semaphore, #tpu.memory_space<semaphore_mem>>) src(%dma_wait3A_197 : memref<4000xf32, #tpu.memory_space<hbm>>) dst(%dma_wait3A_196 : memref<4000xf32, #tpu.memory_space<vmem>>)
      %add3A_198 = arith.constant 96 : i32
      %add3A_199 = arith.addi %arg1, %add3A_198 : i32
      %mul3A_200 = arith.constant 4000 : i32
      %mul3A_201 = arith.muli %add3A_199, %mul3A_200 : i32
      %dma_start3A_202 = arith.constant 0 : i32
      %dma_start3A_203 = tpu.memref_slice %arg10[%dma_start3A_202] : memref<6400xf32, #tpu.memory_space<vmem>> -> memref<4000xf32, #tpu.memory_space<vmem>>
      %dma_start3A_204 = tpu.memref_slice %arg5[%mul3A_201] : memref<1000000xf32, #tpu.memory_space<vmem_shared>> -> memref<4000xf32, #tpu.memory_space<vmem_shared>>
      %dma_start3A_205 = tpu.memref_slice %arg5[%mul3A_201] : memref<1000000xf32, #tpu.memory_space<vmem_shared>> -> memref<4000xf32, #tpu.memory_space<vmem_shared>>
      %dma_start3A_206 = arith.constant 0 : i32
      %dma_start3A_207 = tpu.memref_slice %arg10[%dma_start3A_206] : memref<6400xf32, #tpu.memory_space<vmem>> -> memref<4000xf32, #tpu.memory_space<vmem>>
      tpu.enqueue_dma source(%dma_start3A_207 : memref<4000xf32, #tpu.memory_space<vmem>>) target(%dma_start3A_205 : memref<4000xf32, #tpu.memory_space<vmem_shared>>) target_semaphore(%arg14 : memref<!tpu.dma_semaphore, #tpu.memory_space<semaphore_mem>>)
    } else {
    }
    %add3A_67 = arith.constant 112 : i32
    %add3A_68 = arith.addi %arg1, %add3A_67 : i32
    %lt3A_69 = arith.constant 250 : i32
    %lt3A_70 = arith.cmpi slt, %add3A_68, %lt3A_69 : i32
    %convert_element_type3A_71 = arith.extui %lt3A_70 : i1 to i32
    %cond3A_72 = arith.constant 0 : i32
    %cond3A_73 = arith.cmpi ne, %convert_element_type3A_71, %cond3A_72 : i32
    scf.if %cond3A_73 {
      %add3A_171 = arith.constant 96 : i32
      %add3A_172 = arith.addi %arg1, %add3A_171 : i32
      %mul3A_173 = arith.constant 4000 : i32
      %mul3A_174 = arith.muli %add3A_172, %mul3A_173 : i32
      %dma_wait3A_175 = arith.constant 0 : i32
      %dma_wait3A_176 = tpu.memref_slice %arg10[%dma_wait3A_175] : memref<6400xf32, #tpu.memory_space<vmem>> -> memref<4000xf32, #tpu.memory_space<vmem>>
      %dma_wait3A_177 = tpu.memref_slice %arg5[%mul3A_174] : memref<1000000xf32, #tpu.memory_space<vmem_shared>> -> memref<4000xf32, #tpu.memory_space<vmem_shared>>
      %dma_wait3A_178 = tpu.memref_slice %arg5[%mul3A_174] : memref<1000000xf32, #tpu.memory_space<vmem_shared>> -> memref<4000xf32, #tpu.memory_space<vmem_shared>>
      %dma_wait3A_179 = arith.constant 0 : i32
      %dma_wait3A_180 = tpu.memref_slice %arg10[%dma_wait3A_179] : memref<6400xf32, #tpu.memory_space<vmem>> -> memref<4000xf32, #tpu.memory_space<vmem>>
      tpu.wait_dma2 semaphore(%arg14 : memref<!tpu.dma_semaphore, #tpu.memory_space<semaphore_mem>>) src(%dma_wait3A_180 : memref<4000xf32, #tpu.memory_space<vmem>>) dst(%dma_wait3A_178 : memref<4000xf32, #tpu.memory_space<vmem_shared>>)
      %add3A_181 = arith.constant 128 : i32
      %add3A_182 = arith.addi %arg1, %add3A_181 : i32
      %lt3A_183 = arith.constant 250 : i32
      %lt3A_184 = arith.cmpi slt, %add3A_182, %lt3A_183 : i32
      %convert_element_type3A_185 = arith.extui %lt3A_184 : i1 to i32
      %cond3A_186 = arith.constant 0 : i32
      %cond3A_187 = arith.cmpi ne, %convert_element_type3A_185, %cond3A_186 : i32
      scf.if %cond3A_187 {
        %add3A_208 = arith.constant 128 : i32
        %add3A_209 = arith.addi %arg1, %add3A_208 : i32
        %mul3A_210 = arith.constant 4000 : i32
        %mul3A_211 = arith.muli %add3A_209, %mul3A_210 : i32
        %dma_start3A_212 = arith.constant 0 : i32
        %dma_start3A_213 = tpu.memref_slice %arg10[%dma_start3A_212] : memref<6400xf32, #tpu.memory_space<vmem>> -> memref<4000xf32, #tpu.memory_space<vmem>>
        %dma_start3A_214 = tpu.memref_slice %arg3[%mul3A_211] : memref<1000000xf32, #tpu.memory_space<hbm>> -> memref<4000xf32, #tpu.memory_space<hbm>>
        %dma_start3A_215 = arith.constant 0 : i32
        %dma_start3A_216 = tpu.memref_slice %arg10[%dma_start3A_215] : memref<6400xf32, #tpu.memory_space<vmem>> -> memref<4000xf32, #tpu.memory_space<vmem>>
        %dma_start3A_217 = tpu.memref_slice %arg3[%mul3A_211] : memref<1000000xf32, #tpu.memory_space<hbm>> -> memref<4000xf32, #tpu.memory_space<hbm>>
        tpu.enqueue_dma source(%dma_start3A_217 : memref<4000xf32, #tpu.memory_space<hbm>>) target(%dma_start3A_216 : memref<4000xf32, #tpu.memory_space<vmem>>) target_semaphore(%arg12 : memref<!tpu.dma_semaphore, #tpu.memory_space<semaphore_mem>>)
      } else {
      }
      %add3A_188 = arith.constant 112 : i32
      %add3A_189 = arith.addi %arg1, %add3A_188 : i32
      %mul3A_190 = arith.constant 4000 : i32
      %mul3A_191 = arith.muli %add3A_189, %mul3A_190 : i32
      %dma_wait3A_192 = arith.constant 0 : i32
      %dma_wait3A_193 = tpu.memref_slice %arg11[%dma_wait3A_192] : memref<6400xf32, #tpu.memory_space<vmem>> -> memref<4000xf32, #tpu.memory_space<vmem>>
      %dma_wait3A_194 = tpu.memref_slice %arg3[%mul3A_191] : memref<1000000xf32, #tpu.memory_space<hbm>> -> memref<4000xf32, #tpu.memory_space<hbm>>
      %dma_wait3A_195 = arith.constant 0 : i32
      %dma_wait3A_196 = tpu.memref_slice %arg11[%dma_wait3A_195] : memref<6400xf32, #tpu.memory_space<vmem>> -> memref<4000xf32, #tpu.memory_space<vmem>>
      %dma_wait3A_197 = tpu.memref_slice %arg3[%mul3A_191] : memref<1000000xf32, #tpu.memory_space<hbm>> -> memref<4000xf32, #tpu.memory_space<hbm>>
      tpu.wait_dma2 semaphore(%arg13 : memref<!tpu.dma_semaphore, #tpu.memory_space<semaphore_mem>>) src(%dma_wait3A_197 : memref<4000xf32, #tpu.memory_space<hbm>>) dst(%dma_wait3A_196 : memref<4000xf32, #tpu.memory_space<vmem>>)
      %add3A_198 = arith.constant 112 : i32
      %add3A_199 = arith.addi %arg1, %add3A_198 : i32
      %mul3A_200 = arith.constant 4000 : i32
      %mul3A_201 = arith.muli %add3A_199, %mul3A_200 : i32
      %dma_start3A_202 = arith.constant 0 : i32
      %dma_start3A_203 = tpu.memref_slice %arg11[%dma_start3A_202] : memref<6400xf32, #tpu.memory_space<vmem>> -> memref<4000xf32, #tpu.memory_space<vmem>>
      %dma_start3A_204 = tpu.memref_slice %arg5[%mul3A_201] : memref<1000000xf32, #tpu.memory_space<vmem_shared>> -> memref<4000xf32, #tpu.memory_space<vmem_shared>>
      %dma_start3A_205 = tpu.memref_slice %arg5[%mul3A_201] : memref<1000000xf32, #tpu.memory_space<vmem_shared>> -> memref<4000xf32, #tpu.memory_space<vmem_shared>>
      %dma_start3A_206 = arith.constant 0 : i32
      %dma_start3A_207 = tpu.memref_slice %arg11[%dma_start3A_206] : memref<6400xf32, #tpu.memory_space<vmem>> -> memref<4000xf32, #tpu.memory_space<vmem>>
      tpu.enqueue_dma source(%dma_start3A_207 : memref<4000xf32, #tpu.memory_space<vmem>>) target(%dma_start3A_205 : memref<4000xf32, #tpu.memory_space<vmem_shared>>) target_semaphore(%arg15 : memref<!tpu.dma_semaphore, #tpu.memory_space<semaphore_mem>>)
    } else {
    }
    %add3A_74 = arith.constant 128 : i32
    %add3A_75 = arith.addi %arg1, %add3A_74 : i32
    %lt3A_76 = arith.constant 250 : i32
    %lt3A_77 = arith.cmpi slt, %add3A_75, %lt3A_76 : i32
    %convert_element_type3A_78 = arith.extui %lt3A_77 : i1 to i32
    %cond3A_79 = arith.constant 0 : i32
    %cond3A_80 = arith.cmpi ne, %convert_element_type3A_78, %cond3A_79 : i32
    scf.if %cond3A_80 {
      %add3A_171 = arith.constant 112 : i32
      %add3A_172 = arith.addi %arg1, %add3A_171 : i32
      %mul3A_173 = arith.constant 4000 : i32
      %mul3A_174 = arith.muli %add3A_172, %mul3A_173 : i32
      %dma_wait3A_175 = arith.constant 0 : i32
      %dma_wait3A_176 = tpu.memref_slice %arg11[%dma_wait3A_175] : memref<6400xf32, #tpu.memory_space<vmem>> -> memref<4000xf32, #tpu.memory_space<vmem>>
      %dma_wait3A_177 = tpu.memref_slice %arg5[%mul3A_174] : memref<1000000xf32, #tpu.memory_space<vmem_shared>> -> memref<4000xf32, #tpu.memory_space<vmem_shared>>
      %dma_wait3A_178 = tpu.memref_slice %arg5[%mul3A_174] : memref<1000000xf32, #tpu.memory_space<vmem_shared>> -> memref<4000xf32, #tpu.memory_space<vmem_shared>>
      %dma_wait3A_179 = arith.constant 0 : i32
      %dma_wait3A_180 = tpu.memref_slice %arg11[%dma_wait3A_179] : memref<6400xf32, #tpu.memory_space<vmem>> -> memref<4000xf32, #tpu.memory_space<vmem>>
      tpu.wait_dma2 semaphore(%arg15 : memref<!tpu.dma_semaphore, #tpu.memory_space<semaphore_mem>>) src(%dma_wait3A_180 : memref<4000xf32, #tpu.memory_space<vmem>>) dst(%dma_wait3A_178 : memref<4000xf32, #tpu.memory_space<vmem_shared>>)
      %add3A_181 = arith.constant 144 : i32
      %add3A_182 = arith.addi %arg1, %add3A_181 : i32
      %lt3A_183 = arith.constant 250 : i32
      %lt3A_184 = arith.cmpi slt, %add3A_182, %lt3A_183 : i32
      %convert_element_type3A_185 = arith.extui %lt3A_184 : i1 to i32
      %cond3A_186 = arith.constant 0 : i32
      %cond3A_187 = arith.cmpi ne, %convert_element_type3A_185, %cond3A_186 : i32
      scf.if %cond3A_187 {
        %add3A_208 = arith.constant 144 : i32
        %add3A_209 = arith.addi %arg1, %add3A_208 : i32
        %mul3A_210 = arith.constant 4000 : i32
        %mul3A_211 = arith.muli %add3A_209, %mul3A_210 : i32
        %dma_start3A_212 = arith.constant 0 : i32
        %dma_start3A_213 = tpu.memref_slice %arg11[%dma_start3A_212] : memref<6400xf32, #tpu.memory_space<vmem>> -> memref<4000xf32, #tpu.memory_space<vmem>>
        %dma_start3A_214 = tpu.memref_slice %arg3[%mul3A_211] : memref<1000000xf32, #tpu.memory_space<hbm>> -> memref<4000xf32, #tpu.memory_space<hbm>>
        %dma_start3A_215 = arith.constant 0 : i32
        %dma_start3A_216 = tpu.memref_slice %arg11[%dma_start3A_215] : memref<6400xf32, #tpu.memory_space<vmem>> -> memref<4000xf32, #tpu.memory_space<vmem>>
        %dma_start3A_217 = tpu.memref_slice %arg3[%mul3A_211] : memref<1000000xf32, #tpu.memory_space<hbm>> -> memref<4000xf32, #tpu.memory_space<hbm>>
        tpu.enqueue_dma source(%dma_start3A_217 : memref<4000xf32, #tpu.memory_space<hbm>>) target(%dma_start3A_216 : memref<4000xf32, #tpu.memory_space<vmem>>) target_semaphore(%arg13 : memref<!tpu.dma_semaphore, #tpu.memory_space<semaphore_mem>>)
      } else {
      }
      %add3A_188 = arith.constant 128 : i32
      %add3A_189 = arith.addi %arg1, %add3A_188 : i32
      %mul3A_190 = arith.constant 4000 : i32
      %mul3A_191 = arith.muli %add3A_189, %mul3A_190 : i32
      %dma_wait3A_192 = arith.constant 0 : i32
      %dma_wait3A_193 = tpu.memref_slice %arg10[%dma_wait3A_192] : memref<6400xf32, #tpu.memory_space<vmem>> -> memref<4000xf32, #tpu.memory_space<vmem>>
      %dma_wait3A_194 = tpu.memref_slice %arg3[%mul3A_191] : memref<1000000xf32, #tpu.memory_space<hbm>> -> memref<4000xf32, #tpu.memory_space<hbm>>
      %dma_wait3A_195 = arith.constant 0 : i32
      %dma_wait3A_196 = tpu.memref_slice %arg10[%dma_wait3A_195] : memref<6400xf32, #tpu.memory_space<vmem>> -> memref<4000xf32, #tpu.memory_space<vmem>>
      %dma_wait3A_197 = tpu.memref_slice %arg3[%mul3A_191] : memref<1000000xf32, #tpu.memory_space<hbm>> -> memref<4000xf32, #tpu.memory_space<hbm>>
      tpu.wait_dma2 semaphore(%arg12 : memref<!tpu.dma_semaphore, #tpu.memory_space<semaphore_mem>>) src(%dma_wait3A_197 : memref<4000xf32, #tpu.memory_space<hbm>>) dst(%dma_wait3A_196 : memref<4000xf32, #tpu.memory_space<vmem>>)
      %add3A_198 = arith.constant 128 : i32
      %add3A_199 = arith.addi %arg1, %add3A_198 : i32
      %mul3A_200 = arith.constant 4000 : i32
      %mul3A_201 = arith.muli %add3A_199, %mul3A_200 : i32
      %dma_start3A_202 = arith.constant 0 : i32
      %dma_start3A_203 = tpu.memref_slice %arg10[%dma_start3A_202] : memref<6400xf32, #tpu.memory_space<vmem>> -> memref<4000xf32, #tpu.memory_space<vmem>>
      %dma_start3A_204 = tpu.memref_slice %arg5[%mul3A_201] : memref<1000000xf32, #tpu.memory_space<vmem_shared>> -> memref<4000xf32, #tpu.memory_space<vmem_shared>>
      %dma_start3A_205 = tpu.memref_slice %arg5[%mul3A_201] : memref<1000000xf32, #tpu.memory_space<vmem_shared>> -> memref<4000xf32, #tpu.memory_space<vmem_shared>>
      %dma_start3A_206 = arith.constant 0 : i32
      %dma_start3A_207 = tpu.memref_slice %arg10[%dma_start3A_206] : memref<6400xf32, #tpu.memory_space<vmem>> -> memref<4000xf32, #tpu.memory_space<vmem>>
      tpu.enqueue_dma source(%dma_start3A_207 : memref<4000xf32, #tpu.memory_space<vmem>>) target(%dma_start3A_205 : memref<4000xf32, #tpu.memory_space<vmem_shared>>) target_semaphore(%arg14 : memref<!tpu.dma_semaphore, #tpu.memory_space<semaphore_mem>>)
    } else {
    }
    %add3A_81 = arith.constant 144 : i32
    %add3A_82 = arith.addi %arg1, %add3A_81 : i32
    %lt3A_83 = arith.constant 250 : i32
    %lt3A_84 = arith.cmpi slt, %add3A_82, %lt3A_83 : i32
    %convert_element_type3A_85 = arith.extui %lt3A_84 : i1 to i32
    %cond3A_86 = arith.constant 0 : i32
    %cond3A_87 = arith.cmpi ne, %convert_element_type3A_85, %cond3A_86 : i32
    scf.if %cond3A_87 {
      %add3A_171 = arith.constant 128 : i32
      %add3A_172 = arith.addi %arg1, %add3A_171 : i32
      %mul3A_173 = arith.constant 4000 : i32
      %mul3A_174 = arith.muli %add3A_172, %mul3A_173 : i32
      %dma_wait3A_175 = arith.constant 0 : i32
      %dma_wait3A_176 = tpu.memref_slice %arg10[%dma_wait3A_175] : memref<6400xf32, #tpu.memory_space<vmem>> -> memref<4000xf32, #tpu.memory_space<vmem>>
      %dma_wait3A_177 = tpu.memref_slice %arg5[%mul3A_174] : memref<1000000xf32, #tpu.memory_space<vmem_shared>> -> memref<4000xf32, #tpu.memory_space<vmem_shared>>
      %dma_wait3A_178 = tpu.memref_slice %arg5[%mul3A_174] : memref<1000000xf32, #tpu.memory_space<vmem_shared>> -> memref<4000xf32, #tpu.memory_space<vmem_shared>>
      %dma_wait3A_179 = arith.constant 0 : i32
      %dma_wait3A_180 = tpu.memref_slice %arg10[%dma_wait3A_179] : memref<6400xf32, #tpu.memory_space<vmem>> -> memref<4000xf32, #tpu.memory_space<vmem>>
      tpu.wait_dma2 semaphore(%arg14 : memref<!tpu.dma_semaphore, #tpu.memory_space<semaphore_mem>>) src(%dma_wait3A_180 : memref<4000xf32, #tpu.memory_space<vmem>>) dst(%dma_wait3A_178 : memref<4000xf32, #tpu.memory_space<vmem_shared>>)
      %add3A_181 = arith.constant 160 : i32
      %add3A_182 = arith.addi %arg1, %add3A_181 : i32
      %lt3A_183 = arith.constant 250 : i32
      %lt3A_184 = arith.cmpi slt, %add3A_182, %lt3A_183 : i32
      %convert_element_type3A_185 = arith.extui %lt3A_184 : i1 to i32
      %cond3A_186 = arith.constant 0 : i32
      %cond3A_187 = arith.cmpi ne, %convert_element_type3A_185, %cond3A_186 : i32
      scf.if %cond3A_187 {
        %add3A_208 = arith.constant 160 : i32
        %add3A_209 = arith.addi %arg1, %add3A_208 : i32
        %mul3A_210 = arith.constant 4000 : i32
        %mul3A_211 = arith.muli %add3A_209, %mul3A_210 : i32
        %dma_start3A_212 = arith.constant 0 : i32
        %dma_start3A_213 = tpu.memref_slice %arg10[%dma_start3A_212] : memref<6400xf32, #tpu.memory_space<vmem>> -> memref<4000xf32, #tpu.memory_space<vmem>>
        %dma_start3A_214 = tpu.memref_slice %arg3[%mul3A_211] : memref<1000000xf32, #tpu.memory_space<hbm>> -> memref<4000xf32, #tpu.memory_space<hbm>>
        %dma_start3A_215 = arith.constant 0 : i32
        %dma_start3A_216 = tpu.memref_slice %arg10[%dma_start3A_215] : memref<6400xf32, #tpu.memory_space<vmem>> -> memref<4000xf32, #tpu.memory_space<vmem>>
        %dma_start3A_217 = tpu.memref_slice %arg3[%mul3A_211] : memref<1000000xf32, #tpu.memory_space<hbm>> -> memref<4000xf32, #tpu.memory_space<hbm>>
        tpu.enqueue_dma source(%dma_start3A_217 : memref<4000xf32, #tpu.memory_space<hbm>>) target(%dma_start3A_216 : memref<4000xf32, #tpu.memory_space<vmem>>) target_semaphore(%arg12 : memref<!tpu.dma_semaphore, #tpu.memory_space<semaphore_mem>>)
      } else {
      }
      %add3A_188 = arith.constant 144 : i32
      %add3A_189 = arith.addi %arg1, %add3A_188 : i32
      %mul3A_190 = arith.constant 4000 : i32
      %mul3A_191 = arith.muli %add3A_189, %mul3A_190 : i32
      %dma_wait3A_192 = arith.constant 0 : i32
      %dma_wait3A_193 = tpu.memref_slice %arg11[%dma_wait3A_192] : memref<6400xf32, #tpu.memory_space<vmem>> -> memref<4000xf32, #tpu.memory_space<vmem>>
      %dma_wait3A_194 = tpu.memref_slice %arg3[%mul3A_191] : memref<1000000xf32, #tpu.memory_space<hbm>> -> memref<4000xf32, #tpu.memory_space<hbm>>
      %dma_wait3A_195 = arith.constant 0 : i32
      %dma_wait3A_196 = tpu.memref_slice %arg11[%dma_wait3A_195] : memref<6400xf32, #tpu.memory_space<vmem>> -> memref<4000xf32, #tpu.memory_space<vmem>>
      %dma_wait3A_197 = tpu.memref_slice %arg3[%mul3A_191] : memref<1000000xf32, #tpu.memory_space<hbm>> -> memref<4000xf32, #tpu.memory_space<hbm>>
      tpu.wait_dma2 semaphore(%arg13 : memref<!tpu.dma_semaphore, #tpu.memory_space<semaphore_mem>>) src(%dma_wait3A_197 : memref<4000xf32, #tpu.memory_space<hbm>>) dst(%dma_wait3A_196 : memref<4000xf32, #tpu.memory_space<vmem>>)
      %add3A_198 = arith.constant 144 : i32
      %add3A_199 = arith.addi %arg1, %add3A_198 : i32
      %mul3A_200 = arith.constant 4000 : i32
      %mul3A_201 = arith.muli %add3A_199, %mul3A_200 : i32
      %dma_start3A_202 = arith.constant 0 : i32
      %dma_start3A_203 = tpu.memref_slice %arg11[%dma_start3A_202] : memref<6400xf32, #tpu.memory_space<vmem>> -> memref<4000xf32, #tpu.memory_space<vmem>>
      %dma_start3A_204 = tpu.memref_slice %arg5[%mul3A_201] : memref<1000000xf32, #tpu.memory_space<vmem_shared>> -> memref<4000xf32, #tpu.memory_space<vmem_shared>>
      %dma_start3A_205 = tpu.memref_slice %arg5[%mul3A_201] : memref<1000000xf32, #tpu.memory_space<vmem_shared>> -> memref<4000xf32, #tpu.memory_space<vmem_shared>>
      %dma_start3A_206 = arith.constant 0 : i32
      %dma_start3A_207 = tpu.memref_slice %arg11[%dma_start3A_206] : memref<6400xf32, #tpu.memory_space<vmem>> -> memref<4000xf32, #tpu.memory_space<vmem>>
      tpu.enqueue_dma source(%dma_start3A_207 : memref<4000xf32, #tpu.memory_space<vmem>>) target(%dma_start3A_205 : memref<4000xf32, #tpu.memory_space<vmem_shared>>) target_semaphore(%arg15 : memref<!tpu.dma_semaphore, #tpu.memory_space<semaphore_mem>>)
    } else {
    }
    %add3A_88 = arith.constant 160 : i32
    %add3A_89 = arith.addi %arg1, %add3A_88 : i32
    %lt3A_90 = arith.constant 250 : i32
    %lt3A_91 = arith.cmpi slt, %add3A_89, %lt3A_90 : i32
    %convert_element_type3A_92 = arith.extui %lt3A_91 : i1 to i32
    %cond3A_93 = arith.constant 0 : i32
    %cond3A_94 = arith.cmpi ne, %convert_element_type3A_92, %cond3A_93 : i32
    scf.if %cond3A_94 {
      %add3A_171 = arith.constant 144 : i32
      %add3A_172 = arith.addi %arg1, %add3A_171 : i32
      %mul3A_173 = arith.constant 4000 : i32
      %mul3A_174 = arith.muli %add3A_172, %mul3A_173 : i32
      %dma_wait3A_175 = arith.constant 0 : i32
      %dma_wait3A_176 = tpu.memref_slice %arg11[%dma_wait3A_175] : memref<6400xf32, #tpu.memory_space<vmem>> -> memref<4000xf32, #tpu.memory_space<vmem>>
      %dma_wait3A_177 = tpu.memref_slice %arg5[%mul3A_174] : memref<1000000xf32, #tpu.memory_space<vmem_shared>> -> memref<4000xf32, #tpu.memory_space<vmem_shared>>
      %dma_wait3A_178 = tpu.memref_slice %arg5[%mul3A_174] : memref<1000000xf32, #tpu.memory_space<vmem_shared>> -> memref<4000xf32, #tpu.memory_space<vmem_shared>>
      %dma_wait3A_179 = arith.constant 0 : i32
      %dma_wait3A_180 = tpu.memref_slice %arg11[%dma_wait3A_179] : memref<6400xf32, #tpu.memory_space<vmem>> -> memref<4000xf32, #tpu.memory_space<vmem>>
      tpu.wait_dma2 semaphore(%arg15 : memref<!tpu.dma_semaphore, #tpu.memory_space<semaphore_mem>>) src(%dma_wait3A_180 : memref<4000xf32, #tpu.memory_space<vmem>>) dst(%dma_wait3A_178 : memref<4000xf32, #tpu.memory_space<vmem_shared>>)
      %add3A_181 = arith.constant 176 : i32
      %add3A_182 = arith.addi %arg1, %add3A_181 : i32
      %lt3A_183 = arith.constant 250 : i32
      %lt3A_184 = arith.cmpi slt, %add3A_182, %lt3A_183 : i32
      %convert_element_type3A_185 = arith.extui %lt3A_184 : i1 to i32
      %cond3A_186 = arith.constant 0 : i32
      %cond3A_187 = arith.cmpi ne, %convert_element_type3A_185, %cond3A_186 : i32
      scf.if %cond3A_187 {
        %add3A_208 = arith.constant 176 : i32
        %add3A_209 = arith.addi %arg1, %add3A_208 : i32
        %mul3A_210 = arith.constant 4000 : i32
        %mul3A_211 = arith.muli %add3A_209, %mul3A_210 : i32
        %dma_start3A_212 = arith.constant 0 : i32
        %dma_start3A_213 = tpu.memref_slice %arg11[%dma_start3A_212] : memref<6400xf32, #tpu.memory_space<vmem>> -> memref<4000xf32, #tpu.memory_space<vmem>>
        %dma_start3A_214 = tpu.memref_slice %arg3[%mul3A_211] : memref<1000000xf32, #tpu.memory_space<hbm>> -> memref<4000xf32, #tpu.memory_space<hbm>>
        %dma_start3A_215 = arith.constant 0 : i32
        %dma_start3A_216 = tpu.memref_slice %arg11[%dma_start3A_215] : memref<6400xf32, #tpu.memory_space<vmem>> -> memref<4000xf32, #tpu.memory_space<vmem>>
        %dma_start3A_217 = tpu.memref_slice %arg3[%mul3A_211] : memref<1000000xf32, #tpu.memory_space<hbm>> -> memref<4000xf32, #tpu.memory_space<hbm>>
        tpu.enqueue_dma source(%dma_start3A_217 : memref<4000xf32, #tpu.memory_space<hbm>>) target(%dma_start3A_216 : memref<4000xf32, #tpu.memory_space<vmem>>) target_semaphore(%arg13 : memref<!tpu.dma_semaphore, #tpu.memory_space<semaphore_mem>>)
      } else {
      }
      %add3A_188 = arith.constant 160 : i32
      %add3A_189 = arith.addi %arg1, %add3A_188 : i32
      %mul3A_190 = arith.constant 4000 : i32
      %mul3A_191 = arith.muli %add3A_189, %mul3A_190 : i32
      %dma_wait3A_192 = arith.constant 0 : i32
      %dma_wait3A_193 = tpu.memref_slice %arg10[%dma_wait3A_192] : memref<6400xf32, #tpu.memory_space<vmem>> -> memref<4000xf32, #tpu.memory_space<vmem>>
      %dma_wait3A_194 = tpu.memref_slice %arg3[%mul3A_191] : memref<1000000xf32, #tpu.memory_space<hbm>> -> memref<4000xf32, #tpu.memory_space<hbm>>
      %dma_wait3A_195 = arith.constant 0 : i32
      %dma_wait3A_196 = tpu.memref_slice %arg10[%dma_wait3A_195] : memref<6400xf32, #tpu.memory_space<vmem>> -> memref<4000xf32, #tpu.memory_space<vmem>>
      %dma_wait3A_197 = tpu.memref_slice %arg3[%mul3A_191] : memref<1000000xf32, #tpu.memory_space<hbm>> -> memref<4000xf32, #tpu.memory_space<hbm>>
      tpu.wait_dma2 semaphore(%arg12 : memref<!tpu.dma_semaphore, #tpu.memory_space<semaphore_mem>>) src(%dma_wait3A_197 : memref<4000xf32, #tpu.memory_space<hbm>>) dst(%dma_wait3A_196 : memref<4000xf32, #tpu.memory_space<vmem>>)
      %add3A_198 = arith.constant 160 : i32
      %add3A_199 = arith.addi %arg1, %add3A_198 : i32
      %mul3A_200 = arith.constant 4000 : i32
      %mul3A_201 = arith.muli %add3A_199, %mul3A_200 : i32
      %dma_start3A_202 = arith.constant 0 : i32
      %dma_start3A_203 = tpu.memref_slice %arg10[%dma_start3A_202] : memref<6400xf32, #tpu.memory_space<vmem>> -> memref<4000xf32, #tpu.memory_space<vmem>>
      %dma_start3A_204 = tpu.memref_slice %arg5[%mul3A_201] : memref<1000000xf32, #tpu.memory_space<vmem_shared>> -> memref<4000xf32, #tpu.memory_space<vmem_shared>>
      %dma_start3A_205 = tpu.memref_slice %arg5[%mul3A_201] : memref<1000000xf32, #tpu.memory_space<vmem_shared>> -> memref<4000xf32, #tpu.memory_space<vmem_shared>>
      %dma_start3A_206 = arith.constant 0 : i32
      %dma_start3A_207 = tpu.memref_slice %arg10[%dma_start3A_206] : memref<6400xf32, #tpu.memory_space<vmem>> -> memref<4000xf32, #tpu.memory_space<vmem>>
      tpu.enqueue_dma source(%dma_start3A_207 : memref<4000xf32, #tpu.memory_space<vmem>>) target(%dma_start3A_205 : memref<4000xf32, #tpu.memory_space<vmem_shared>>) target_semaphore(%arg14 : memref<!tpu.dma_semaphore, #tpu.memory_space<semaphore_mem>>)
    } else {
    }
    %add3A_95 = arith.constant 176 : i32
    %add3A_96 = arith.addi %arg1, %add3A_95 : i32
    %lt3A_97 = arith.constant 250 : i32
    %lt3A_98 = arith.cmpi slt, %add3A_96, %lt3A_97 : i32
    %convert_element_type3A_99 = arith.extui %lt3A_98 : i1 to i32
    %cond3A_100 = arith.constant 0 : i32
    %cond3A_101 = arith.cmpi ne, %convert_element_type3A_99, %cond3A_100 : i32
    scf.if %cond3A_101 {
      %add3A_171 = arith.constant 160 : i32
      %add3A_172 = arith.addi %arg1, %add3A_171 : i32
      %mul3A_173 = arith.constant 4000 : i32
      %mul3A_174 = arith.muli %add3A_172, %mul3A_173 : i32
      %dma_wait3A_175 = arith.constant 0 : i32
      %dma_wait3A_176 = tpu.memref_slice %arg10[%dma_wait3A_175] : memref<6400xf32, #tpu.memory_space<vmem>> -> memref<4000xf32, #tpu.memory_space<vmem>>
      %dma_wait3A_177 = tpu.memref_slice %arg5[%mul3A_174] : memref<1000000xf32, #tpu.memory_space<vmem_shared>> -> memref<4000xf32, #tpu.memory_space<vmem_shared>>
      %dma_wait3A_178 = tpu.memref_slice %arg5[%mul3A_174] : memref<1000000xf32, #tpu.memory_space<vmem_shared>> -> memref<4000xf32, #tpu.memory_space<vmem_shared>>
      %dma_wait3A_179 = arith.constant 0 : i32
      %dma_wait3A_180 = tpu.memref_slice %arg10[%dma_wait3A_179] : memref<6400xf32, #tpu.memory_space<vmem>> -> memref<4000xf32, #tpu.memory_space<vmem>>
      tpu.wait_dma2 semaphore(%arg14 : memref<!tpu.dma_semaphore, #tpu.memory_space<semaphore_mem>>) src(%dma_wait3A_180 : memref<4000xf32, #tpu.memory_space<vmem>>) dst(%dma_wait3A_178 : memref<4000xf32, #tpu.memory_space<vmem_shared>>)
      %add3A_181 = arith.constant 192 : i32
      %add3A_182 = arith.addi %arg1, %add3A_181 : i32
      %lt3A_183 = arith.constant 250 : i32
      %lt3A_184 = arith.cmpi slt, %add3A_182, %lt3A_183 : i32
      %convert_element_type3A_185 = arith.extui %lt3A_184 : i1 to i32
      %cond3A_186 = arith.constant 0 : i32
      %cond3A_187 = arith.cmpi ne, %convert_element_type3A_185, %cond3A_186 : i32
      scf.if %cond3A_187 {
        %add3A_208 = arith.constant 192 : i32
        %add3A_209 = arith.addi %arg1, %add3A_208 : i32
        %mul3A_210 = arith.constant 4000 : i32
        %mul3A_211 = arith.muli %add3A_209, %mul3A_210 : i32
        %dma_start3A_212 = arith.constant 0 : i32
        %dma_start3A_213 = tpu.memref_slice %arg10[%dma_start3A_212] : memref<6400xf32, #tpu.memory_space<vmem>> -> memref<4000xf32, #tpu.memory_space<vmem>>
        %dma_start3A_214 = tpu.memref_slice %arg3[%mul3A_211] : memref<1000000xf32, #tpu.memory_space<hbm>> -> memref<4000xf32, #tpu.memory_space<hbm>>
        %dma_start3A_215 = arith.constant 0 : i32
        %dma_start3A_216 = tpu.memref_slice %arg10[%dma_start3A_215] : memref<6400xf32, #tpu.memory_space<vmem>> -> memref<4000xf32, #tpu.memory_space<vmem>>
        %dma_start3A_217 = tpu.memref_slice %arg3[%mul3A_211] : memref<1000000xf32, #tpu.memory_space<hbm>> -> memref<4000xf32, #tpu.memory_space<hbm>>
        tpu.enqueue_dma source(%dma_start3A_217 : memref<4000xf32, #tpu.memory_space<hbm>>) target(%dma_start3A_216 : memref<4000xf32, #tpu.memory_space<vmem>>) target_semaphore(%arg12 : memref<!tpu.dma_semaphore, #tpu.memory_space<semaphore_mem>>)
      } else {
      }
      %add3A_188 = arith.constant 176 : i32
      %add3A_189 = arith.addi %arg1, %add3A_188 : i32
      %mul3A_190 = arith.constant 4000 : i32
      %mul3A_191 = arith.muli %add3A_189, %mul3A_190 : i32
      %dma_wait3A_192 = arith.constant 0 : i32
      %dma_wait3A_193 = tpu.memref_slice %arg11[%dma_wait3A_192] : memref<6400xf32, #tpu.memory_space<vmem>> -> memref<4000xf32, #tpu.memory_space<vmem>>
      %dma_wait3A_194 = tpu.memref_slice %arg3[%mul3A_191] : memref<1000000xf32, #tpu.memory_space<hbm>> -> memref<4000xf32, #tpu.memory_space<hbm>>
      %dma_wait3A_195 = arith.constant 0 : i32
      %dma_wait3A_196 = tpu.memref_slice %arg11[%dma_wait3A_195] : memref<6400xf32, #tpu.memory_space<vmem>> -> memref<4000xf32, #tpu.memory_space<vmem>>
      %dma_wait3A_197 = tpu.memref_slice %arg3[%mul3A_191] : memref<1000000xf32, #tpu.memory_space<hbm>> -> memref<4000xf32, #tpu.memory_space<hbm>>
      tpu.wait_dma2 semaphore(%arg13 : memref<!tpu.dma_semaphore, #tpu.memory_space<semaphore_mem>>) src(%dma_wait3A_197 : memref<4000xf32, #tpu.memory_space<hbm>>) dst(%dma_wait3A_196 : memref<4000xf32, #tpu.memory_space<vmem>>)
      %add3A_198 = arith.constant 176 : i32
      %add3A_199 = arith.addi %arg1, %add3A_198 : i32
      %mul3A_200 = arith.constant 4000 : i32
      %mul3A_201 = arith.muli %add3A_199, %mul3A_200 : i32
      %dma_start3A_202 = arith.constant 0 : i32
      %dma_start3A_203 = tpu.memref_slice %arg11[%dma_start3A_202] : memref<6400xf32, #tpu.memory_space<vmem>> -> memref<4000xf32, #tpu.memory_space<vmem>>
      %dma_start3A_204 = tpu.memref_slice %arg5[%mul3A_201] : memref<1000000xf32, #tpu.memory_space<vmem_shared>> -> memref<4000xf32, #tpu.memory_space<vmem_shared>>
      %dma_start3A_205 = tpu.memref_slice %arg5[%mul3A_201] : memref<1000000xf32, #tpu.memory_space<vmem_shared>> -> memref<4000xf32, #tpu.memory_space<vmem_shared>>
      %dma_start3A_206 = arith.constant 0 : i32
      %dma_start3A_207 = tpu.memref_slice %arg11[%dma_start3A_206] : memref<6400xf32, #tpu.memory_space<vmem>> -> memref<4000xf32, #tpu.memory_space<vmem>>
      tpu.enqueue_dma source(%dma_start3A_207 : memref<4000xf32, #tpu.memory_space<vmem>>) target(%dma_start3A_205 : memref<4000xf32, #tpu.memory_space<vmem_shared>>) target_semaphore(%arg15 : memref<!tpu.dma_semaphore, #tpu.memory_space<semaphore_mem>>)
    } else {
    }
    %add3A_102 = arith.constant 192 : i32
    %add3A_103 = arith.addi %arg1, %add3A_102 : i32
    %lt3A_104 = arith.constant 250 : i32
    %lt3A_105 = arith.cmpi slt, %add3A_103, %lt3A_104 : i32
    %convert_element_type3A_106 = arith.extui %lt3A_105 : i1 to i32
    %cond3A_107 = arith.constant 0 : i32
    %cond3A_108 = arith.cmpi ne, %convert_element_type3A_106, %cond3A_107 : i32
    scf.if %cond3A_108 {
      %add3A_171 = arith.constant 176 : i32
      %add3A_172 = arith.addi %arg1, %add3A_171 : i32
      %mul3A_173 = arith.constant 4000 : i32
      %mul3A_174 = arith.muli %add3A_172, %mul3A_173 : i32
      %dma_wait3A_175 = arith.constant 0 : i32
      %dma_wait3A_176 = tpu.memref_slice %arg11[%dma_wait3A_175] : memref<6400xf32, #tpu.memory_space<vmem>> -> memref<4000xf32, #tpu.memory_space<vmem>>
      %dma_wait3A_177 = tpu.memref_slice %arg5[%mul3A_174] : memref<1000000xf32, #tpu.memory_space<vmem_shared>> -> memref<4000xf32, #tpu.memory_space<vmem_shared>>
      %dma_wait3A_178 = tpu.memref_slice %arg5[%mul3A_174] : memref<1000000xf32, #tpu.memory_space<vmem_shared>> -> memref<4000xf32, #tpu.memory_space<vmem_shared>>
      %dma_wait3A_179 = arith.constant 0 : i32
      %dma_wait3A_180 = tpu.memref_slice %arg11[%dma_wait3A_179] : memref<6400xf32, #tpu.memory_space<vmem>> -> memref<4000xf32, #tpu.memory_space<vmem>>
      tpu.wait_dma2 semaphore(%arg15 : memref<!tpu.dma_semaphore, #tpu.memory_space<semaphore_mem>>) src(%dma_wait3A_180 : memref<4000xf32, #tpu.memory_space<vmem>>) dst(%dma_wait3A_178 : memref<4000xf32, #tpu.memory_space<vmem_shared>>)
      %add3A_181 = arith.constant 208 : i32
      %add3A_182 = arith.addi %arg1, %add3A_181 : i32
      %lt3A_183 = arith.constant 250 : i32
      %lt3A_184 = arith.cmpi slt, %add3A_182, %lt3A_183 : i32
      %convert_element_type3A_185 = arith.extui %lt3A_184 : i1 to i32
      %cond3A_186 = arith.constant 0 : i32
      %cond3A_187 = arith.cmpi ne, %convert_element_type3A_185, %cond3A_186 : i32
      scf.if %cond3A_187 {
        %add3A_208 = arith.constant 208 : i32
        %add3A_209 = arith.addi %arg1, %add3A_208 : i32
        %mul3A_210 = arith.constant 4000 : i32
        %mul3A_211 = arith.muli %add3A_209, %mul3A_210 : i32
        %dma_start3A_212 = arith.constant 0 : i32
        %dma_start3A_213 = tpu.memref_slice %arg11[%dma_start3A_212] : memref<6400xf32, #tpu.memory_space<vmem>> -> memref<4000xf32, #tpu.memory_space<vmem>>
        %dma_start3A_214 = tpu.memref_slice %arg3[%mul3A_211] : memref<1000000xf32, #tpu.memory_space<hbm>> -> memref<4000xf32, #tpu.memory_space<hbm>>
        %dma_start3A_215 = arith.constant 0 : i32
        %dma_start3A_216 = tpu.memref_slice %arg11[%dma_start3A_215] : memref<6400xf32, #tpu.memory_space<vmem>> -> memref<4000xf32, #tpu.memory_space<vmem>>
        %dma_start3A_217 = tpu.memref_slice %arg3[%mul3A_211] : memref<1000000xf32, #tpu.memory_space<hbm>> -> memref<4000xf32, #tpu.memory_space<hbm>>
        tpu.enqueue_dma source(%dma_start3A_217 : memref<4000xf32, #tpu.memory_space<hbm>>) target(%dma_start3A_216 : memref<4000xf32, #tpu.memory_space<vmem>>) target_semaphore(%arg13 : memref<!tpu.dma_semaphore, #tpu.memory_space<semaphore_mem>>)
      } else {
      }
      %add3A_188 = arith.constant 192 : i32
      %add3A_189 = arith.addi %arg1, %add3A_188 : i32
      %mul3A_190 = arith.constant 4000 : i32
      %mul3A_191 = arith.muli %add3A_189, %mul3A_190 : i32
      %dma_wait3A_192 = arith.constant 0 : i32
      %dma_wait3A_193 = tpu.memref_slice %arg10[%dma_wait3A_192] : memref<6400xf32, #tpu.memory_space<vmem>> -> memref<4000xf32, #tpu.memory_space<vmem>>
      %dma_wait3A_194 = tpu.memref_slice %arg3[%mul3A_191] : memref<1000000xf32, #tpu.memory_space<hbm>> -> memref<4000xf32, #tpu.memory_space<hbm>>
      %dma_wait3A_195 = arith.constant 0 : i32
      %dma_wait3A_196 = tpu.memref_slice %arg10[%dma_wait3A_195] : memref<6400xf32, #tpu.memory_space<vmem>> -> memref<4000xf32, #tpu.memory_space<vmem>>
      %dma_wait3A_197 = tpu.memref_slice %arg3[%mul3A_191] : memref<1000000xf32, #tpu.memory_space<hbm>> -> memref<4000xf32, #tpu.memory_space<hbm>>
      tpu.wait_dma2 semaphore(%arg12 : memref<!tpu.dma_semaphore, #tpu.memory_space<semaphore_mem>>) src(%dma_wait3A_197 : memref<4000xf32, #tpu.memory_space<hbm>>) dst(%dma_wait3A_196 : memref<4000xf32, #tpu.memory_space<vmem>>)
      %add3A_198 = arith.constant 192 : i32
      %add3A_199 = arith.addi %arg1, %add3A_198 : i32
      %mul3A_200 = arith.constant 4000 : i32
      %mul3A_201 = arith.muli %add3A_199, %mul3A_200 : i32
      %dma_start3A_202 = arith.constant 0 : i32
      %dma_start3A_203 = tpu.memref_slice %arg10[%dma_start3A_202] : memref<6400xf32, #tpu.memory_space<vmem>> -> memref<4000xf32, #tpu.memory_space<vmem>>
      %dma_start3A_204 = tpu.memref_slice %arg5[%mul3A_201] : memref<1000000xf32, #tpu.memory_space<vmem_shared>> -> memref<4000xf32, #tpu.memory_space<vmem_shared>>
      %dma_start3A_205 = tpu.memref_slice %arg5[%mul3A_201] : memref<1000000xf32, #tpu.memory_space<vmem_shared>> -> memref<4000xf32, #tpu.memory_space<vmem_shared>>
      %dma_start3A_206 = arith.constant 0 : i32
      %dma_start3A_207 = tpu.memref_slice %arg10[%dma_start3A_206] : memref<6400xf32, #tpu.memory_space<vmem>> -> memref<4000xf32, #tpu.memory_space<vmem>>
      tpu.enqueue_dma source(%dma_start3A_207 : memref<4000xf32, #tpu.memory_space<vmem>>) target(%dma_start3A_205 : memref<4000xf32, #tpu.memory_space<vmem_shared>>) target_semaphore(%arg14 : memref<!tpu.dma_semaphore, #tpu.memory_space<semaphore_mem>>)
    } else {
    }
    %add3A_109 = arith.constant 208 : i32
    %add3A_110 = arith.addi %arg1, %add3A_109 : i32
    %lt3A_111 = arith.constant 250 : i32
    %lt3A_112 = arith.cmpi slt, %add3A_110, %lt3A_111 : i32
    %convert_element_type3A_113 = arith.extui %lt3A_112 : i1 to i32
    %cond3A_114 = arith.constant 0 : i32
    %cond3A_115 = arith.cmpi ne, %convert_element_type3A_113, %cond3A_114 : i32
    scf.if %cond3A_115 {
      %add3A_171 = arith.constant 192 : i32
      %add3A_172 = arith.addi %arg1, %add3A_171 : i32
      %mul3A_173 = arith.constant 4000 : i32
      %mul3A_174 = arith.muli %add3A_172, %mul3A_173 : i32
      %dma_wait3A_175 = arith.constant 0 : i32
      %dma_wait3A_176 = tpu.memref_slice %arg10[%dma_wait3A_175] : memref<6400xf32, #tpu.memory_space<vmem>> -> memref<4000xf32, #tpu.memory_space<vmem>>
      %dma_wait3A_177 = tpu.memref_slice %arg5[%mul3A_174] : memref<1000000xf32, #tpu.memory_space<vmem_shared>> -> memref<4000xf32, #tpu.memory_space<vmem_shared>>
      %dma_wait3A_178 = tpu.memref_slice %arg5[%mul3A_174] : memref<1000000xf32, #tpu.memory_space<vmem_shared>> -> memref<4000xf32, #tpu.memory_space<vmem_shared>>
      %dma_wait3A_179 = arith.constant 0 : i32
      %dma_wait3A_180 = tpu.memref_slice %arg10[%dma_wait3A_179] : memref<6400xf32, #tpu.memory_space<vmem>> -> memref<4000xf32, #tpu.memory_space<vmem>>
      tpu.wait_dma2 semaphore(%arg14 : memref<!tpu.dma_semaphore, #tpu.memory_space<semaphore_mem>>) src(%dma_wait3A_180 : memref<4000xf32, #tpu.memory_space<vmem>>) dst(%dma_wait3A_178 : memref<4000xf32, #tpu.memory_space<vmem_shared>>)
      %add3A_181 = arith.constant 224 : i32
      %add3A_182 = arith.addi %arg1, %add3A_181 : i32
      %lt3A_183 = arith.constant 250 : i32
      %lt3A_184 = arith.cmpi slt, %add3A_182, %lt3A_183 : i32
      %convert_element_type3A_185 = arith.extui %lt3A_184 : i1 to i32
      %cond3A_186 = arith.constant 0 : i32
      %cond3A_187 = arith.cmpi ne, %convert_element_type3A_185, %cond3A_186 : i32
      scf.if %cond3A_187 {
        %add3A_208 = arith.constant 224 : i32
        %add3A_209 = arith.addi %arg1, %add3A_208 : i32
        %mul3A_210 = arith.constant 4000 : i32
        %mul3A_211 = arith.muli %add3A_209, %mul3A_210 : i32
        %dma_start3A_212 = arith.constant 0 : i32
        %dma_start3A_213 = tpu.memref_slice %arg10[%dma_start3A_212] : memref<6400xf32, #tpu.memory_space<vmem>> -> memref<4000xf32, #tpu.memory_space<vmem>>
        %dma_start3A_214 = tpu.memref_slice %arg3[%mul3A_211] : memref<1000000xf32, #tpu.memory_space<hbm>> -> memref<4000xf32, #tpu.memory_space<hbm>>
        %dma_start3A_215 = arith.constant 0 : i32
        %dma_start3A_216 = tpu.memref_slice %arg10[%dma_start3A_215] : memref<6400xf32, #tpu.memory_space<vmem>> -> memref<4000xf32, #tpu.memory_space<vmem>>
        %dma_start3A_217 = tpu.memref_slice %arg3[%mul3A_211] : memref<1000000xf32, #tpu.memory_space<hbm>> -> memref<4000xf32, #tpu.memory_space<hbm>>
        tpu.enqueue_dma source(%dma_start3A_217 : memref<4000xf32, #tpu.memory_space<hbm>>) target(%dma_start3A_216 : memref<4000xf32, #tpu.memory_space<vmem>>) target_semaphore(%arg12 : memref<!tpu.dma_semaphore, #tpu.memory_space<semaphore_mem>>)
      } else {
      }
      %add3A_188 = arith.constant 208 : i32
      %add3A_189 = arith.addi %arg1, %add3A_188 : i32
      %mul3A_190 = arith.constant 4000 : i32
      %mul3A_191 = arith.muli %add3A_189, %mul3A_190 : i32
      %dma_wait3A_192 = arith.constant 0 : i32
      %dma_wait3A_193 = tpu.memref_slice %arg11[%dma_wait3A_192] : memref<6400xf32, #tpu.memory_space<vmem>> -> memref<4000xf32, #tpu.memory_space<vmem>>
      %dma_wait3A_194 = tpu.memref_slice %arg3[%mul3A_191] : memref<1000000xf32, #tpu.memory_space<hbm>> -> memref<4000xf32, #tpu.memory_space<hbm>>
      %dma_wait3A_195 = arith.constant 0 : i32
      %dma_wait3A_196 = tpu.memref_slice %arg11[%dma_wait3A_195] : memref<6400xf32, #tpu.memory_space<vmem>> -> memref<4000xf32, #tpu.memory_space<vmem>>
      %dma_wait3A_197 = tpu.memref_slice %arg3[%mul3A_191] : memref<1000000xf32, #tpu.memory_space<hbm>> -> memref<4000xf32, #tpu.memory_space<hbm>>
      tpu.wait_dma2 semaphore(%arg13 : memref<!tpu.dma_semaphore, #tpu.memory_space<semaphore_mem>>) src(%dma_wait3A_197 : memref<4000xf32, #tpu.memory_space<hbm>>) dst(%dma_wait3A_196 : memref<4000xf32, #tpu.memory_space<vmem>>)
      %add3A_198 = arith.constant 208 : i32
      %add3A_199 = arith.addi %arg1, %add3A_198 : i32
      %mul3A_200 = arith.constant 4000 : i32
      %mul3A_201 = arith.muli %add3A_199, %mul3A_200 : i32
      %dma_start3A_202 = arith.constant 0 : i32
      %dma_start3A_203 = tpu.memref_slice %arg11[%dma_start3A_202] : memref<6400xf32, #tpu.memory_space<vmem>> -> memref<4000xf32, #tpu.memory_space<vmem>>
      %dma_start3A_204 = tpu.memref_slice %arg5[%mul3A_201] : memref<1000000xf32, #tpu.memory_space<vmem_shared>> -> memref<4000xf32, #tpu.memory_space<vmem_shared>>
      %dma_start3A_205 = tpu.memref_slice %arg5[%mul3A_201] : memref<1000000xf32, #tpu.memory_space<vmem_shared>> -> memref<4000xf32, #tpu.memory_space<vmem_shared>>
      %dma_start3A_206 = arith.constant 0 : i32
      %dma_start3A_207 = tpu.memref_slice %arg11[%dma_start3A_206] : memref<6400xf32, #tpu.memory_space<vmem>> -> memref<4000xf32, #tpu.memory_space<vmem>>
      tpu.enqueue_dma source(%dma_start3A_207 : memref<4000xf32, #tpu.memory_space<vmem>>) target(%dma_start3A_205 : memref<4000xf32, #tpu.memory_space<vmem_shared>>) target_semaphore(%arg15 : memref<!tpu.dma_semaphore, #tpu.memory_space<semaphore_mem>>)
    } else {
    }
    %add3A_116 = arith.constant 224 : i32
    %add3A_117 = arith.addi %arg1, %add3A_116 : i32
    %lt3A_118 = arith.constant 250 : i32
    %lt3A_119 = arith.cmpi slt, %add3A_117, %lt3A_118 : i32
    %convert_element_type3A_120 = arith.extui %lt3A_119 : i1 to i32
    %cond3A_121 = arith.constant 0 : i32
    %cond3A_122 = arith.cmpi ne, %convert_element_type3A_120, %cond3A_121 : i32
    scf.if %cond3A_122 {
      %add3A_171 = arith.constant 208 : i32
      %add3A_172 = arith.addi %arg1, %add3A_171 : i32
      %mul3A_173 = arith.constant 4000 : i32
      %mul3A_174 = arith.muli %add3A_172, %mul3A_173 : i32
      %dma_wait3A_175 = arith.constant 0 : i32
      %dma_wait3A_176 = tpu.memref_slice %arg11[%dma_wait3A_175] : memref<6400xf32, #tpu.memory_space<vmem>> -> memref<4000xf32, #tpu.memory_space<vmem>>
      %dma_wait3A_177 = tpu.memref_slice %arg5[%mul3A_174] : memref<1000000xf32, #tpu.memory_space<vmem_shared>> -> memref<4000xf32, #tpu.memory_space<vmem_shared>>
      %dma_wait3A_178 = tpu.memref_slice %arg5[%mul3A_174] : memref<1000000xf32, #tpu.memory_space<vmem_shared>> -> memref<4000xf32, #tpu.memory_space<vmem_shared>>
      %dma_wait3A_179 = arith.constant 0 : i32
      %dma_wait3A_180 = tpu.memref_slice %arg11[%dma_wait3A_179] : memref<6400xf32, #tpu.memory_space<vmem>> -> memref<4000xf32, #tpu.memory_space<vmem>>
      tpu.wait_dma2 semaphore(%arg15 : memref<!tpu.dma_semaphore, #tpu.memory_space<semaphore_mem>>) src(%dma_wait3A_180 : memref<4000xf32, #tpu.memory_space<vmem>>) dst(%dma_wait3A_178 : memref<4000xf32, #tpu.memory_space<vmem_shared>>)
      %add3A_181 = arith.constant 240 : i32
      %add3A_182 = arith.addi %arg1, %add3A_181 : i32
      %lt3A_183 = arith.constant 250 : i32
      %lt3A_184 = arith.cmpi slt, %add3A_182, %lt3A_183 : i32
      %convert_element_type3A_185 = arith.extui %lt3A_184 : i1 to i32
      %cond3A_186 = arith.constant 0 : i32
      %cond3A_187 = arith.cmpi ne, %convert_element_type3A_185, %cond3A_186 : i32
      scf.if %cond3A_187 {
        %add3A_208 = arith.constant 240 : i32
        %add3A_209 = arith.addi %arg1, %add3A_208 : i32
        %mul3A_210 = arith.constant 4000 : i32
        %mul3A_211 = arith.muli %add3A_209, %mul3A_210 : i32
        %dma_start3A_212 = arith.constant 0 : i32
        %dma_start3A_213 = tpu.memref_slice %arg11[%dma_start3A_212] : memref<6400xf32, #tpu.memory_space<vmem>> -> memref<4000xf32, #tpu.memory_space<vmem>>
        %dma_start3A_214 = tpu.memref_slice %arg3[%mul3A_211] : memref<1000000xf32, #tpu.memory_space<hbm>> -> memref<4000xf32, #tpu.memory_space<hbm>>
        %dma_start3A_215 = arith.constant 0 : i32
        %dma_start3A_216 = tpu.memref_slice %arg11[%dma_start3A_215] : memref<6400xf32, #tpu.memory_space<vmem>> -> memref<4000xf32, #tpu.memory_space<vmem>>
        %dma_start3A_217 = tpu.memref_slice %arg3[%mul3A_211] : memref<1000000xf32, #tpu.memory_space<hbm>> -> memref<4000xf32, #tpu.memory_space<hbm>>
        tpu.enqueue_dma source(%dma_start3A_217 : memref<4000xf32, #tpu.memory_space<hbm>>) target(%dma_start3A_216 : memref<4000xf32, #tpu.memory_space<vmem>>) target_semaphore(%arg13 : memref<!tpu.dma_semaphore, #tpu.memory_space<semaphore_mem>>)
      } else {
      }
      %add3A_188 = arith.constant 224 : i32
      %add3A_189 = arith.addi %arg1, %add3A_188 : i32
      %mul3A_190 = arith.constant 4000 : i32
      %mul3A_191 = arith.muli %add3A_189, %mul3A_190 : i32
      %dma_wait3A_192 = arith.constant 0 : i32
      %dma_wait3A_193 = tpu.memref_slice %arg10[%dma_wait3A_192] : memref<6400xf32, #tpu.memory_space<vmem>> -> memref<4000xf32, #tpu.memory_space<vmem>>
      %dma_wait3A_194 = tpu.memref_slice %arg3[%mul3A_191] : memref<1000000xf32, #tpu.memory_space<hbm>> -> memref<4000xf32, #tpu.memory_space<hbm>>
      %dma_wait3A_195 = arith.constant 0 : i32
      %dma_wait3A_196 = tpu.memref_slice %arg10[%dma_wait3A_195] : memref<6400xf32, #tpu.memory_space<vmem>> -> memref<4000xf32, #tpu.memory_space<vmem>>
      %dma_wait3A_197 = tpu.memref_slice %arg3[%mul3A_191] : memref<1000000xf32, #tpu.memory_space<hbm>> -> memref<4000xf32, #tpu.memory_space<hbm>>
      tpu.wait_dma2 semaphore(%arg12 : memref<!tpu.dma_semaphore, #tpu.memory_space<semaphore_mem>>) src(%dma_wait3A_197 : memref<4000xf32, #tpu.memory_space<hbm>>) dst(%dma_wait3A_196 : memref<4000xf32, #tpu.memory_space<vmem>>)
      %add3A_198 = arith.constant 224 : i32
      %add3A_199 = arith.addi %arg1, %add3A_198 : i32
      %mul3A_200 = arith.constant 4000 : i32
      %mul3A_201 = arith.muli %add3A_199, %mul3A_200 : i32
      %dma_start3A_202 = arith.constant 0 : i32
      %dma_start3A_203 = tpu.memref_slice %arg10[%dma_start3A_202] : memref<6400xf32, #tpu.memory_space<vmem>> -> memref<4000xf32, #tpu.memory_space<vmem>>
      %dma_start3A_204 = tpu.memref_slice %arg5[%mul3A_201] : memref<1000000xf32, #tpu.memory_space<vmem_shared>> -> memref<4000xf32, #tpu.memory_space<vmem_shared>>
      %dma_start3A_205 = tpu.memref_slice %arg5[%mul3A_201] : memref<1000000xf32, #tpu.memory_space<vmem_shared>> -> memref<4000xf32, #tpu.memory_space<vmem_shared>>
      %dma_start3A_206 = arith.constant 0 : i32
      %dma_start3A_207 = tpu.memref_slice %arg10[%dma_start3A_206] : memref<6400xf32, #tpu.memory_space<vmem>> -> memref<4000xf32, #tpu.memory_space<vmem>>
      tpu.enqueue_dma source(%dma_start3A_207 : memref<4000xf32, #tpu.memory_space<vmem>>) target(%dma_start3A_205 : memref<4000xf32, #tpu.memory_space<vmem_shared>>) target_semaphore(%arg14 : memref<!tpu.dma_semaphore, #tpu.memory_space<semaphore_mem>>)
    } else {
    }
    %add3A_123 = arith.constant 240 : i32
    %add3A_124 = arith.addi %arg1, %add3A_123 : i32
    %lt3A_125 = arith.constant 250 : i32
    %lt3A_126 = arith.cmpi slt, %add3A_124, %lt3A_125 : i32
    %convert_element_type3A_127 = arith.extui %lt3A_126 : i1 to i32
    %cond3A_128 = arith.constant 0 : i32
    %cond3A_129 = arith.cmpi ne, %convert_element_type3A_127, %cond3A_128 : i32
    scf.if %cond3A_129 {
      %add3A_171 = arith.constant 224 : i32
      %add3A_172 = arith.addi %arg1, %add3A_171 : i32
      %mul3A_173 = arith.constant 4000 : i32
      %mul3A_174 = arith.muli %add3A_172, %mul3A_173 : i32
      %dma_wait3A_175 = arith.constant 0 : i32
      %dma_wait3A_176 = tpu.memref_slice %arg10[%dma_wait3A_175] : memref<6400xf32, #tpu.memory_space<vmem>> -> memref<4000xf32, #tpu.memory_space<vmem>>
      %dma_wait3A_177 = tpu.memref_slice %arg5[%mul3A_174] : memref<1000000xf32, #tpu.memory_space<vmem_shared>> -> memref<4000xf32, #tpu.memory_space<vmem_shared>>
      %dma_wait3A_178 = tpu.memref_slice %arg5[%mul3A_174] : memref<1000000xf32, #tpu.memory_space<vmem_shared>> -> memref<4000xf32, #tpu.memory_space<vmem_shared>>
      %dma_wait3A_179 = arith.constant 0 : i32
      %dma_wait3A_180 = tpu.memref_slice %arg10[%dma_wait3A_179] : memref<6400xf32, #tpu.memory_space<vmem>> -> memref<4000xf32, #tpu.memory_space<vmem>>
      tpu.wait_dma2 semaphore(%arg14 : memref<!tpu.dma_semaphore, #tpu.memory_space<semaphore_mem>>) src(%dma_wait3A_180 : memref<4000xf32, #tpu.memory_space<vmem>>) dst(%dma_wait3A_178 : memref<4000xf32, #tpu.memory_space<vmem_shared>>)
      %add3A_181 = arith.constant 240 : i32
      %add3A_182 = arith.addi %arg1, %add3A_181 : i32
      %mul3A_183 = arith.constant 4000 : i32
      %mul3A_184 = arith.muli %add3A_182, %mul3A_183 : i32
      %dma_wait3A_185 = arith.constant 0 : i32
      %dma_wait3A_186 = tpu.memref_slice %arg11[%dma_wait3A_185] : memref<6400xf32, #tpu.memory_space<vmem>> -> memref<4000xf32, #tpu.memory_space<vmem>>
      %dma_wait3A_187 = tpu.memref_slice %arg3[%mul3A_184] : memref<1000000xf32, #tpu.memory_space<hbm>> -> memref<4000xf32, #tpu.memory_space<hbm>>
      %dma_wait3A_188 = arith.constant 0 : i32
      %dma_wait3A_189 = tpu.memref_slice %arg11[%dma_wait3A_188] : memref<6400xf32, #tpu.memory_space<vmem>> -> memref<4000xf32, #tpu.memory_space<vmem>>
      %dma_wait3A_190 = tpu.memref_slice %arg3[%mul3A_184] : memref<1000000xf32, #tpu.memory_space<hbm>> -> memref<4000xf32, #tpu.memory_space<hbm>>
      tpu.wait_dma2 semaphore(%arg13 : memref<!tpu.dma_semaphore, #tpu.memory_space<semaphore_mem>>) src(%dma_wait3A_190 : memref<4000xf32, #tpu.memory_space<hbm>>) dst(%dma_wait3A_189 : memref<4000xf32, #tpu.memory_space<vmem>>)
      %add3A_191 = arith.constant 240 : i32
      %add3A_192 = arith.addi %arg1, %add3A_191 : i32
      %mul3A_193 = arith.constant 4000 : i32
      %mul3A_194 = arith.muli %add3A_192, %mul3A_193 : i32
      %dma_start3A_195 = arith.constant 0 : i32
      %dma_start3A_196 = tpu.memref_slice %arg11[%dma_start3A_195] : memref<6400xf32, #tpu.memory_space<vmem>> -> memref<4000xf32, #tpu.memory_space<vmem>>
      %dma_start3A_197 = tpu.memref_slice %arg5[%mul3A_194] : memref<1000000xf32, #tpu.memory_space<vmem_shared>> -> memref<4000xf32, #tpu.memory_space<vmem_shared>>
      %dma_start3A_198 = tpu.memref_slice %arg5[%mul3A_194] : memref<1000000xf32, #tpu.memory_space<vmem_shared>> -> memref<4000xf32, #tpu.memory_space<vmem_shared>>
      %dma_start3A_199 = arith.constant 0 : i32
      %dma_start3A_200 = tpu.memref_slice %arg11[%dma_start3A_199] : memref<6400xf32, #tpu.memory_space<vmem>> -> memref<4000xf32, #tpu.memory_space<vmem>>
      tpu.enqueue_dma source(%dma_start3A_200 : memref<4000xf32, #tpu.memory_space<vmem>>) target(%dma_start3A_198 : memref<4000xf32, #tpu.memory_space<vmem_shared>>) target_semaphore(%arg15 : memref<!tpu.dma_semaphore, #tpu.memory_space<semaphore_mem>>)
    } else {
    }
    %add3A_130 = arith.constant 240 : i32
    %add3A_131 = arith.addi %arg1, %add3A_130 : i32
    %lt3A_132 = arith.constant 250 : i32
    %lt3A_133 = arith.cmpi slt, %add3A_131, %lt3A_132 : i32
    %convert_element_type3A_134 = arith.extui %lt3A_133 : i1 to i32
    %cond3A_135 = arith.constant 0 : i32
    %cond3A_136 = arith.cmpi ne, %convert_element_type3A_134, %cond3A_135 : i32
    scf.if %cond3A_136 {
      %add3A_171 = arith.constant 240 : i32
      %add3A_172 = arith.addi %arg1, %add3A_171 : i32
      %mul3A_173 = arith.constant 4000 : i32
      %mul3A_174 = arith.muli %add3A_172, %mul3A_173 : i32
      %dma_wait3A_175 = arith.constant 0 : i32
      %dma_wait3A_176 = tpu.memref_slice %arg11[%dma_wait3A_175] : memref<6400xf32, #tpu.memory_space<vmem>> -> memref<4000xf32, #tpu.memory_space<vmem>>
      %dma_wait3A_177 = tpu.memref_slice %arg5[%mul3A_174] : memref<1000000xf32, #tpu.memory_space<vmem_shared>> -> memref<4000xf32, #tpu.memory_space<vmem_shared>>
      %dma_wait3A_178 = tpu.memref_slice %arg5[%mul3A_174] : memref<1000000xf32, #tpu.memory_space<vmem_shared>> -> memref<4000xf32, #tpu.memory_space<vmem_shared>>
      %dma_wait3A_179 = arith.constant 0 : i32
      %dma_wait3A_180 = tpu.memref_slice %arg11[%dma_wait3A_179] : memref<6400xf32, #tpu.memory_space<vmem>> -> memref<4000xf32, #tpu.memory_space<vmem>>
      tpu.wait_dma2 semaphore(%arg15 : memref<!tpu.dma_semaphore, #tpu.memory_space<semaphore_mem>>) src(%dma_wait3A_180 : memref<4000xf32, #tpu.memory_space<vmem>>) dst(%dma_wait3A_178 : memref<4000xf32, #tpu.memory_space<vmem_shared>>)
    } else {
    }
    %not3A = arith.constant true
    %not3A_137 = arith.xori %lt3A_133, %not3A : i1
    %convert_element_type3A_138 = arith.extui %not3A_137 : i1 to i32
    %cond3A_139 = arith.constant 0 : i32
    %cond3A_140 = arith.cmpi ne, %convert_element_type3A_138, %cond3A_139 : i32
    scf.if %cond3A_140 {
      %add3A_171 = arith.constant 224 : i32
      %add3A_172 = arith.addi %arg1, %add3A_171 : i32
      %mul3A_173 = arith.constant 4000 : i32
      %mul3A_174 = arith.muli %add3A_172, %mul3A_173 : i32
      %dma_wait3A_175 = arith.constant 0 : i32
      %dma_wait3A_176 = tpu.memref_slice %arg10[%dma_wait3A_175] : memref<6400xf32, #tpu.memory_space<vmem>> -> memref<4000xf32, #tpu.memory_space<vmem>>
      %dma_wait3A_177 = tpu.memref_slice %arg5[%mul3A_174] : memref<1000000xf32, #tpu.memory_space<vmem_shared>> -> memref<4000xf32, #tpu.memory_space<vmem_shared>>
      %dma_wait3A_178 = tpu.memref_slice %arg5[%mul3A_174] : memref<1000000xf32, #tpu.memory_space<vmem_shared>> -> memref<4000xf32, #tpu.memory_space<vmem_shared>>
      %dma_wait3A_179 = arith.constant 0 : i32
      %dma_wait3A_180 = tpu.memref_slice %arg10[%dma_wait3A_179] : memref<6400xf32, #tpu.memory_space<vmem>> -> memref<4000xf32, #tpu.memory_space<vmem>>
      tpu.wait_dma2 semaphore(%arg14 : memref<!tpu.dma_semaphore, #tpu.memory_space<semaphore_mem>>) src(%dma_wait3A_180 : memref<4000xf32, #tpu.memory_space<vmem>>) dst(%dma_wait3A_178 : memref<4000xf32, #tpu.memory_space<vmem_shared>>)
    } else {
    }
    %barrier3A = arith.constant 0 : index
    tpu.barrier barrier_id(%barrier3A)
    %add3A_141 = arith.constant 0 : i32
    %add3A_142 = arith.addi %mul3A_2, %add3A_141 : i32
    %dma_wait3A = arith.constant 0 : i32
    %dma_wait3A_143 = tpu.memref_slice %arg2[%add3A_142, %dma_wait3A] : memref<16384x200xi32, #tpu.memory_space<hbm>> -> memref<32x200xi32, #tpu.memory_space<hbm>>
    %dma_wait3A_144 = arith.constant 0 : i32
    %dma_wait3A_145 = tpu.memref_slice %arg2[%add3A_142, %dma_wait3A_144] : memref<16384x200xi32, #tpu.memory_space<hbm>> -> memref<32x200xi32, #tpu.memory_space<hbm>>
    tpu.wait_dma2 semaphore(%arg16 : memref<!tpu.dma_semaphore, #tpu.memory_space<semaphore_mem>>) src(%dma_wait3A_145 : memref<32x200xi32, #tpu.memory_space<hbm>>) dst(%arg6 : memref<32x200xi32, #tpu.memory_space<vmem>>)
    %scan3A = arith.constant 0 : i32
    %scan3A_146 = arith.constant 0 : i32
    %scan3A_147 = arith.constant 32 : i32
    %scan3A_148 = arith.addi %scan3A_146, %scan3A_147 : i32
    %scan3A_149 = arith.constant 2 : i32
    scf.for %scan3A_171 = %scan3A_146 to %scan3A_148 step %scan3A_149  : i32 {
      %get3A = arith.index_cast %scan3A_171 : i32 to index
      %get3A_172 = arith.constant 0 : index
      %get3A_173 = tpu.vector_load %arg6[%get3A, %get3A_172] {strides = array<i32>} : memref<32x200xi32, #tpu.memory_space<vmem>>, vector<1x16xi32>,
      %get3A_174 = vector.shape_cast %get3A_173 : vector<1x16xi32> to vector<16xi32>
      %mul3A_175 = arith.constant 200 : i32
      %mul3A_176 = arith.muli %scan3A_171, %mul3A_175 : i32
      %add3A_177 = arith.constant 0 : i32
      %add3A_178 = arith.addi %mul3A_176, %add3A_177 : i32
      %swap3A = arith.index_cast %add3A_178 : i32 to index
      %swap3A_179 = tpu.vector_load %arg8[%swap3A] {strides = array<i32>} : memref<6400xi32, #tpu.memory_space<vmem>>, vector<16xi32>,
      %swap3A_180 = vector.shape_cast %swap3A_179 : vector<16xi32> to vector<16xi32>
      %swap3A_181 = vector.shape_cast %get3A_174 : vector<16xi32> to vector<16xi32>
      tpu.vector_store %arg8[%swap3A], %swap3A_181 {strides = array<i32>} : memref<6400xi32, #tpu.memory_space<vmem>>, vector<16xi32>,
      %get3A_182 = arith.index_cast %scan3A_171 : i32 to index
      %get3A_183 = arith.constant 16 : index
      %get3A_184 = tpu.vector_load %arg6[%get3A_182, %get3A_183] {strides = array<i32>} : memref<32x200xi32, #tpu.memory_space<vmem>>, vector<1x16xi32>,
      %get3A_185 = vector.shape_cast %get3A_184 : vector<1x16xi32> to vector<16xi32>
      %mul3A_186 = arith.constant 200 : i32
      %mul3A_187 = arith.muli %scan3A_171, %mul3A_186 : i32
      %add3A_188 = arith.constant 16 : i32
      %add3A_189 = arith.addi %mul3A_187, %add3A_188 : i32
      %swap3A_190 = arith.index_cast %add3A_189 : i32 to index
      %swap3A_191 = tpu.vector_load %arg8[%swap3A_190] {strides = array<i32>} : memref<6400xi32, #tpu.memory_space<vmem>>, vector<16xi32>,
      %swap3A_192 = vector.shape_cast %swap3A_191 : vector<16xi32> to vector<16xi32>
      %swap3A_193 = vector.shape_cast %get3A_185 : vector<16xi32> to vector<16xi32>
      tpu.vector_store %arg8[%swap3A_190], %swap3A_193 {strides = array<i32>} : memref<6400xi32, #tpu.memory_space<vmem>>, vector<16xi32>,
      %get3A_194 = arith.index_cast %scan3A_171 : i32 to index
      %get3A_195 = arith.constant 32 : index
      %get3A_196 = tpu.vector_load %arg6[%get3A_194, %get3A_195] {strides = array<i32>} : memref<32x200xi32, #tpu.memory_space<vmem>>, vector<1x16xi32>,
      %get3A_197 = vector.shape_cast %get3A_196 : vector<1x16xi32> to vector<16xi32>
      %mul3A_198 = arith.constant 200 : i32
      %mul3A_199 = arith.muli %scan3A_171, %mul3A_198 : i32
      %add3A_200 = arith.constant 32 : i32
      %add3A_201 = arith.addi %mul3A_199, %add3A_200 : i32
      %swap3A_202 = arith.index_cast %add3A_201 : i32 to index
      %swap3A_203 = tpu.vector_load %arg8[%swap3A_202] {strides = array<i32>} : memref<6400xi32, #tpu.memory_space<vmem>>, vector<16xi32>,
      %swap3A_204 = vector.shape_cast %swap3A_203 : vector<16xi32> to vector<16xi32>
      %swap3A_205 = vector.shape_cast %get3A_197 : vector<16xi32> to vector<16xi32>
      tpu.vector_store %arg8[%swap3A_202], %swap3A_205 {strides = array<i32>} : memref<6400xi32, #tpu.memory_space<vmem>>, vector<16xi32>,
      %get3A_206 = arith.index_cast %scan3A_171 : i32 to index
      %get3A_207 = arith.constant 48 : index
      %get3A_208 = tpu.vector_load %arg6[%get3A_206, %get3A_207] {strides = array<i32>} : memref<32x200xi32, #tpu.memory_space<vmem>>, vector<1x16xi32>,
      %get3A_209 = vector.shape_cast %get3A_208 : vector<1x16xi32> to vector<16xi32>
      %mul3A_210 = arith.constant 200 : i32
      %mul3A_211 = arith.muli %scan3A_171, %mul3A_210 : i32
      %add3A_212 = arith.constant 48 : i32
      %add3A_213 = arith.addi %mul3A_211, %add3A_212 : i32
      %swap3A_214 = arith.index_cast %add3A_213 : i32 to index
      %swap3A_215 = tpu.vector_load %arg8[%swap3A_214] {strides = array<i32>} : memref<6400xi32, #tpu.memory_space<vmem>>, vector<16xi32>,
      %swap3A_216 = vector.shape_cast %swap3A_215 : vector<16xi32> to vector<16xi32>
      %swap3A_217 = vector.shape_cast %get3A_209 : vector<16xi32> to vector<16xi32>
      tpu.vector_store %arg8[%swap3A_214], %swap3A_217 {strides = array<i32>} : memref<6400xi32, #tpu.memory_space<vmem>>, vector<16xi32>,
      %get3A_218 = arith.index_cast %scan3A_171 : i32 to index
      %get3A_219 = arith.constant 64 : index
      %get3A_220 = tpu.vector_load %arg6[%get3A_218, %get3A_219] {strides = array<i32>} : memref<32x200xi32, #tpu.memory_space<vmem>>, vector<1x16xi32>,
      %get3A_221 = vector.shape_cast %get3A_220 : vector<1x16xi32> to vector<16xi32>
      %mul3A_222 = arith.constant 200 : i32
      %mul3A_223 = arith.muli %scan3A_171, %mul3A_222 : i32
      %add3A_224 = arith.constant 64 : i32
      %add3A_225 = arith.addi %mul3A_223, %add3A_224 : i32
      %swap3A_226 = arith.index_cast %add3A_225 : i32 to index
      %swap3A_227 = tpu.vector_load %arg8[%swap3A_226] {strides = array<i32>} : memref<6400xi32, #tpu.memory_space<vmem>>, vector<16xi32>,
      %swap3A_228 = vector.shape_cast %swap3A_227 : vector<16xi32> to vector<16xi32>
      %swap3A_229 = vector.shape_cast %get3A_221 : vector<16xi32> to vector<16xi32>
      tpu.vector_store %arg8[%swap3A_226], %swap3A_229 {strides = array<i32>} : memref<6400xi32, #tpu.memory_space<vmem>>, vector<16xi32>,
      %get3A_230 = arith.index_cast %scan3A_171 : i32 to index
      %get3A_231 = arith.constant 80 : index
      %get3A_232 = tpu.vector_load %arg6[%get3A_230, %get3A_231] {strides = array<i32>} : memref<32x200xi32, #tpu.memory_space<vmem>>, vector<1x16xi32>,
      %get3A_233 = vector.shape_cast %get3A_232 : vector<1x16xi32> to vector<16xi32>
      %mul3A_234 = arith.constant 200 : i32
      %mul3A_235 = arith.muli %scan3A_171, %mul3A_234 : i32
      %add3A_236 = arith.constant 80 : i32
      %add3A_237 = arith.addi %mul3A_235, %add3A_236 : i32
      %swap3A_238 = arith.index_cast %add3A_237 : i32 to index
      %swap3A_239 = tpu.vector_load %arg8[%swap3A_238] {strides = array<i32>} : memref<6400xi32, #tpu.memory_space<vmem>>, vector<16xi32>,
      %swap3A_240 = vector.shape_cast %swap3A_239 : vector<16xi32> to vector<16xi32>
      %swap3A_241 = vector.shape_cast %get3A_233 : vector<16xi32> to vector<16xi32>
      tpu.vector_store %arg8[%swap3A_238], %swap3A_241 {strides = array<i32>} : memref<6400xi32, #tpu.memory_space<vmem>>, vector<16xi32>,
      %get3A_242 = arith.index_cast %scan3A_171 : i32 to index
      %get3A_243 = arith.constant 96 : index
      %get3A_244 = tpu.vector_load %arg6[%get3A_242, %get3A_243] {strides = array<i32>} : memref<32x200xi32, #tpu.memory_space<vmem>>, vector<1x16xi32>,
      %get3A_245 = vector.shape_cast %get3A_244 : vector<1x16xi32> to vector<16xi32>
      %mul3A_246 = arith.constant 200 : i32
      %mul3A_247 = arith.muli %scan3A_171, %mul3A_246 : i32
      %add3A_248 = arith.constant 96 : i32
      %add3A_249 = arith.addi %mul3A_247, %add3A_248 : i32
      %swap3A_250 = arith.index_cast %add3A_249 : i32 to index
      %swap3A_251 = tpu.vector_load %arg8[%swap3A_250] {strides = array<i32>} : memref<6400xi32, #tpu.memory_space<vmem>>, vector<16xi32>,
      %swap3A_252 = vector.shape_cast %swap3A_251 : vector<16xi32> to vector<16xi32>
      %swap3A_253 = vector.shape_cast %get3A_245 : vector<16xi32> to vector<16xi32>
      tpu.vector_store %arg8[%swap3A_250], %swap3A_253 {strides = array<i32>} : memref<6400xi32, #tpu.memory_space<vmem>>, vector<16xi32>,
      %get3A_254 = arith.index_cast %scan3A_171 : i32 to index
      %get3A_255 = arith.constant 112 : index
      %get3A_256 = tpu.vector_load %arg6[%get3A_254, %get3A_255] {strides = array<i32>} : memref<32x200xi32, #tpu.memory_space<vmem>>, vector<1x16xi32>,
      %get3A_257 = vector.shape_cast %get3A_256 : vector<1x16xi32> to vector<16xi32>
      %mul3A_258 = arith.constant 200 : i32
      %mul3A_259 = arith.muli %scan3A_171, %mul3A_258 : i32
      %add3A_260 = arith.constant 112 : i32
      %add3A_261 = arith.addi %mul3A_259, %add3A_260 : i32
      %swap3A_262 = arith.index_cast %add3A_261 : i32 to index
      %swap3A_263 = tpu.vector_load %arg8[%swap3A_262] {strides = array<i32>} : memref<6400xi32, #tpu.memory_space<vmem>>, vector<16xi32>,
      %swap3A_264 = vector.shape_cast %swap3A_263 : vector<16xi32> to vector<16xi32>
      %swap3A_265 = vector.shape_cast %get3A_257 : vector<16xi32> to vector<16xi32>
      tpu.vector_store %arg8[%swap3A_262], %swap3A_265 {strides = array<i32>} : memref<6400xi32, #tpu.memory_space<vmem>>, vector<16xi32>,
      %get3A_266 = arith.index_cast %scan3A_171 : i32 to index
      %get3A_267 = arith.constant 128 : index
      %get3A_268 = tpu.vector_load %arg6[%get3A_266, %get3A_267] {strides = array<i32>} : memref<32x200xi32, #tpu.memory_space<vmem>>, vector<1x16xi32>,
      %get3A_269 = vector.shape_cast %get3A_268 : vector<1x16xi32> to vector<16xi32>
      %mul3A_270 = arith.constant 200 : i32
      %mul3A_271 = arith.muli %scan3A_171, %mul3A_270 : i32
      %add3A_272 = arith.constant 128 : i32
      %add3A_273 = arith.addi %mul3A_271, %add3A_272 : i32
      %swap3A_274 = arith.index_cast %add3A_273 : i32 to index
      %swap3A_275 = tpu.vector_load %arg8[%swap3A_274] {strides = array<i32>} : memref<6400xi32, #tpu.memory_space<vmem>>, vector<16xi32>,
      %swap3A_276 = vector.shape_cast %swap3A_275 : vector<16xi32> to vector<16xi32>
      %swap3A_277 = vector.shape_cast %get3A_269 : vector<16xi32> to vector<16xi32>
      tpu.vector_store %arg8[%swap3A_274], %swap3A_277 {strides = array<i32>} : memref<6400xi32, #tpu.memory_space<vmem>>, vector<16xi32>,
      %get3A_278 = arith.index_cast %scan3A_171 : i32 to index
      %get3A_279 = arith.constant 144 : index
      %get3A_280 = tpu.vector_load %arg6[%get3A_278, %get3A_279] {strides = array<i32>} : memref<32x200xi32, #tpu.memory_space<vmem>>, vector<1x16xi32>,
      %get3A_281 = vector.shape_cast %get3A_280 : vector<1x16xi32> to vector<16xi32>
      %mul3A_282 = arith.constant 200 : i32
      %mul3A_283 = arith.muli %scan3A_171, %mul3A_282 : i32
      %add3A_284 = arith.constant 144 : i32
      %add3A_285 = arith.addi %mul3A_283, %add3A_284 : i32
      %swap3A_286 = arith.index_cast %add3A_285 : i32 to index
      %swap3A_287 = tpu.vector_load %arg8[%swap3A_286] {strides = array<i32>} : memref<6400xi32, #tpu.memory_space<vmem>>, vector<16xi32>,
      %swap3A_288 = vector.shape_cast %swap3A_287 : vector<16xi32> to vector<16xi32>
      %swap3A_289 = vector.shape_cast %get3A_281 : vector<16xi32> to vector<16xi32>
      tpu.vector_store %arg8[%swap3A_286], %swap3A_289 {strides = array<i32>} : memref<6400xi32, #tpu.memory_space<vmem>>, vector<16xi32>,
      %get3A_290 = arith.index_cast %scan3A_171 : i32 to index
      %get3A_291 = arith.constant 160 : index
      %get3A_292 = tpu.vector_load %arg6[%get3A_290, %get3A_291] {strides = array<i32>} : memref<32x200xi32, #tpu.memory_space<vmem>>, vector<1x16xi32>,
      %get3A_293 = vector.shape_cast %get3A_292 : vector<1x16xi32> to vector<16xi32>
      %mul3A_294 = arith.constant 200 : i32
      %mul3A_295 = arith.muli %scan3A_171, %mul3A_294 : i32
      %add3A_296 = arith.constant 160 : i32
      %add3A_297 = arith.addi %mul3A_295, %add3A_296 : i32
      %swap3A_298 = arith.index_cast %add3A_297 : i32 to index
      %swap3A_299 = tpu.vector_load %arg8[%swap3A_298] {strides = array<i32>} : memref<6400xi32, #tpu.memory_space<vmem>>, vector<16xi32>,
      %swap3A_300 = vector.shape_cast %swap3A_299 : vector<16xi32> to vector<16xi32>
      %swap3A_301 = vector.shape_cast %get3A_293 : vector<16xi32> to vector<16xi32>
      tpu.vector_store %arg8[%swap3A_298], %swap3A_301 {strides = array<i32>} : memref<6400xi32, #tpu.memory_space<vmem>>, vector<16xi32>,
      %get3A_302 = arith.index_cast %scan3A_171 : i32 to index
      %get3A_303 = arith.constant 176 : index
      %get3A_304 = tpu.vector_load %arg6[%get3A_302, %get3A_303] {strides = array<i32>} : memref<32x200xi32, #tpu.memory_space<vmem>>, vector<1x16xi32>,
      %get3A_305 = vector.shape_cast %get3A_304 : vector<1x16xi32> to vector<16xi32>
      %mul3A_306 = arith.constant 200 : i32
      %mul3A_307 = arith.muli %scan3A_171, %mul3A_306 : i32
      %add3A_308 = arith.constant 176 : i32
      %add3A_309 = arith.addi %mul3A_307, %add3A_308 : i32
      %swap3A_310 = arith.index_cast %add3A_309 : i32 to index
      %swap3A_311 = tpu.vector_load %arg8[%swap3A_310] {strides = array<i32>} : memref<6400xi32, #tpu.memory_space<vmem>>, vector<16xi32>,
      %swap3A_312 = vector.shape_cast %swap3A_311 : vector<16xi32> to vector<16xi32>
      %swap3A_313 = vector.shape_cast %get3A_305 : vector<16xi32> to vector<16xi32>
      tpu.vector_store %arg8[%swap3A_310], %swap3A_313 {strides = array<i32>} : memref<6400xi32, #tpu.memory_space<vmem>>, vector<16xi32>,
      %get3A_314 = arith.index_cast %scan3A_171 : i32 to index
      %get3A_315 = arith.constant 184 : index
      %get3A_316 = tpu.vector_load %arg6[%get3A_314, %get3A_315] {strides = array<i32>} : memref<32x200xi32, #tpu.memory_space<vmem>>, vector<1x16xi32>,
      %get3A_317 = vector.shape_cast %get3A_316 : vector<1x16xi32> to vector<16xi32>
      %mul3A_318 = arith.constant 200 : i32
      %mul3A_319 = arith.muli %scan3A_171, %mul3A_318 : i32
      %add3A_320 = arith.constant 184 : i32
      %add3A_321 = arith.addi %mul3A_319, %add3A_320 : i32
      %swap3A_322 = arith.index_cast %add3A_321 : i32 to index
      %swap3A_323 = tpu.vector_load %arg8[%swap3A_322] {strides = array<i32>} : memref<6400xi32, #tpu.memory_space<vmem>>, vector<16xi32>,
      %swap3A_324 = vector.shape_cast %swap3A_323 : vector<16xi32> to vector<16xi32>
      %swap3A_325 = vector.shape_cast %get3A_317 : vector<16xi32> to vector<16xi32>
      tpu.vector_store %arg8[%swap3A_322], %swap3A_325 {strides = array<i32>} : memref<6400xi32, #tpu.memory_space<vmem>>, vector<16xi32>,
      %scan3A_326 = arith.constant 1 : i32
      %scan3A_327 = arith.addi %scan3A_171, %scan3A_326 : i32
      %get3A_328 = arith.index_cast %scan3A_327 : i32 to index
      %get3A_329 = arith.constant 0 : index
      %get3A_330 = tpu.vector_load %arg6[%get3A_328, %get3A_329] {strides = array<i32>} : memref<32x200xi32, #tpu.memory_space<vmem>>, vector<1x16xi32>,
      %get3A_331 = vector.shape_cast %get3A_330 : vector<1x16xi32> to vector<16xi32>
      %mul3A_332 = arith.constant 200 : i32
      %mul3A_333 = arith.muli %scan3A_327, %mul3A_332 : i32
      %add3A_334 = arith.constant 0 : i32
      %add3A_335 = arith.addi %mul3A_333, %add3A_334 : i32
      %swap3A_336 = arith.index_cast %add3A_335 : i32 to index
      %swap3A_337 = tpu.vector_load %arg8[%swap3A_336] {strides = array<i32>} : memref<6400xi32, #tpu.memory_space<vmem>>, vector<16xi32>,
      %swap3A_338 = vector.shape_cast %swap3A_337 : vector<16xi32> to vector<16xi32>
      %swap3A_339 = vector.shape_cast %get3A_331 : vector<16xi32> to vector<16xi32>
      tpu.vector_store %arg8[%swap3A_336], %swap3A_339 {strides = array<i32>} : memref<6400xi32, #tpu.memory_space<vmem>>, vector<16xi32>,
      %get3A_340 = arith.index_cast %scan3A_327 : i32 to index
      %get3A_341 = arith.constant 16 : index
      %get3A_342 = tpu.vector_load %arg6[%get3A_340, %get3A_341] {strides = array<i32>} : memref<32x200xi32, #tpu.memory_space<vmem>>, vector<1x16xi32>,
      %get3A_343 = vector.shape_cast %get3A_342 : vector<1x16xi32> to vector<16xi32>
      %mul3A_344 = arith.constant 200 : i32
      %mul3A_345 = arith.muli %scan3A_327, %mul3A_344 : i32
      %add3A_346 = arith.constant 16 : i32
      %add3A_347 = arith.addi %mul3A_345, %add3A_346 : i32
      %swap3A_348 = arith.index_cast %add3A_347 : i32 to index
      %swap3A_349 = tpu.vector_load %arg8[%swap3A_348] {strides = array<i32>} : memref<6400xi32, #tpu.memory_space<vmem>>, vector<16xi32>,
      %swap3A_350 = vector.shape_cast %swap3A_349 : vector<16xi32> to vector<16xi32>
      %swap3A_351 = vector.shape_cast %get3A_343 : vector<16xi32> to vector<16xi32>
      tpu.vector_store %arg8[%swap3A_348], %swap3A_351 {strides = array<i32>} : memref<6400xi32, #tpu.memory_space<vmem>>, vector<16xi32>,
      %get3A_352 = arith.index_cast %scan3A_327 : i32 to index
      %get3A_353 = arith.constant 32 : index
      %get3A_354 = tpu.vector_load %arg6[%get3A_352, %get3A_353] {strides = array<i32>} : memref<32x200xi32, #tpu.memory_space<vmem>>, vector<1x16xi32>,
      %get3A_355 = vector.shape_cast %get3A_354 : vector<1x16xi32> to vector<16xi32>
      %mul3A_356 = arith.constant 200 : i32
      %mul3A_357 = arith.muli %scan3A_327, %mul3A_356 : i32
      %add3A_358 = arith.constant 32 : i32
      %add3A_359 = arith.addi %mul3A_357, %add3A_358 : i32
      %swap3A_360 = arith.index_cast %add3A_359 : i32 to index
      %swap3A_361 = tpu.vector_load %arg8[%swap3A_360] {strides = array<i32>} : memref<6400xi32, #tpu.memory_space<vmem>>, vector<16xi32>,
      %swap3A_362 = vector.shape_cast %swap3A_361 : vector<16xi32> to vector<16xi32>
      %swap3A_363 = vector.shape_cast %get3A_355 : vector<16xi32> to vector<16xi32>
      tpu.vector_store %arg8[%swap3A_360], %swap3A_363 {strides = array<i32>} : memref<6400xi32, #tpu.memory_space<vmem>>, vector<16xi32>,
      %get3A_364 = arith.index_cast %scan3A_327 : i32 to index
      %get3A_365 = arith.constant 48 : index
      %get3A_366 = tpu.vector_load %arg6[%get3A_364, %get3A_365] {strides = array<i32>} : memref<32x200xi32, #tpu.memory_space<vmem>>, vector<1x16xi32>,
      %get3A_367 = vector.shape_cast %get3A_366 : vector<1x16xi32> to vector<16xi32>
      %mul3A_368 = arith.constant 200 : i32
      %mul3A_369 = arith.muli %scan3A_327, %mul3A_368 : i32
      %add3A_370 = arith.constant 48 : i32
      %add3A_371 = arith.addi %mul3A_369, %add3A_370 : i32
      %swap3A_372 = arith.index_cast %add3A_371 : i32 to index
      %swap3A_373 = tpu.vector_load %arg8[%swap3A_372] {strides = array<i32>} : memref<6400xi32, #tpu.memory_space<vmem>>, vector<16xi32>,
      %swap3A_374 = vector.shape_cast %swap3A_373 : vector<16xi32> to vector<16xi32>
      %swap3A_375 = vector.shape_cast %get3A_367 : vector<16xi32> to vector<16xi32>
      tpu.vector_store %arg8[%swap3A_372], %swap3A_375 {strides = array<i32>} : memref<6400xi32, #tpu.memory_space<vmem>>, vector<16xi32>,
      %get3A_376 = arith.index_cast %scan3A_327 : i32 to index
      %get3A_377 = arith.constant 64 : index
      %get3A_378 = tpu.vector_load %arg6[%get3A_376, %get3A_377] {strides = array<i32>} : memref<32x200xi32, #tpu.memory_space<vmem>>, vector<1x16xi32>,
      %get3A_379 = vector.shape_cast %get3A_378 : vector<1x16xi32> to vector<16xi32>
      %mul3A_380 = arith.constant 200 : i32
      %mul3A_381 = arith.muli %scan3A_327, %mul3A_380 : i32
      %add3A_382 = arith.constant 64 : i32
      %add3A_383 = arith.addi %mul3A_381, %add3A_382 : i32
      %swap3A_384 = arith.index_cast %add3A_383 : i32 to index
      %swap3A_385 = tpu.vector_load %arg8[%swap3A_384] {strides = array<i32>} : memref<6400xi32, #tpu.memory_space<vmem>>, vector<16xi32>,
      %swap3A_386 = vector.shape_cast %swap3A_385 : vector<16xi32> to vector<16xi32>
      %swap3A_387 = vector.shape_cast %get3A_379 : vector<16xi32> to vector<16xi32>
      tpu.vector_store %arg8[%swap3A_384], %swap3A_387 {strides = array<i32>} : memref<6400xi32, #tpu.memory_space<vmem>>, vector<16xi32>,
      %get3A_388 = arith.index_cast %scan3A_327 : i32 to index
      %get3A_389 = arith.constant 80 : index
      %get3A_390 = tpu.vector_load %arg6[%get3A_388, %get3A_389] {strides = array<i32>} : memref<32x200xi32, #tpu.memory_space<vmem>>, vector<1x16xi32>,
      %get3A_391 = vector.shape_cast %get3A_390 : vector<1x16xi32> to vector<16xi32>
      %mul3A_392 = arith.constant 200 : i32
      %mul3A_393 = arith.muli %scan3A_327, %mul3A_392 : i32
      %add3A_394 = arith.constant 80 : i32
      %add3A_395 = arith.addi %mul3A_393, %add3A_394 : i32
      %swap3A_396 = arith.index_cast %add3A_395 : i32 to index
      %swap3A_397 = tpu.vector_load %arg8[%swap3A_396] {strides = array<i32>} : memref<6400xi32, #tpu.memory_space<vmem>>, vector<16xi32>,
      %swap3A_398 = vector.shape_cast %swap3A_397 : vector<16xi32> to vector<16xi32>
      %swap3A_399 = vector.shape_cast %get3A_391 : vector<16xi32> to vector<16xi32>
      tpu.vector_store %arg8[%swap3A_396], %swap3A_399 {strides = array<i32>} : memref<6400xi32, #tpu.memory_space<vmem>>, vector<16xi32>,
      %get3A_400 = arith.index_cast %scan3A_327 : i32 to index
      %get3A_401 = arith.constant 96 : index
      %get3A_402 = tpu.vector_load %arg6[%get3A_400, %get3A_401] {strides = array<i32>} : memref<32x200xi32, #tpu.memory_space<vmem>>, vector<1x16xi32>,
      %get3A_403 = vector.shape_cast %get3A_402 : vector<1x16xi32> to vector<16xi32>
      %mul3A_404 = arith.constant 200 : i32
      %mul3A_405 = arith.muli %scan3A_327, %mul3A_404 : i32
      %add3A_406 = arith.constant 96 : i32
      %add3A_407 = arith.addi %mul3A_405, %add3A_406 : i32
      %swap3A_408 = arith.index_cast %add3A_407 : i32 to index
      %swap3A_409 = tpu.vector_load %arg8[%swap3A_408] {strides = array<i32>} : memref<6400xi32, #tpu.memory_space<vmem>>, vector<16xi32>,
      %swap3A_410 = vector.shape_cast %swap3A_409 : vector<16xi32> to vector<16xi32>
      %swap3A_411 = vector.shape_cast %get3A_403 : vector<16xi32> to vector<16xi32>
      tpu.vector_store %arg8[%swap3A_408], %swap3A_411 {strides = array<i32>} : memref<6400xi32, #tpu.memory_space<vmem>>, vector<16xi32>,
      %get3A_412 = arith.index_cast %scan3A_327 : i32 to index
      %get3A_413 = arith.constant 112 : index
      %get3A_414 = tpu.vector_load %arg6[%get3A_412, %get3A_413] {strides = array<i32>} : memref<32x200xi32, #tpu.memory_space<vmem>>, vector<1x16xi32>,
      %get3A_415 = vector.shape_cast %get3A_414 : vector<1x16xi32> to vector<16xi32>
      %mul3A_416 = arith.constant 200 : i32
      %mul3A_417 = arith.muli %scan3A_327, %mul3A_416 : i32
      %add3A_418 = arith.constant 112 : i32
      %add3A_419 = arith.addi %mul3A_417, %add3A_418 : i32
      %swap3A_420 = arith.index_cast %add3A_419 : i32 to index
      %swap3A_421 = tpu.vector_load %arg8[%swap3A_420] {strides = array<i32>} : memref<6400xi32, #tpu.memory_space<vmem>>, vector<16xi32>,
      %swap3A_422 = vector.shape_cast %swap3A_421 : vector<16xi32> to vector<16xi32>
      %swap3A_423 = vector.shape_cast %get3A_415 : vector<16xi32> to vector<16xi32>
      tpu.vector_store %arg8[%swap3A_420], %swap3A_423 {strides = array<i32>} : memref<6400xi32, #tpu.memory_space<vmem>>, vector<16xi32>,
      %get3A_424 = arith.index_cast %scan3A_327 : i32 to index
      %get3A_425 = arith.constant 128 : index
      %get3A_426 = tpu.vector_load %arg6[%get3A_424, %get3A_425] {strides = array<i32>} : memref<32x200xi32, #tpu.memory_space<vmem>>, vector<1x16xi32>,
      %get3A_427 = vector.shape_cast %get3A_426 : vector<1x16xi32> to vector<16xi32>
      %mul3A_428 = arith.constant 200 : i32
      %mul3A_429 = arith.muli %scan3A_327, %mul3A_428 : i32
      %add3A_430 = arith.constant 128 : i32
      %add3A_431 = arith.addi %mul3A_429, %add3A_430 : i32
      %swap3A_432 = arith.index_cast %add3A_431 : i32 to index
      %swap3A_433 = tpu.vector_load %arg8[%swap3A_432] {strides = array<i32>} : memref<6400xi32, #tpu.memory_space<vmem>>, vector<16xi32>,
      %swap3A_434 = vector.shape_cast %swap3A_433 : vector<16xi32> to vector<16xi32>
      %swap3A_435 = vector.shape_cast %get3A_427 : vector<16xi32> to vector<16xi32>
      tpu.vector_store %arg8[%swap3A_432], %swap3A_435 {strides = array<i32>} : memref<6400xi32, #tpu.memory_space<vmem>>, vector<16xi32>,
      %get3A_436 = arith.index_cast %scan3A_327 : i32 to index
      %get3A_437 = arith.constant 144 : index
      %get3A_438 = tpu.vector_load %arg6[%get3A_436, %get3A_437] {strides = array<i32>} : memref<32x200xi32, #tpu.memory_space<vmem>>, vector<1x16xi32>,
      %get3A_439 = vector.shape_cast %get3A_438 : vector<1x16xi32> to vector<16xi32>
      %mul3A_440 = arith.constant 200 : i32
      %mul3A_441 = arith.muli %scan3A_327, %mul3A_440 : i32
      %add3A_442 = arith.constant 144 : i32
      %add3A_443 = arith.addi %mul3A_441, %add3A_442 : i32
      %swap3A_444 = arith.index_cast %add3A_443 : i32 to index
      %swap3A_445 = tpu.vector_load %arg8[%swap3A_444] {strides = array<i32>} : memref<6400xi32, #tpu.memory_space<vmem>>, vector<16xi32>,
      %swap3A_446 = vector.shape_cast %swap3A_445 : vector<16xi32> to vector<16xi32>
      %swap3A_447 = vector.shape_cast %get3A_439 : vector<16xi32> to vector<16xi32>
      tpu.vector_store %arg8[%swap3A_444], %swap3A_447 {strides = array<i32>} : memref<6400xi32, #tpu.memory_space<vmem>>, vector<16xi32>,
      %get3A_448 = arith.index_cast %scan3A_327 : i32 to index
      %get3A_449 = arith.constant 160 : index
      %get3A_450 = tpu.vector_load %arg6[%get3A_448, %get3A_449] {strides = array<i32>} : memref<32x200xi32, #tpu.memory_space<vmem>>, vector<1x16xi32>,
      %get3A_451 = vector.shape_cast %get3A_450 : vector<1x16xi32> to vector<16xi32>
      %mul3A_452 = arith.constant 200 : i32
      %mul3A_453 = arith.muli %scan3A_327, %mul3A_452 : i32
      %add3A_454 = arith.constant 160 : i32
      %add3A_455 = arith.addi %mul3A_453, %add3A_454 : i32
      %swap3A_456 = arith.index_cast %add3A_455 : i32 to index
      %swap3A_457 = tpu.vector_load %arg8[%swap3A_456] {strides = array<i32>} : memref<6400xi32, #tpu.memory_space<vmem>>, vector<16xi32>,
      %swap3A_458 = vector.shape_cast %swap3A_457 : vector<16xi32> to vector<16xi32>
      %swap3A_459 = vector.shape_cast %get3A_451 : vector<16xi32> to vector<16xi32>
      tpu.vector_store %arg8[%swap3A_456], %swap3A_459 {strides = array<i32>} : memref<6400xi32, #tpu.memory_space<vmem>>, vector<16xi32>,
      %get3A_460 = arith.index_cast %scan3A_327 : i32 to index
      %get3A_461 = arith.constant 176 : index
      %get3A_462 = tpu.vector_load %arg6[%get3A_460, %get3A_461] {strides = array<i32>} : memref<32x200xi32, #tpu.memory_space<vmem>>, vector<1x16xi32>,
      %get3A_463 = vector.shape_cast %get3A_462 : vector<1x16xi32> to vector<16xi32>
      %mul3A_464 = arith.constant 200 : i32
      %mul3A_465 = arith.muli %scan3A_327, %mul3A_464 : i32
      %add3A_466 = arith.constant 176 : i32
      %add3A_467 = arith.addi %mul3A_465, %add3A_466 : i32
      %swap3A_468 = arith.index_cast %add3A_467 : i32 to index
      %swap3A_469 = tpu.vector_load %arg8[%swap3A_468] {strides = array<i32>} : memref<6400xi32, #tpu.memory_space<vmem>>, vector<16xi32>,
      %swap3A_470 = vector.shape_cast %swap3A_469 : vector<16xi32> to vector<16xi32>
      %swap3A_471 = vector.shape_cast %get3A_463 : vector<16xi32> to vector<16xi32>
      tpu.vector_store %arg8[%swap3A_468], %swap3A_471 {strides = array<i32>} : memref<6400xi32, #tpu.memory_space<vmem>>, vector<16xi32>,
      %get3A_472 = arith.index_cast %scan3A_327 : i32 to index
      %get3A_473 = arith.constant 184 : index
      %get3A_474 = tpu.vector_load %arg6[%get3A_472, %get3A_473] {strides = array<i32>} : memref<32x200xi32, #tpu.memory_space<vmem>>, vector<1x16xi32>,
      %get3A_475 = vector.shape_cast %get3A_474 : vector<1x16xi32> to vector<16xi32>
      %mul3A_476 = arith.constant 200 : i32
      %mul3A_477 = arith.muli %scan3A_327, %mul3A_476 : i32
      %add3A_478 = arith.constant 184 : i32
      %add3A_479 = arith.addi %mul3A_477, %add3A_478 : i32
      %swap3A_480 = arith.index_cast %add3A_479 : i32 to index
      %swap3A_481 = tpu.vector_load %arg8[%swap3A_480] {strides = array<i32>} : memref<6400xi32, #tpu.memory_space<vmem>>, vector<16xi32>,
      %swap3A_482 = vector.shape_cast %swap3A_481 : vector<16xi32> to vector<16xi32>
      %swap3A_483 = vector.shape_cast %get3A_475 : vector<16xi32> to vector<16xi32>
      tpu.vector_store %arg8[%swap3A_480], %swap3A_483 {strides = array<i32>} : memref<6400xi32, #tpu.memory_space<vmem>>, vector<16xi32>,
    }
    %scan3A_150 = arith.constant 32 : i32
    %dma_start3A_151 = arith.constant 0 : i32
    %dma_start3A_152 = tpu.memref_slice %arg5[%dma_start3A_151] : memref<1000000xf32, #tpu.memory_space<vmem_shared>> -> memref<1000000xf32, #tpu.memory_space<vmem_shared>>
    tpu.enqueue_indirect_dma source(%dma_start3A_152 : memref<1000000xf32, #tpu.memory_space<vmem_shared>>) target(%arg10 : memref<6400xf32, #tpu.memory_space<vmem>>) offsets(%arg8 : memref<6400xi32, #tpu.memory_space<vmem>>) semaphore(%arg18 : memref<!tpu.dma_semaphore, #tpu.memory_space<semaphore_mem>>)
    %scan3A_153 = arith.constant 0 : i32
    %scan3A_154 = arith.constant 0 : i32
    %scan3A_155 = arith.constant 8 : i32
    %scan3A_156 = arith.addi %scan3A_154, %scan3A_155 : i32
    %scan3A_157 = arith.constant 1 : i32
    scf.for %scan3A_171 = %scan3A_154 to %scan3A_156 step %scan3A_157  : i32 {
      %mul3A_172 = arith.constant 2 : i32
      %mul3A_173 = arith.muli %mul3A_172, %scan3A_171 : i32
      %add3A_174 = arith.constant 1 : i32
      %add3A_175 = arith.addi %mul3A_173, %add3A_174 : i32
      %mul3A_176 = arith.constant 32 : i32
      %mul3A_177 = arith.muli %add3A_175, %mul3A_176 : i32
      %add3A_178 = arith.addi %mul3A_2, %mul3A_177 : i32
      %dma_wait3A_179 = arith.constant 0 : i32
      %dma_wait3A_180 = tpu.memref_slice %arg2[%add3A_178, %dma_wait3A_179] : memref<16384x200xi32, #tpu.memory_space<hbm>> -> memref<32x200xi32, #tpu.memory_space<hbm>>
      %dma_wait3A_181 = arith.constant 0 : i32
      %dma_wait3A_182 = tpu.memref_slice %arg2[%add3A_178, %dma_wait3A_181] : memref<16384x200xi32, #tpu.memory_space<hbm>> -> memref<32x200xi32, #tpu.memory_space<hbm>>
      tpu.wait_dma2 semaphore(%arg17 : memref<!tpu.dma_semaphore, #tpu.memory_space<semaphore_mem>>) src(%dma_wait3A_182 : memref<32x200xi32, #tpu.memory_space<hbm>>) dst(%arg7 : memref<32x200xi32, #tpu.memory_space<vmem>>)
      %scan3A_183 = arith.constant 0 : i32
      %scan3A_184 = arith.constant 0 : i32
      %scan3A_185 = arith.constant 32 : i32
      %scan3A_186 = arith.addi %scan3A_184, %scan3A_185 : i32
      %scan3A_187 = arith.constant 2 : i32
      scf.for %scan3A_247 = %scan3A_184 to %scan3A_186 step %scan3A_187  : i32 {
        %get3A = arith.index_cast %scan3A_247 : i32 to index
        %get3A_248 = arith.constant 0 : index
        %get3A_249 = tpu.vector_load %arg7[%get3A, %get3A_248] {strides = array<i32>} : memref<32x200xi32, #tpu.memory_space<vmem>>, vector<1x16xi32>,
        %get3A_250 = vector.shape_cast %get3A_249 : vector<1x16xi32> to vector<16xi32>
        %mul3A_251 = arith.constant 200 : i32
        %mul3A_252 = arith.muli %scan3A_247, %mul3A_251 : i32
        %add3A_253 = arith.constant 0 : i32
        %add3A_254 = arith.addi %mul3A_252, %add3A_253 : i32
        %swap3A = arith.index_cast %add3A_254 : i32 to index
        %swap3A_255 = tpu.vector_load %arg9[%swap3A] {strides = array<i32>} : memref<6400xi32, #tpu.memory_space<vmem>>, vector<16xi32>,
        %swap3A_256 = vector.shape_cast %swap3A_255 : vector<16xi32> to vector<16xi32>
        %swap3A_257 = vector.shape_cast %get3A_250 : vector<16xi32> to vector<16xi32>
        tpu.vector_store %arg9[%swap3A], %swap3A_257 {strides = array<i32>} : memref<6400xi32, #tpu.memory_space<vmem>>, vector<16xi32>,
        %get3A_258 = arith.index_cast %scan3A_247 : i32 to index
        %get3A_259 = arith.constant 16 : index
        %get3A_260 = tpu.vector_load %arg7[%get3A_258, %get3A_259] {strides = array<i32>} : memref<32x200xi32, #tpu.memory_space<vmem>>, vector<1x16xi32>,
        %get3A_261 = vector.shape_cast %get3A_260 : vector<1x16xi32> to vector<16xi32>
        %mul3A_262 = arith.constant 200 : i32
        %mul3A_263 = arith.muli %scan3A_247, %mul3A_262 : i32
        %add3A_264 = arith.constant 16 : i32
        %add3A_265 = arith.addi %mul3A_263, %add3A_264 : i32
        %swap3A_266 = arith.index_cast %add3A_265 : i32 to index
        %swap3A_267 = tpu.vector_load %arg9[%swap3A_266] {strides = array<i32>} : memref<6400xi32, #tpu.memory_space<vmem>>, vector<16xi32>,
        %swap3A_268 = vector.shape_cast %swap3A_267 : vector<16xi32> to vector<16xi32>
        %swap3A_269 = vector.shape_cast %get3A_261 : vector<16xi32> to vector<16xi32>
        tpu.vector_store %arg9[%swap3A_266], %swap3A_269 {strides = array<i32>} : memref<6400xi32, #tpu.memory_space<vmem>>, vector<16xi32>,
        %get3A_270 = arith.index_cast %scan3A_247 : i32 to index
        %get3A_271 = arith.constant 32 : index
        %get3A_272 = tpu.vector_load %arg7[%get3A_270, %get3A_271] {strides = array<i32>} : memref<32x200xi32, #tpu.memory_space<vmem>>, vector<1x16xi32>,
        %get3A_273 = vector.shape_cast %get3A_272 : vector<1x16xi32> to vector<16xi32>
        %mul3A_274 = arith.constant 200 : i32
        %mul3A_275 = arith.muli %scan3A_247, %mul3A_274 : i32
        %add3A_276 = arith.constant 32 : i32
        %add3A_277 = arith.addi %mul3A_275, %add3A_276 : i32
        %swap3A_278 = arith.index_cast %add3A_277 : i32 to index
        %swap3A_279 = tpu.vector_load %arg9[%swap3A_278] {strides = array<i32>} : memref<6400xi32, #tpu.memory_space<vmem>>, vector<16xi32>,
        %swap3A_280 = vector.shape_cast %swap3A_279 : vector<16xi32> to vector<16xi32>
        %swap3A_281 = vector.shape_cast %get3A_273 : vector<16xi32> to vector<16xi32>
        tpu.vector_store %arg9[%swap3A_278], %swap3A_281 {strides = array<i32>} : memref<6400xi32, #tpu.memory_space<vmem>>, vector<16xi32>,
        %get3A_282 = arith.index_cast %scan3A_247 : i32 to index
        %get3A_283 = arith.constant 48 : index
        %get3A_284 = tpu.vector_load %arg7[%get3A_282, %get3A_283] {strides = array<i32>} : memref<32x200xi32, #tpu.memory_space<vmem>>, vector<1x16xi32>,
        %get3A_285 = vector.shape_cast %get3A_284 : vector<1x16xi32> to vector<16xi32>
        %mul3A_286 = arith.constant 200 : i32
        %mul3A_287 = arith.muli %scan3A_247, %mul3A_286 : i32
        %add3A_288 = arith.constant 48 : i32
        %add3A_289 = arith.addi %mul3A_287, %add3A_288 : i32
        %swap3A_290 = arith.index_cast %add3A_289 : i32 to index
        %swap3A_291 = tpu.vector_load %arg9[%swap3A_290] {strides = array<i32>} : memref<6400xi32, #tpu.memory_space<vmem>>, vector<16xi32>,
        %swap3A_292 = vector.shape_cast %swap3A_291 : vector<16xi32> to vector<16xi32>
        %swap3A_293 = vector.shape_cast %get3A_285 : vector<16xi32> to vector<16xi32>
        tpu.vector_store %arg9[%swap3A_290], %swap3A_293 {strides = array<i32>} : memref<6400xi32, #tpu.memory_space<vmem>>, vector<16xi32>,
        %get3A_294 = arith.index_cast %scan3A_247 : i32 to index
        %get3A_295 = arith.constant 64 : index
        %get3A_296 = tpu.vector_load %arg7[%get3A_294, %get3A_295] {strides = array<i32>} : memref<32x200xi32, #tpu.memory_space<vmem>>, vector<1x16xi32>,
        %get3A_297 = vector.shape_cast %get3A_296 : vector<1x16xi32> to vector<16xi32>
        %mul3A_298 = arith.constant 200 : i32
        %mul3A_299 = arith.muli %scan3A_247, %mul3A_298 : i32
        %add3A_300 = arith.constant 64 : i32
        %add3A_301 = arith.addi %mul3A_299, %add3A_300 : i32
        %swap3A_302 = arith.index_cast %add3A_301 : i32 to index
        %swap3A_303 = tpu.vector_load %arg9[%swap3A_302] {strides = array<i32>} : memref<6400xi32, #tpu.memory_space<vmem>>, vector<16xi32>,
        %swap3A_304 = vector.shape_cast %swap3A_303 : vector<16xi32> to vector<16xi32>
        %swap3A_305 = vector.shape_cast %get3A_297 : vector<16xi32> to vector<16xi32>
        tpu.vector_store %arg9[%swap3A_302], %swap3A_305 {strides = array<i32>} : memref<6400xi32, #tpu.memory_space<vmem>>, vector<16xi32>,
        %get3A_306 = arith.index_cast %scan3A_247 : i32 to index
        %get3A_307 = arith.constant 80 : index
        %get3A_308 = tpu.vector_load %arg7[%get3A_306, %get3A_307] {strides = array<i32>} : memref<32x200xi32, #tpu.memory_space<vmem>>, vector<1x16xi32>,
        %get3A_309 = vector.shape_cast %get3A_308 : vector<1x16xi32> to vector<16xi32>
        %mul3A_310 = arith.constant 200 : i32
        %mul3A_311 = arith.muli %scan3A_247, %mul3A_310 : i32
        %add3A_312 = arith.constant 80 : i32
        %add3A_313 = arith.addi %mul3A_311, %add3A_312 : i32
        %swap3A_314 = arith.index_cast %add3A_313 : i32 to index
        %swap3A_315 = tpu.vector_load %arg9[%swap3A_314] {strides = array<i32>} : memref<6400xi32, #tpu.memory_space<vmem>>, vector<16xi32>,
        %swap3A_316 = vector.shape_cast %swap3A_315 : vector<16xi32> to vector<16xi32>
        %swap3A_317 = vector.shape_cast %get3A_309 : vector<16xi32> to vector<16xi32>
        tpu.vector_store %arg9[%swap3A_314], %swap3A_317 {strides = array<i32>} : memref<6400xi32, #tpu.memory_space<vmem>>, vector<16xi32>,
        %get3A_318 = arith.index_cast %scan3A_247 : i32 to index
        %get3A_319 = arith.constant 96 : index
        %get3A_320 = tpu.vector_load %arg7[%get3A_318, %get3A_319] {strides = array<i32>} : memref<32x200xi32, #tpu.memory_space<vmem>>, vector<1x16xi32>,
        %get3A_321 = vector.shape_cast %get3A_320 : vector<1x16xi32> to vector<16xi32>
        %mul3A_322 = arith.constant 200 : i32
        %mul3A_323 = arith.muli %scan3A_247, %mul3A_322 : i32
        %add3A_324 = arith.constant 96 : i32
        %add3A_325 = arith.addi %mul3A_323, %add3A_324 : i32
        %swap3A_326 = arith.index_cast %add3A_325 : i32 to index
        %swap3A_327 = tpu.vector_load %arg9[%swap3A_326] {strides = array<i32>} : memref<6400xi32, #tpu.memory_space<vmem>>, vector<16xi32>,
        %swap3A_328 = vector.shape_cast %swap3A_327 : vector<16xi32> to vector<16xi32>
        %swap3A_329 = vector.shape_cast %get3A_321 : vector<16xi32> to vector<16xi32>
        tpu.vector_store %arg9[%swap3A_326], %swap3A_329 {strides = array<i32>} : memref<6400xi32, #tpu.memory_space<vmem>>, vector<16xi32>,
        %get3A_330 = arith.index_cast %scan3A_247 : i32 to index
        %get3A_331 = arith.constant 112 : index
        %get3A_332 = tpu.vector_load %arg7[%get3A_330, %get3A_331] {strides = array<i32>} : memref<32x200xi32, #tpu.memory_space<vmem>>, vector<1x16xi32>,
        %get3A_333 = vector.shape_cast %get3A_332 : vector<1x16xi32> to vector<16xi32>
        %mul3A_334 = arith.constant 200 : i32
        %mul3A_335 = arith.muli %scan3A_247, %mul3A_334 : i32
        %add3A_336 = arith.constant 112 : i32
        %add3A_337 = arith.addi %mul3A_335, %add3A_336 : i32
        %swap3A_338 = arith.index_cast %add3A_337 : i32 to index
        %swap3A_339 = tpu.vector_load %arg9[%swap3A_338] {strides = array<i32>} : memref<6400xi32, #tpu.memory_space<vmem>>, vector<16xi32>,
        %swap3A_340 = vector.shape_cast %swap3A_339 : vector<16xi32> to vector<16xi32>
        %swap3A_341 = vector.shape_cast %get3A_333 : vector<16xi32> to vector<16xi32>
        tpu.vector_store %arg9[%swap3A_338], %swap3A_341 {strides = array<i32>} : memref<6400xi32, #tpu.memory_space<vmem>>, vector<16xi32>,
        %get3A_342 = arith.index_cast %scan3A_247 : i32 to index
        %get3A_343 = arith.constant 128 : index
        %get3A_344 = tpu.vector_load %arg7[%get3A_342, %get3A_343] {strides = array<i32>} : memref<32x200xi32, #tpu.memory_space<vmem>>, vector<1x16xi32>,
        %get3A_345 = vector.shape_cast %get3A_344 : vector<1x16xi32> to vector<16xi32>
        %mul3A_346 = arith.constant 200 : i32
        %mul3A_347 = arith.muli %scan3A_247, %mul3A_346 : i32
        %add3A_348 = arith.constant 128 : i32
        %add3A_349 = arith.addi %mul3A_347, %add3A_348 : i32
        %swap3A_350 = arith.index_cast %add3A_349 : i32 to index
        %swap3A_351 = tpu.vector_load %arg9[%swap3A_350] {strides = array<i32>} : memref<6400xi32, #tpu.memory_space<vmem>>, vector<16xi32>,
        %swap3A_352 = vector.shape_cast %swap3A_351 : vector<16xi32> to vector<16xi32>
        %swap3A_353 = vector.shape_cast %get3A_345 : vector<16xi32> to vector<16xi32>
        tpu.vector_store %arg9[%swap3A_350], %swap3A_353 {strides = array<i32>} : memref<6400xi32, #tpu.memory_space<vmem>>, vector<16xi32>,
        %get3A_354 = arith.index_cast %scan3A_247 : i32 to index
        %get3A_355 = arith.constant 144 : index
        %get3A_356 = tpu.vector_load %arg7[%get3A_354, %get3A_355] {strides = array<i32>} : memref<32x200xi32, #tpu.memory_space<vmem>>, vector<1x16xi32>,
        %get3A_357 = vector.shape_cast %get3A_356 : vector<1x16xi32> to vector<16xi32>
        %mul3A_358 = arith.constant 200 : i32
        %mul3A_359 = arith.muli %scan3A_247, %mul3A_358 : i32
        %add3A_360 = arith.constant 144 : i32
        %add3A_361 = arith.addi %mul3A_359, %add3A_360 : i32
        %swap3A_362 = arith.index_cast %add3A_361 : i32 to index
        %swap3A_363 = tpu.vector_load %arg9[%swap3A_362] {strides = array<i32>} : memref<6400xi32, #tpu.memory_space<vmem>>, vector<16xi32>,
        %swap3A_364 = vector.shape_cast %swap3A_363 : vector<16xi32> to vector<16xi32>
        %swap3A_365 = vector.shape_cast %get3A_357 : vector<16xi32> to vector<16xi32>
        tpu.vector_store %arg9[%swap3A_362], %swap3A_365 {strides = array<i32>} : memref<6400xi32, #tpu.memory_space<vmem>>, vector<16xi32>,
        %get3A_366 = arith.index_cast %scan3A_247 : i32 to index
        %get3A_367 = arith.constant 160 : index
        %get3A_368 = tpu.vector_load %arg7[%get3A_366, %get3A_367] {strides = array<i32>} : memref<32x200xi32, #tpu.memory_space<vmem>>, vector<1x16xi32>,
        %get3A_369 = vector.shape_cast %get3A_368 : vector<1x16xi32> to vector<16xi32>
        %mul3A_370 = arith.constant 200 : i32
        %mul3A_371 = arith.muli %scan3A_247, %mul3A_370 : i32
        %add3A_372 = arith.constant 160 : i32
        %add3A_373 = arith.addi %mul3A_371, %add3A_372 : i32
        %swap3A_374 = arith.index_cast %add3A_373 : i32 to index
        %swap3A_375 = tpu.vector_load %arg9[%swap3A_374] {strides = array<i32>} : memref<6400xi32, #tpu.memory_space<vmem>>, vector<16xi32>,
        %swap3A_376 = vector.shape_cast %swap3A_375 : vector<16xi32> to vector<16xi32>
        %swap3A_377 = vector.shape_cast %get3A_369 : vector<16xi32> to vector<16xi32>
        tpu.vector_store %arg9[%swap3A_374], %swap3A_377 {strides = array<i32>} : memref<6400xi32, #tpu.memory_space<vmem>>, vector<16xi32>,
        %get3A_378 = arith.index_cast %scan3A_247 : i32 to index
        %get3A_379 = arith.constant 176 : index
        %get3A_380 = tpu.vector_load %arg7[%get3A_378, %get3A_379] {strides = array<i32>} : memref<32x200xi32, #tpu.memory_space<vmem>>, vector<1x16xi32>,
        %get3A_381 = vector.shape_cast %get3A_380 : vector<1x16xi32> to vector<16xi32>
        %mul3A_382 = arith.constant 200 : i32
        %mul3A_383 = arith.muli %scan3A_247, %mul3A_382 : i32
        %add3A_384 = arith.constant 176 : i32
        %add3A_385 = arith.addi %mul3A_383, %add3A_384 : i32
        %swap3A_386 = arith.index_cast %add3A_385 : i32 to index
        %swap3A_387 = tpu.vector_load %arg9[%swap3A_386] {strides = array<i32>} : memref<6400xi32, #tpu.memory_space<vmem>>, vector<16xi32>,
        %swap3A_388 = vector.shape_cast %swap3A_387 : vector<16xi32> to vector<16xi32>
        %swap3A_389 = vector.shape_cast %get3A_381 : vector<16xi32> to vector<16xi32>
        tpu.vector_store %arg9[%swap3A_386], %swap3A_389 {strides = array<i32>} : memref<6400xi32, #tpu.memory_space<vmem>>, vector<16xi32>,
        %get3A_390 = arith.index_cast %scan3A_247 : i32 to index
        %get3A_391 = arith.constant 184 : index
        %get3A_392 = tpu.vector_load %arg7[%get3A_390, %get3A_391] {strides = array<i32>} : memref<32x200xi32, #tpu.memory_space<vmem>>, vector<1x16xi32>,
        %get3A_393 = vector.shape_cast %get3A_392 : vector<1x16xi32> to vector<16xi32>
        %mul3A_394 = arith.constant 200 : i32
        %mul3A_395 = arith.muli %scan3A_247, %mul3A_394 : i32
        %add3A_396 = arith.constant 184 : i32
        %add3A_397 = arith.addi %mul3A_395, %add3A_396 : i32
        %swap3A_398 = arith.index_cast %add3A_397 : i32 to index
        %swap3A_399 = tpu.vector_load %arg9[%swap3A_398] {strides = array<i32>} : memref<6400xi32, #tpu.memory_space<vmem>>, vector<16xi32>,
        %swap3A_400 = vector.shape_cast %swap3A_399 : vector<16xi32> to vector<16xi32>
        %swap3A_401 = vector.shape_cast %get3A_393 : vector<16xi32> to vector<16xi32>
        tpu.vector_store %arg9[%swap3A_398], %swap3A_401 {strides = array<i32>} : memref<6400xi32, #tpu.memory_space<vmem>>, vector<16xi32>,
        %scan3A_402 = arith.constant 1 : i32
        %scan3A_403 = arith.addi %scan3A_247, %scan3A_402 : i32
        %get3A_404 = arith.index_cast %scan3A_403 : i32 to index
        %get3A_405 = arith.constant 0 : index
        %get3A_406 = tpu.vector_load %arg7[%get3A_404, %get3A_405] {strides = array<i32>} : memref<32x200xi32, #tpu.memory_space<vmem>>, vector<1x16xi32>,
        %get3A_407 = vector.shape_cast %get3A_406 : vector<1x16xi32> to vector<16xi32>
        %mul3A_408 = arith.constant 200 : i32
        %mul3A_409 = arith.muli %scan3A_403, %mul3A_408 : i32
        %add3A_410 = arith.constant 0 : i32
        %add3A_411 = arith.addi %mul3A_409, %add3A_410 : i32
        %swap3A_412 = arith.index_cast %add3A_411 : i32 to index
        %swap3A_413 = tpu.vector_load %arg9[%swap3A_412] {strides = array<i32>} : memref<6400xi32, #tpu.memory_space<vmem>>, vector<16xi32>,
        %swap3A_414 = vector.shape_cast %swap3A_413 : vector<16xi32> to vector<16xi32>
        %swap3A_415 = vector.shape_cast %get3A_407 : vector<16xi32> to vector<16xi32>
        tpu.vector_store %arg9[%swap3A_412], %swap3A_415 {strides = array<i32>} : memref<6400xi32, #tpu.memory_space<vmem>>, vector<16xi32>,
        %get3A_416 = arith.index_cast %scan3A_403 : i32 to index
        %get3A_417 = arith.constant 16 : index
        %get3A_418 = tpu.vector_load %arg7[%get3A_416, %get3A_417] {strides = array<i32>} : memref<32x200xi32, #tpu.memory_space<vmem>>, vector<1x16xi32>,
        %get3A_419 = vector.shape_cast %get3A_418 : vector<1x16xi32> to vector<16xi32>
        %mul3A_420 = arith.constant 200 : i32
        %mul3A_421 = arith.muli %scan3A_403, %mul3A_420 : i32
        %add3A_422 = arith.constant 16 : i32
        %add3A_423 = arith.addi %mul3A_421, %add3A_422 : i32
        %swap3A_424 = arith.index_cast %add3A_423 : i32 to index
        %swap3A_425 = tpu.vector_load %arg9[%swap3A_424] {strides = array<i32>} : memref<6400xi32, #tpu.memory_space<vmem>>, vector<16xi32>,
        %swap3A_426 = vector.shape_cast %swap3A_425 : vector<16xi32> to vector<16xi32>
        %swap3A_427 = vector.shape_cast %get3A_419 : vector<16xi32> to vector<16xi32>
        tpu.vector_store %arg9[%swap3A_424], %swap3A_427 {strides = array<i32>} : memref<6400xi32, #tpu.memory_space<vmem>>, vector<16xi32>,
        %get3A_428 = arith.index_cast %scan3A_403 : i32 to index
        %get3A_429 = arith.constant 32 : index
        %get3A_430 = tpu.vector_load %arg7[%get3A_428, %get3A_429] {strides = array<i32>} : memref<32x200xi32, #tpu.memory_space<vmem>>, vector<1x16xi32>,
        %get3A_431 = vector.shape_cast %get3A_430 : vector<1x16xi32> to vector<16xi32>
        %mul3A_432 = arith.constant 200 : i32
        %mul3A_433 = arith.muli %scan3A_403, %mul3A_432 : i32
        %add3A_434 = arith.constant 32 : i32
        %add3A_435 = arith.addi %mul3A_433, %add3A_434 : i32
        %swap3A_436 = arith.index_cast %add3A_435 : i32 to index
        %swap3A_437 = tpu.vector_load %arg9[%swap3A_436] {strides = array<i32>} : memref<6400xi32, #tpu.memory_space<vmem>>, vector<16xi32>,
        %swap3A_438 = vector.shape_cast %swap3A_437 : vector<16xi32> to vector<16xi32>
        %swap3A_439 = vector.shape_cast %get3A_431 : vector<16xi32> to vector<16xi32>
        tpu.vector_store %arg9[%swap3A_436], %swap3A_439 {strides = array<i32>} : memref<6400xi32, #tpu.memory_space<vmem>>, vector<16xi32>,
        %get3A_440 = arith.index_cast %scan3A_403 : i32 to index
        %get3A_441 = arith.constant 48 : index
        %get3A_442 = tpu.vector_load %arg7[%get3A_440, %get3A_441] {strides = array<i32>} : memref<32x200xi32, #tpu.memory_space<vmem>>, vector<1x16xi32>,
        %get3A_443 = vector.shape_cast %get3A_442 : vector<1x16xi32> to vector<16xi32>
        %mul3A_444 = arith.constant 200 : i32
        %mul3A_445 = arith.muli %scan3A_403, %mul3A_444 : i32
        %add3A_446 = arith.constant 48 : i32
        %add3A_447 = arith.addi %mul3A_445, %add3A_446 : i32
        %swap3A_448 = arith.index_cast %add3A_447 : i32 to index
        %swap3A_449 = tpu.vector_load %arg9[%swap3A_448] {strides = array<i32>} : memref<6400xi32, #tpu.memory_space<vmem>>, vector<16xi32>,
        %swap3A_450 = vector.shape_cast %swap3A_449 : vector<16xi32> to vector<16xi32>
        %swap3A_451 = vector.shape_cast %get3A_443 : vector<16xi32> to vector<16xi32>
        tpu.vector_store %arg9[%swap3A_448], %swap3A_451 {strides = array<i32>} : memref<6400xi32, #tpu.memory_space<vmem>>, vector<16xi32>,
        %get3A_452 = arith.index_cast %scan3A_403 : i32 to index
        %get3A_453 = arith.constant 64 : index
        %get3A_454 = tpu.vector_load %arg7[%get3A_452, %get3A_453] {strides = array<i32>} : memref<32x200xi32, #tpu.memory_space<vmem>>, vector<1x16xi32>,
        %get3A_455 = vector.shape_cast %get3A_454 : vector<1x16xi32> to vector<16xi32>
        %mul3A_456 = arith.constant 200 : i32
        %mul3A_457 = arith.muli %scan3A_403, %mul3A_456 : i32
        %add3A_458 = arith.constant 64 : i32
        %add3A_459 = arith.addi %mul3A_457, %add3A_458 : i32
        %swap3A_460 = arith.index_cast %add3A_459 : i32 to index
        %swap3A_461 = tpu.vector_load %arg9[%swap3A_460] {strides = array<i32>} : memref<6400xi32, #tpu.memory_space<vmem>>, vector<16xi32>,
        %swap3A_462 = vector.shape_cast %swap3A_461 : vector<16xi32> to vector<16xi32>
        %swap3A_463 = vector.shape_cast %get3A_455 : vector<16xi32> to vector<16xi32>
        tpu.vector_store %arg9[%swap3A_460], %swap3A_463 {strides = array<i32>} : memref<6400xi32, #tpu.memory_space<vmem>>, vector<16xi32>,
        %get3A_464 = arith.index_cast %scan3A_403 : i32 to index
        %get3A_465 = arith.constant 80 : index
        %get3A_466 = tpu.vector_load %arg7[%get3A_464, %get3A_465] {strides = array<i32>} : memref<32x200xi32, #tpu.memory_space<vmem>>, vector<1x16xi32>,
        %get3A_467 = vector.shape_cast %get3A_466 : vector<1x16xi32> to vector<16xi32>
        %mul3A_468 = arith.constant 200 : i32
        %mul3A_469 = arith.muli %scan3A_403, %mul3A_468 : i32
        %add3A_470 = arith.constant 80 : i32
        %add3A_471 = arith.addi %mul3A_469, %add3A_470 : i32
        %swap3A_472 = arith.index_cast %add3A_471 : i32 to index
        %swap3A_473 = tpu.vector_load %arg9[%swap3A_472] {strides = array<i32>} : memref<6400xi32, #tpu.memory_space<vmem>>, vector<16xi32>,
        %swap3A_474 = vector.shape_cast %swap3A_473 : vector<16xi32> to vector<16xi32>
        %swap3A_475 = vector.shape_cast %get3A_467 : vector<16xi32> to vector<16xi32>
        tpu.vector_store %arg9[%swap3A_472], %swap3A_475 {strides = array<i32>} : memref<6400xi32, #tpu.memory_space<vmem>>, vector<16xi32>,
        %get3A_476 = arith.index_cast %scan3A_403 : i32 to index
        %get3A_477 = arith.constant 96 : index
        %get3A_478 = tpu.vector_load %arg7[%get3A_476, %get3A_477] {strides = array<i32>} : memref<32x200xi32, #tpu.memory_space<vmem>>, vector<1x16xi32>,
        %get3A_479 = vector.shape_cast %get3A_478 : vector<1x16xi32> to vector<16xi32>
        %mul3A_480 = arith.constant 200 : i32
        %mul3A_481 = arith.muli %scan3A_403, %mul3A_480 : i32
        %add3A_482 = arith.constant 96 : i32
        %add3A_483 = arith.addi %mul3A_481, %add3A_482 : i32
        %swap3A_484 = arith.index_cast %add3A_483 : i32 to index
        %swap3A_485 = tpu.vector_load %arg9[%swap3A_484] {strides = array<i32>} : memref<6400xi32, #tpu.memory_space<vmem>>, vector<16xi32>,
        %swap3A_486 = vector.shape_cast %swap3A_485 : vector<16xi32> to vector<16xi32>
        %swap3A_487 = vector.shape_cast %get3A_479 : vector<16xi32> to vector<16xi32>
        tpu.vector_store %arg9[%swap3A_484], %swap3A_487 {strides = array<i32>} : memref<6400xi32, #tpu.memory_space<vmem>>, vector<16xi32>,
        %get3A_488 = arith.index_cast %scan3A_403 : i32 to index
        %get3A_489 = arith.constant 112 : index
        %get3A_490 = tpu.vector_load %arg7[%get3A_488, %get3A_489] {strides = array<i32>} : memref<32x200xi32, #tpu.memory_space<vmem>>, vector<1x16xi32>,
        %get3A_491 = vector.shape_cast %get3A_490 : vector<1x16xi32> to vector<16xi32>
        %mul3A_492 = arith.constant 200 : i32
        %mul3A_493 = arith.muli %scan3A_403, %mul3A_492 : i32
        %add3A_494 = arith.constant 112 : i32
        %add3A_495 = arith.addi %mul3A_493, %add3A_494 : i32
        %swap3A_496 = arith.index_cast %add3A_495 : i32 to index
        %swap3A_497 = tpu.vector_load %arg9[%swap3A_496] {strides = array<i32>} : memref<6400xi32, #tpu.memory_space<vmem>>, vector<16xi32>,
        %swap3A_498 = vector.shape_cast %swap3A_497 : vector<16xi32> to vector<16xi32>
        %swap3A_499 = vector.shape_cast %get3A_491 : vector<16xi32> to vector<16xi32>
        tpu.vector_store %arg9[%swap3A_496], %swap3A_499 {strides = array<i32>} : memref<6400xi32, #tpu.memory_space<vmem>>, vector<16xi32>,
        %get3A_500 = arith.index_cast %scan3A_403 : i32 to index
        %get3A_501 = arith.constant 128 : index
        %get3A_502 = tpu.vector_load %arg7[%get3A_500, %get3A_501] {strides = array<i32>} : memref<32x200xi32, #tpu.memory_space<vmem>>, vector<1x16xi32>,
        %get3A_503 = vector.shape_cast %get3A_502 : vector<1x16xi32> to vector<16xi32>
        %mul3A_504 = arith.constant 200 : i32
        %mul3A_505 = arith.muli %scan3A_403, %mul3A_504 : i32
        %add3A_506 = arith.constant 128 : i32
        %add3A_507 = arith.addi %mul3A_505, %add3A_506 : i32
        %swap3A_508 = arith.index_cast %add3A_507 : i32 to index
        %swap3A_509 = tpu.vector_load %arg9[%swap3A_508] {strides = array<i32>} : memref<6400xi32, #tpu.memory_space<vmem>>, vector<16xi32>,
        %swap3A_510 = vector.shape_cast %swap3A_509 : vector<16xi32> to vector<16xi32>
        %swap3A_511 = vector.shape_cast %get3A_503 : vector<16xi32> to vector<16xi32>
        tpu.vector_store %arg9[%swap3A_508], %swap3A_511 {strides = array<i32>} : memref<6400xi32, #tpu.memory_space<vmem>>, vector<16xi32>,
        %get3A_512 = arith.index_cast %scan3A_403 : i32 to index
        %get3A_513 = arith.constant 144 : index
        %get3A_514 = tpu.vector_load %arg7[%get3A_512, %get3A_513] {strides = array<i32>} : memref<32x200xi32, #tpu.memory_space<vmem>>, vector<1x16xi32>,
        %get3A_515 = vector.shape_cast %get3A_514 : vector<1x16xi32> to vector<16xi32>
        %mul3A_516 = arith.constant 200 : i32
        %mul3A_517 = arith.muli %scan3A_403, %mul3A_516 : i32
        %add3A_518 = arith.constant 144 : i32
        %add3A_519 = arith.addi %mul3A_517, %add3A_518 : i32
        %swap3A_520 = arith.index_cast %add3A_519 : i32 to index
        %swap3A_521 = tpu.vector_load %arg9[%swap3A_520] {strides = array<i32>} : memref<6400xi32, #tpu.memory_space<vmem>>, vector<16xi32>,
        %swap3A_522 = vector.shape_cast %swap3A_521 : vector<16xi32> to vector<16xi32>
        %swap3A_523 = vector.shape_cast %get3A_515 : vector<16xi32> to vector<16xi32>
        tpu.vector_store %arg9[%swap3A_520], %swap3A_523 {strides = array<i32>} : memref<6400xi32, #tpu.memory_space<vmem>>, vector<16xi32>,
        %get3A_524 = arith.index_cast %scan3A_403 : i32 to index
        %get3A_525 = arith.constant 160 : index
        %get3A_526 = tpu.vector_load %arg7[%get3A_524, %get3A_525] {strides = array<i32>} : memref<32x200xi32, #tpu.memory_space<vmem>>, vector<1x16xi32>,
        %get3A_527 = vector.shape_cast %get3A_526 : vector<1x16xi32> to vector<16xi32>
        %mul3A_528 = arith.constant 200 : i32
        %mul3A_529 = arith.muli %scan3A_403, %mul3A_528 : i32
        %add3A_530 = arith.constant 160 : i32
        %add3A_531 = arith.addi %mul3A_529, %add3A_530 : i32
        %swap3A_532 = arith.index_cast %add3A_531 : i32 to index
        %swap3A_533 = tpu.vector_load %arg9[%swap3A_532] {strides = array<i32>} : memref<6400xi32, #tpu.memory_space<vmem>>, vector<16xi32>,
        %swap3A_534 = vector.shape_cast %swap3A_533 : vector<16xi32> to vector<16xi32>
        %swap3A_535 = vector.shape_cast %get3A_527 : vector<16xi32> to vector<16xi32>
        tpu.vector_store %arg9[%swap3A_532], %swap3A_535 {strides = array<i32>} : memref<6400xi32, #tpu.memory_space<vmem>>, vector<16xi32>,
        %get3A_536 = arith.index_cast %scan3A_403 : i32 to index
        %get3A_537 = arith.constant 176 : index
        %get3A_538 = tpu.vector_load %arg7[%get3A_536, %get3A_537] {strides = array<i32>} : memref<32x200xi32, #tpu.memory_space<vmem>>, vector<1x16xi32>,
        %get3A_539 = vector.shape_cast %get3A_538 : vector<1x16xi32> to vector<16xi32>
        %mul3A_540 = arith.constant 200 : i32
        %mul3A_541 = arith.muli %scan3A_403, %mul3A_540 : i32
        %add3A_542 = arith.constant 176 : i32
        %add3A_543 = arith.addi %mul3A_541, %add3A_542 : i32
        %swap3A_544 = arith.index_cast %add3A_543 : i32 to index
        %swap3A_545 = tpu.vector_load %arg9[%swap3A_544] {strides = array<i32>} : memref<6400xi32, #tpu.memory_space<vmem>>, vector<16xi32>,
        %swap3A_546 = vector.shape_cast %swap3A_545 : vector<16xi32> to vector<16xi32>
        %swap3A_547 = vector.shape_cast %get3A_539 : vector<16xi32> to vector<16xi32>
        tpu.vector_store %arg9[%swap3A_544], %swap3A_547 {strides = array<i32>} : memref<6400xi32, #tpu.memory_space<vmem>>, vector<16xi32>,
        %get3A_548 = arith.index_cast %scan3A_403 : i32 to index
        %get3A_549 = arith.constant 184 : index
        %get3A_550 = tpu.vector_load %arg7[%get3A_548, %get3A_549] {strides = array<i32>} : memref<32x200xi32, #tpu.memory_space<vmem>>, vector<1x16xi32>,
        %get3A_551 = vector.shape_cast %get3A_550 : vector<1x16xi32> to vector<16xi32>
        %mul3A_552 = arith.constant 200 : i32
        %mul3A_553 = arith.muli %scan3A_403, %mul3A_552 : i32
        %add3A_554 = arith.constant 184 : i32
        %add3A_555 = arith.addi %mul3A_553, %add3A_554 : i32
        %swap3A_556 = arith.index_cast %add3A_555 : i32 to index
        %swap3A_557 = tpu.vector_load %arg9[%swap3A_556] {strides = array<i32>} : memref<6400xi32, #tpu.memory_space<vmem>>, vector<16xi32>,
        %swap3A_558 = vector.shape_cast %swap3A_557 : vector<16xi32> to vector<16xi32>
        %swap3A_559 = vector.shape_cast %get3A_551 : vector<16xi32> to vector<16xi32>
        tpu.vector_store %arg9[%swap3A_556], %swap3A_559 {strides = array<i32>} : memref<6400xi32, #tpu.memory_space<vmem>>, vector<16xi32>,
      }
      %scan3A_188 = arith.constant 32 : i32
      %lt3A_189 = arith.constant 7 : i32
      %lt3A_190 = arith.cmpi slt, %scan3A_171, %lt3A_189 : i32
      %convert_element_type3A_191 = arith.extui %lt3A_190 : i1 to i32
      %cond3A_192 = arith.constant 0 : i32
      %cond3A_193 = arith.cmpi ne, %convert_element_type3A_191, %cond3A_192 : i32
      scf.if %cond3A_193 {
        %add3A_247 = arith.constant 2 : i32
        %add3A_248 = arith.addi %mul3A_173, %add3A_247 : i32
        %mul3A_249 = arith.constant 32 : i32
        %mul3A_250 = arith.muli %add3A_248, %mul3A_249 : i32
        %add3A_251 = arith.addi %mul3A_2, %mul3A_250 : i32
        %dma_start3A_252 = arith.constant 0 : i32
        %dma_start3A_253 = tpu.memref_slice %arg2[%add3A_251, %dma_start3A_252] : memref<16384x200xi32, #tpu.memory_space<hbm>> -> memref<32x200xi32, #tpu.memory_space<hbm>>
        %dma_start3A_254 = arith.constant 0 : i32
        %dma_start3A_255 = tpu.memref_slice %arg2[%add3A_251, %dma_start3A_254] : memref<16384x200xi32, #tpu.memory_space<hbm>> -> memref<32x200xi32, #tpu.memory_space<hbm>>
        tpu.enqueue_dma source(%dma_start3A_255 : memref<32x200xi32, #tpu.memory_space<hbm>>) target(%arg6 : memref<32x200xi32, #tpu.memory_space<vmem>>) target_semaphore(%arg16 : memref<!tpu.dma_semaphore, #tpu.memory_space<semaphore_mem>>)
      } else {
      }
      %dma_wait3A_194 = arith.constant 0 : i32
      %dma_wait3A_195 = tpu.memref_slice %arg5[%dma_wait3A_194] : memref<1000000xf32, #tpu.memory_space<vmem_shared>> -> memref<1000000xf32, #tpu.memory_space<vmem_shared>>
      tpu.wait_indirect_dma semaphore(%arg18 : memref<!tpu.dma_semaphore, #tpu.memory_space<semaphore_mem>>) src(%dma_wait3A_195 : memref<1000000xf32, #tpu.memory_space<vmem_shared>>) dst(%arg10 : memref<6400xf32, #tpu.memory_space<vmem>>)
      %dma_start3A_196 = arith.constant 0 : i32
      %dma_start3A_197 = tpu.memref_slice %arg5[%dma_start3A_196] : memref<1000000xf32, #tpu.memory_space<vmem_shared>> -> memref<1000000xf32, #tpu.memory_space<vmem_shared>>
      tpu.enqueue_indirect_dma source(%dma_start3A_197 : memref<1000000xf32, #tpu.memory_space<vmem_shared>>) target(%arg11 : memref<6400xf32, #tpu.memory_space<vmem>>) offsets(%arg9 : memref<6400xi32, #tpu.memory_space<vmem>>) semaphore(%arg19 : memref<!tpu.dma_semaphore, #tpu.memory_space<semaphore_mem>>)
      %ge3A = arith.constant 1 : i32
      %ge3A_198 = arith.cmpi sge, %scan3A_171, %ge3A : i32
      %convert_element_type3A_199 = arith.extui %ge3A_198 : i1 to i32
      %cond3A_200 = arith.constant 0 : i32
      %cond3A_201 = arith.cmpi ne, %convert_element_type3A_199, %cond3A_200 : i32
      scf.if %cond3A_201 {
        %sub3A = arith.constant 2 : i32
        %sub3A_247 = arith.subi %mul3A_173, %sub3A : i32
        %mul3A_248 = arith.constant 32 : i32
        %mul3A_249 = arith.muli %sub3A_247, %mul3A_248 : i32
        %add3A_250 = arith.addi %mul3A_2, %mul3A_249 : i32
        %mul3A_251 = arith.constant 200 : i32
        %mul3A_252 = arith.muli %add3A_250, %mul3A_251 : i32
        %dma_wait3A_253 = tpu.memref_slice %arg4[%mul3A_252] : memref<3276800xf32, #tpu.memory_space<hbm>> -> memref<6400xf32, #tpu.memory_space<hbm>>
        %dma_wait3A_254 = tpu.memref_slice %arg4[%mul3A_252] : memref<3276800xf32, #tpu.memory_space<hbm>> -> memref<6400xf32, #tpu.memory_space<hbm>>
        tpu.wait_dma2 semaphore(%arg20 : memref<!tpu.dma_semaphore, #tpu.memory_space<semaphore_mem>>) src(%arg10 : memref<6400xf32, #tpu.memory_space<vmem>>) dst(%dma_wait3A_254 : memref<6400xf32, #tpu.memory_space<hbm>>)
      } else {
      }
      %scan3A_202 = arith.constant 0 : i32
      %scan3A_203 = arith.constant 0 : i32
      %scan3A_204 = arith.constant 400 : i32
      %scan3A_205 = arith.addi %scan3A_203, %scan3A_204 : i32
      %scan3A_206 = arith.constant 8 : i32
      scf.for %scan3A_247 = %scan3A_203 to %scan3A_205 step %scan3A_206  : i32 {
        %mul3A_248 = arith.constant 16 : i32
        %mul3A_249 = arith.muli %scan3A_247, %mul3A_248 : i32
        %get3A = arith.index_cast %mul3A_249 : i32 to index
        %get3A_250 = tpu.vector_load %arg10[%get3A] {strides = array<i32>} : memref<6400xf32, #tpu.memory_space<vmem>>, vector<16xf32>,
        %get3A_251 = vector.shape_cast %get3A_250 : vector<16xf32> to vector<16xf32>
        %exp3A = math.exp %get3A_251 : vector<16xf32>
        %swap3A = arith.index_cast %mul3A_249 : i32 to index
        %swap3A_252 = tpu.vector_load %arg10[%swap3A] {strides = array<i32>} : memref<6400xf32, #tpu.memory_space<vmem>>, vector<16xf32>,
        %swap3A_253 = vector.shape_cast %swap3A_252 : vector<16xf32> to vector<16xf32>
        %swap3A_254 = vector.shape_cast %exp3A : vector<16xf32> to vector<16xf32>
        tpu.vector_store %arg10[%swap3A], %swap3A_254 {strides = array<i32>} : memref<6400xf32, #tpu.memory_space<vmem>>, vector<16xf32>,
        %scan3A_255 = arith.constant 1 : i32
        %scan3A_256 = arith.addi %scan3A_247, %scan3A_255 : i32
        %mul3A_257 = arith.constant 16 : i32
        %mul3A_258 = arith.muli %scan3A_256, %mul3A_257 : i32
        %get3A_259 = arith.index_cast %mul3A_258 : i32 to index
        %get3A_260 = tpu.vector_load %arg10[%get3A_259] {strides = array<i32>} : memref<6400xf32, #tpu.memory_space<vmem>>, vector<16xf32>,
        %get3A_261 = vector.shape_cast %get3A_260 : vector<16xf32> to vector<16xf32>
        %exp3A_262 = math.exp %get3A_261 : vector<16xf32>
        %swap3A_263 = arith.index_cast %mul3A_258 : i32 to index
        %swap3A_264 = tpu.vector_load %arg10[%swap3A_263] {strides = array<i32>} : memref<6400xf32, #tpu.memory_space<vmem>>, vector<16xf32>,
        %swap3A_265 = vector.shape_cast %swap3A_264 : vector<16xf32> to vector<16xf32>
        %swap3A_266 = vector.shape_cast %exp3A_262 : vector<16xf32> to vector<16xf32>
        tpu.vector_store %arg10[%swap3A_263], %swap3A_266 {strides = array<i32>} : memref<6400xf32, #tpu.memory_space<vmem>>, vector<16xf32>,
        %scan3A_267 = arith.constant 2 : i32
        %scan3A_268 = arith.addi %scan3A_247, %scan3A_267 : i32
        %mul3A_269 = arith.constant 16 : i32
        %mul3A_270 = arith.muli %scan3A_268, %mul3A_269 : i32
        %get3A_271 = arith.index_cast %mul3A_270 : i32 to index
        %get3A_272 = tpu.vector_load %arg10[%get3A_271] {strides = array<i32>} : memref<6400xf32, #tpu.memory_space<vmem>>, vector<16xf32>,
        %get3A_273 = vector.shape_cast %get3A_272 : vector<16xf32> to vector<16xf32>
        %exp3A_274 = math.exp %get3A_273 : vector<16xf32>
        %swap3A_275 = arith.index_cast %mul3A_270 : i32 to index
        %swap3A_276 = tpu.vector_load %arg10[%swap3A_275] {strides = array<i32>} : memref<6400xf32, #tpu.memory_space<vmem>>, vector<16xf32>,
        %swap3A_277 = vector.shape_cast %swap3A_276 : vector<16xf32> to vector<16xf32>
        %swap3A_278 = vector.shape_cast %exp3A_274 : vector<16xf32> to vector<16xf32>
        tpu.vector_store %arg10[%swap3A_275], %swap3A_278 {strides = array<i32>} : memref<6400xf32, #tpu.memory_space<vmem>>, vector<16xf32>,
        %scan3A_279 = arith.constant 3 : i32
        %scan3A_280 = arith.addi %scan3A_247, %scan3A_279 : i32
        %mul3A_281 = arith.constant 16 : i32
        %mul3A_282 = arith.muli %scan3A_280, %mul3A_281 : i32
        %get3A_283 = arith.index_cast %mul3A_282 : i32 to index
        %get3A_284 = tpu.vector_load %arg10[%get3A_283] {strides = array<i32>} : memref<6400xf32, #tpu.memory_space<vmem>>, vector<16xf32>,
        %get3A_285 = vector.shape_cast %get3A_284 : vector<16xf32> to vector<16xf32>
        %exp3A_286 = math.exp %get3A_285 : vector<16xf32>
        %swap3A_287 = arith.index_cast %mul3A_282 : i32 to index
        %swap3A_288 = tpu.vector_load %arg10[%swap3A_287] {strides = array<i32>} : memref<6400xf32, #tpu.memory_space<vmem>>, vector<16xf32>,
        %swap3A_289 = vector.shape_cast %swap3A_288 : vector<16xf32> to vector<16xf32>
        %swap3A_290 = vector.shape_cast %exp3A_286 : vector<16xf32> to vector<16xf32>
        tpu.vector_store %arg10[%swap3A_287], %swap3A_290 {strides = array<i32>} : memref<6400xf32, #tpu.memory_space<vmem>>, vector<16xf32>,
        %scan3A_291 = arith.constant 4 : i32
        %scan3A_292 = arith.addi %scan3A_247, %scan3A_291 : i32
        %mul3A_293 = arith.constant 16 : i32
        %mul3A_294 = arith.muli %scan3A_292, %mul3A_293 : i32
        %get3A_295 = arith.index_cast %mul3A_294 : i32 to index
        %get3A_296 = tpu.vector_load %arg10[%get3A_295] {strides = array<i32>} : memref<6400xf32, #tpu.memory_space<vmem>>, vector<16xf32>,
        %get3A_297 = vector.shape_cast %get3A_296 : vector<16xf32> to vector<16xf32>
        %exp3A_298 = math.exp %get3A_297 : vector<16xf32>
        %swap3A_299 = arith.index_cast %mul3A_294 : i32 to index
        %swap3A_300 = tpu.vector_load %arg10[%swap3A_299] {strides = array<i32>} : memref<6400xf32, #tpu.memory_space<vmem>>, vector<16xf32>,
        %swap3A_301 = vector.shape_cast %swap3A_300 : vector<16xf32> to vector<16xf32>
        %swap3A_302 = vector.shape_cast %exp3A_298 : vector<16xf32> to vector<16xf32>
        tpu.vector_store %arg10[%swap3A_299], %swap3A_302 {strides = array<i32>} : memref<6400xf32, #tpu.memory_space<vmem>>, vector<16xf32>,
        %scan3A_303 = arith.constant 5 : i32
        %scan3A_304 = arith.addi %scan3A_247, %scan3A_303 : i32
        %mul3A_305 = arith.constant 16 : i32
        %mul3A_306 = arith.muli %scan3A_304, %mul3A_305 : i32
        %get3A_307 = arith.index_cast %mul3A_306 : i32 to index
        %get3A_308 = tpu.vector_load %arg10[%get3A_307] {strides = array<i32>} : memref<6400xf32, #tpu.memory_space<vmem>>, vector<16xf32>,
        %get3A_309 = vector.shape_cast %get3A_308 : vector<16xf32> to vector<16xf32>
        %exp3A_310 = math.exp %get3A_309 : vector<16xf32>
        %swap3A_311 = arith.index_cast %mul3A_306 : i32 to index
        %swap3A_312 = tpu.vector_load %arg10[%swap3A_311] {strides = array<i32>} : memref<6400xf32, #tpu.memory_space<vmem>>, vector<16xf32>,
        %swap3A_313 = vector.shape_cast %swap3A_312 : vector<16xf32> to vector<16xf32>
        %swap3A_314 = vector.shape_cast %exp3A_310 : vector<16xf32> to vector<16xf32>
        tpu.vector_store %arg10[%swap3A_311], %swap3A_314 {strides = array<i32>} : memref<6400xf32, #tpu.memory_space<vmem>>, vector<16xf32>,
        %scan3A_315 = arith.constant 6 : i32
        %scan3A_316 = arith.addi %scan3A_247, %scan3A_315 : i32
        %mul3A_317 = arith.constant 16 : i32
        %mul3A_318 = arith.muli %scan3A_316, %mul3A_317 : i32
        %get3A_319 = arith.index_cast %mul3A_318 : i32 to index
        %get3A_320 = tpu.vector_load %arg10[%get3A_319] {strides = array<i32>} : memref<6400xf32, #tpu.memory_space<vmem>>, vector<16xf32>,
        %get3A_321 = vector.shape_cast %get3A_320 : vector<16xf32> to vector<16xf32>
        %exp3A_322 = math.exp %get3A_321 : vector<16xf32>
        %swap3A_323 = arith.index_cast %mul3A_318 : i32 to index
        %swap3A_324 = tpu.vector_load %arg10[%swap3A_323] {strides = array<i32>} : memref<6400xf32, #tpu.memory_space<vmem>>, vector<16xf32>,
        %swap3A_325 = vector.shape_cast %swap3A_324 : vector<16xf32> to vector<16xf32>
        %swap3A_326 = vector.shape_cast %exp3A_322 : vector<16xf32> to vector<16xf32>
        tpu.vector_store %arg10[%swap3A_323], %swap3A_326 {strides = array<i32>} : memref<6400xf32, #tpu.memory_space<vmem>>, vector<16xf32>,
        %scan3A_327 = arith.constant 7 : i32
        %scan3A_328 = arith.addi %scan3A_247, %scan3A_327 : i32
        %mul3A_329 = arith.constant 16 : i32
        %mul3A_330 = arith.muli %scan3A_328, %mul3A_329 : i32
        %get3A_331 = arith.index_cast %mul3A_330 : i32 to index
        %get3A_332 = tpu.vector_load %arg10[%get3A_331] {strides = array<i32>} : memref<6400xf32, #tpu.memory_space<vmem>>, vector<16xf32>,
        %get3A_333 = vector.shape_cast %get3A_332 : vector<16xf32> to vector<16xf32>
        %exp3A_334 = math.exp %get3A_333 : vector<16xf32>
        %swap3A_335 = arith.index_cast %mul3A_330 : i32 to index
        %swap3A_336 = tpu.vector_load %arg10[%swap3A_335] {strides = array<i32>} : memref<6400xf32, #tpu.memory_space<vmem>>, vector<16xf32>,
        %swap3A_337 = vector.shape_cast %swap3A_336 : vector<16xf32> to vector<16xf32>
        %swap3A_338 = vector.shape_cast %exp3A_334 : vector<16xf32> to vector<16xf32>
        tpu.vector_store %arg10[%swap3A_335], %swap3A_338 {strides = array<i32>} : memref<6400xf32, #tpu.memory_space<vmem>>, vector<16xf32>,
      }
      %scan3A_207 = arith.constant 400 : i32
      %mul3A_208 = arith.constant 32 : i32
      %mul3A_209 = arith.muli %mul3A_173, %mul3A_208 : i32
      %add3A_210 = arith.addi %mul3A_2, %mul3A_209 : i32
      %mul3A_211 = arith.constant 200 : i32
      %mul3A_212 = arith.muli %add3A_210, %mul3A_211 : i32
      %dma_start3A_213 = tpu.memref_slice %arg4[%mul3A_212] : memref<3276800xf32, #tpu.memory_space<hbm>> -> memref<6400xf32, #tpu.memory_space<hbm>>
      %dma_start3A_214 = tpu.memref_slice %arg4[%mul3A_212] : memref<3276800xf32, #tpu.memory_space<hbm>> -> memref<6400xf32, #tpu.memory_space<hbm>>
      tpu.enqueue_dma source(%arg10 : memref<6400xf32, #tpu.memory_space<vmem>>) target(%dma_start3A_214 : memref<6400xf32, #tpu.memory_space<hbm>>) target_semaphore(%arg20 : memref<!tpu.dma_semaphore, #tpu.memory_space<semaphore_mem>>)
      %lt3A_215 = arith.constant 7 : i32
      %lt3A_216 = arith.cmpi slt, %scan3A_171, %lt3A_215 : i32
      %convert_element_type3A_217 = arith.extui %lt3A_216 : i1 to i32
      %cond3A_218 = arith.constant 0 : i32
      %cond3A_219 = arith.cmpi ne, %convert_element_type3A_217, %cond3A_218 : i32
      scf.if %cond3A_219 {
        %add3A_247 = arith.constant 2 : i32
        %add3A_248 = arith.addi %mul3A_173, %add3A_247 : i32
        %mul3A_249 = arith.constant 32 : i32
        %mul3A_250 = arith.muli %add3A_248, %mul3A_249 : i32
        %add3A_251 = arith.addi %mul3A_2, %mul3A_250 : i32
        %dma_wait3A_252 = arith.constant 0 : i32
        %dma_wait3A_253 = tpu.memref_slice %arg2[%add3A_251, %dma_wait3A_252] : memref<16384x200xi32, #tpu.memory_space<hbm>> -> memref<32x200xi32, #tpu.memory_space<hbm>>
        %dma_wait3A_254 = arith.constant 0 : i32
        %dma_wait3A_255 = tpu.memref_slice %arg2[%add3A_251, %dma_wait3A_254] : memref<16384x200xi32, #tpu.memory_space<hbm>> -> memref<32x200xi32, #tpu.memory_space<hbm>>
        tpu.wait_dma2 semaphore(%arg16 : memref<!tpu.dma_semaphore, #tpu.memory_space<semaphore_mem>>) src(%dma_wait3A_255 : memref<32x200xi32, #tpu.memory_space<hbm>>) dst(%arg6 : memref<32x200xi32, #tpu.memory_space<vmem>>)
        %scan3A_256 = arith.constant 0 : i32
        %scan3A_257 = arith.constant 0 : i32
        %scan3A_258 = arith.constant 32 : i32
        %scan3A_259 = arith.addi %scan3A_257, %scan3A_258 : i32
        %scan3A_260 = arith.constant 2 : i32
        scf.for %scan3A_271 = %scan3A_257 to %scan3A_259 step %scan3A_260  : i32 {
          %get3A = arith.index_cast %scan3A_271 : i32 to index
          %get3A_272 = arith.constant 0 : index
          %get3A_273 = tpu.vector_load %arg6[%get3A, %get3A_272] {strides = array<i32>} : memref<32x200xi32, #tpu.memory_space<vmem>>, vector<1x16xi32>,
          %get3A_274 = vector.shape_cast %get3A_273 : vector<1x16xi32> to vector<16xi32>
          %mul3A_275 = arith.constant 200 : i32
          %mul3A_276 = arith.muli %scan3A_271, %mul3A_275 : i32
          %add3A_277 = arith.constant 0 : i32
          %add3A_278 = arith.addi %mul3A_276, %add3A_277 : i32
          %swap3A = arith.index_cast %add3A_278 : i32 to index
          %swap3A_279 = tpu.vector_load %arg8[%swap3A] {strides = array<i32>} : memref<6400xi32, #tpu.memory_space<vmem>>, vector<16xi32>,
          %swap3A_280 = vector.shape_cast %swap3A_279 : vector<16xi32> to vector<16xi32>
          %swap3A_281 = vector.shape_cast %get3A_274 : vector<16xi32> to vector<16xi32>
          tpu.vector_store %arg8[%swap3A], %swap3A_281 {strides = array<i32>} : memref<6400xi32, #tpu.memory_space<vmem>>, vector<16xi32>,
          %get3A_282 = arith.index_cast %scan3A_271 : i32 to index
          %get3A_283 = arith.constant 16 : index
          %get3A_284 = tpu.vector_load %arg6[%get3A_282, %get3A_283] {strides = array<i32>} : memref<32x200xi32, #tpu.memory_space<vmem>>, vector<1x16xi32>,
          %get3A_285 = vector.shape_cast %get3A_284 : vector<1x16xi32> to vector<16xi32>
          %mul3A_286 = arith.constant 200 : i32
          %mul3A_287 = arith.muli %scan3A_271, %mul3A_286 : i32
          %add3A_288 = arith.constant 16 : i32
          %add3A_289 = arith.addi %mul3A_287, %add3A_288 : i32
          %swap3A_290 = arith.index_cast %add3A_289 : i32 to index
          %swap3A_291 = tpu.vector_load %arg8[%swap3A_290] {strides = array<i32>} : memref<6400xi32, #tpu.memory_space<vmem>>, vector<16xi32>,
          %swap3A_292 = vector.shape_cast %swap3A_291 : vector<16xi32> to vector<16xi32>
          %swap3A_293 = vector.shape_cast %get3A_285 : vector<16xi32> to vector<16xi32>
          tpu.vector_store %arg8[%swap3A_290], %swap3A_293 {strides = array<i32>} : memref<6400xi32, #tpu.memory_space<vmem>>, vector<16xi32>,
          %get3A_294 = arith.index_cast %scan3A_271 : i32 to index
          %get3A_295 = arith.constant 32 : index
          %get3A_296 = tpu.vector_load %arg6[%get3A_294, %get3A_295] {strides = array<i32>} : memref<32x200xi32, #tpu.memory_space<vmem>>, vector<1x16xi32>,
          %get3A_297 = vector.shape_cast %get3A_296 : vector<1x16xi32> to vector<16xi32>
          %mul3A_298 = arith.constant 200 : i32
          %mul3A_299 = arith.muli %scan3A_271, %mul3A_298 : i32
          %add3A_300 = arith.constant 32 : i32
          %add3A_301 = arith.addi %mul3A_299, %add3A_300 : i32
          %swap3A_302 = arith.index_cast %add3A_301 : i32 to index
          %swap3A_303 = tpu.vector_load %arg8[%swap3A_302] {strides = array<i32>} : memref<6400xi32, #tpu.memory_space<vmem>>, vector<16xi32>,
          %swap3A_304 = vector.shape_cast %swap3A_303 : vector<16xi32> to vector<16xi32>
          %swap3A_305 = vector.shape_cast %get3A_297 : vector<16xi32> to vector<16xi32>
          tpu.vector_store %arg8[%swap3A_302], %swap3A_305 {strides = array<i32>} : memref<6400xi32, #tpu.memory_space<vmem>>, vector<16xi32>,
          %get3A_306 = arith.index_cast %scan3A_271 : i32 to index
          %get3A_307 = arith.constant 48 : index
          %get3A_308 = tpu.vector_load %arg6[%get3A_306, %get3A_307] {strides = array<i32>} : memref<32x200xi32, #tpu.memory_space<vmem>>, vector<1x16xi32>,
          %get3A_309 = vector.shape_cast %get3A_308 : vector<1x16xi32> to vector<16xi32>
          %mul3A_310 = arith.constant 200 : i32
          %mul3A_311 = arith.muli %scan3A_271, %mul3A_310 : i32
          %add3A_312 = arith.constant 48 : i32
          %add3A_313 = arith.addi %mul3A_311, %add3A_312 : i32
          %swap3A_314 = arith.index_cast %add3A_313 : i32 to index
          %swap3A_315 = tpu.vector_load %arg8[%swap3A_314] {strides = array<i32>} : memref<6400xi32, #tpu.memory_space<vmem>>, vector<16xi32>,
          %swap3A_316 = vector.shape_cast %swap3A_315 : vector<16xi32> to vector<16xi32>
          %swap3A_317 = vector.shape_cast %get3A_309 : vector<16xi32> to vector<16xi32>
          tpu.vector_store %arg8[%swap3A_314], %swap3A_317 {strides = array<i32>} : memref<6400xi32, #tpu.memory_space<vmem>>, vector<16xi32>,
          %get3A_318 = arith.index_cast %scan3A_271 : i32 to index
          %get3A_319 = arith.constant 64 : index
          %get3A_320 = tpu.vector_load %arg6[%get3A_318, %get3A_319] {strides = array<i32>} : memref<32x200xi32, #tpu.memory_space<vmem>>, vector<1x16xi32>,
          %get3A_321 = vector.shape_cast %get3A_320 : vector<1x16xi32> to vector<16xi32>
          %mul3A_322 = arith.constant 200 : i32
          %mul3A_323 = arith.muli %scan3A_271, %mul3A_322 : i32
          %add3A_324 = arith.constant 64 : i32
          %add3A_325 = arith.addi %mul3A_323, %add3A_324 : i32
          %swap3A_326 = arith.index_cast %add3A_325 : i32 to index
          %swap3A_327 = tpu.vector_load %arg8[%swap3A_326] {strides = array<i32>} : memref<6400xi32, #tpu.memory_space<vmem>>, vector<16xi32>,
          %swap3A_328 = vector.shape_cast %swap3A_327 : vector<16xi32> to vector<16xi32>
          %swap3A_329 = vector.shape_cast %get3A_321 : vector<16xi32> to vector<16xi32>
          tpu.vector_store %arg8[%swap3A_326], %swap3A_329 {strides = array<i32>} : memref<6400xi32, #tpu.memory_space<vmem>>, vector<16xi32>,
          %get3A_330 = arith.index_cast %scan3A_271 : i32 to index
          %get3A_331 = arith.constant 80 : index
          %get3A_332 = tpu.vector_load %arg6[%get3A_330, %get3A_331] {strides = array<i32>} : memref<32x200xi32, #tpu.memory_space<vmem>>, vector<1x16xi32>,
          %get3A_333 = vector.shape_cast %get3A_332 : vector<1x16xi32> to vector<16xi32>
          %mul3A_334 = arith.constant 200 : i32
          %mul3A_335 = arith.muli %scan3A_271, %mul3A_334 : i32
          %add3A_336 = arith.constant 80 : i32
          %add3A_337 = arith.addi %mul3A_335, %add3A_336 : i32
          %swap3A_338 = arith.index_cast %add3A_337 : i32 to index
          %swap3A_339 = tpu.vector_load %arg8[%swap3A_338] {strides = array<i32>} : memref<6400xi32, #tpu.memory_space<vmem>>, vector<16xi32>,
          %swap3A_340 = vector.shape_cast %swap3A_339 : vector<16xi32> to vector<16xi32>
          %swap3A_341 = vector.shape_cast %get3A_333 : vector<16xi32> to vector<16xi32>
          tpu.vector_store %arg8[%swap3A_338], %swap3A_341 {strides = array<i32>} : memref<6400xi32, #tpu.memory_space<vmem>>, vector<16xi32>,
          %get3A_342 = arith.index_cast %scan3A_271 : i32 to index
          %get3A_343 = arith.constant 96 : index
          %get3A_344 = tpu.vector_load %arg6[%get3A_342, %get3A_343] {strides = array<i32>} : memref<32x200xi32, #tpu.memory_space<vmem>>, vector<1x16xi32>,
          %get3A_345 = vector.shape_cast %get3A_344 : vector<1x16xi32> to vector<16xi32>
          %mul3A_346 = arith.constant 200 : i32
          %mul3A_347 = arith.muli %scan3A_271, %mul3A_346 : i32
          %add3A_348 = arith.constant 96 : i32
          %add3A_349 = arith.addi %mul3A_347, %add3A_348 : i32
          %swap3A_350 = arith.index_cast %add3A_349 : i32 to index
          %swap3A_351 = tpu.vector_load %arg8[%swap3A_350] {strides = array<i32>} : memref<6400xi32, #tpu.memory_space<vmem>>, vector<16xi32>,
          %swap3A_352 = vector.shape_cast %swap3A_351 : vector<16xi32> to vector<16xi32>
          %swap3A_353 = vector.shape_cast %get3A_345 : vector<16xi32> to vector<16xi32>
          tpu.vector_store %arg8[%swap3A_350], %swap3A_353 {strides = array<i32>} : memref<6400xi32, #tpu.memory_space<vmem>>, vector<16xi32>,
          %get3A_354 = arith.index_cast %scan3A_271 : i32 to index
          %get3A_355 = arith.constant 112 : index
          %get3A_356 = tpu.vector_load %arg6[%get3A_354, %get3A_355] {strides = array<i32>} : memref<32x200xi32, #tpu.memory_space<vmem>>, vector<1x16xi32>,
          %get3A_357 = vector.shape_cast %get3A_356 : vector<1x16xi32> to vector<16xi32>
          %mul3A_358 = arith.constant 200 : i32
          %mul3A_359 = arith.muli %scan3A_271, %mul3A_358 : i32
          %add3A_360 = arith.constant 112 : i32
          %add3A_361 = arith.addi %mul3A_359, %add3A_360 : i32
          %swap3A_362 = arith.index_cast %add3A_361 : i32 to index
          %swap3A_363 = tpu.vector_load %arg8[%swap3A_362] {strides = array<i32>} : memref<6400xi32, #tpu.memory_space<vmem>>, vector<16xi32>,
          %swap3A_364 = vector.shape_cast %swap3A_363 : vector<16xi32> to vector<16xi32>
          %swap3A_365 = vector.shape_cast %get3A_357 : vector<16xi32> to vector<16xi32>
          tpu.vector_store %arg8[%swap3A_362], %swap3A_365 {strides = array<i32>} : memref<6400xi32, #tpu.memory_space<vmem>>, vector<16xi32>,
          %get3A_366 = arith.index_cast %scan3A_271 : i32 to index
          %get3A_367 = arith.constant 128 : index
          %get3A_368 = tpu.vector_load %arg6[%get3A_366, %get3A_367] {strides = array<i32>} : memref<32x200xi32, #tpu.memory_space<vmem>>, vector<1x16xi32>,
          %get3A_369 = vector.shape_cast %get3A_368 : vector<1x16xi32> to vector<16xi32>
          %mul3A_370 = arith.constant 200 : i32
          %mul3A_371 = arith.muli %scan3A_271, %mul3A_370 : i32
          %add3A_372 = arith.constant 128 : i32
          %add3A_373 = arith.addi %mul3A_371, %add3A_372 : i32
          %swap3A_374 = arith.index_cast %add3A_373 : i32 to index
          %swap3A_375 = tpu.vector_load %arg8[%swap3A_374] {strides = array<i32>} : memref<6400xi32, #tpu.memory_space<vmem>>, vector<16xi32>,
          %swap3A_376 = vector.shape_cast %swap3A_375 : vector<16xi32> to vector<16xi32>
          %swap3A_377 = vector.shape_cast %get3A_369 : vector<16xi32> to vector<16xi32>
          tpu.vector_store %arg8[%swap3A_374], %swap3A_377 {strides = array<i32>} : memref<6400xi32, #tpu.memory_space<vmem>>, vector<16xi32>,
          %get3A_378 = arith.index_cast %scan3A_271 : i32 to index
          %get3A_379 = arith.constant 144 : index
          %get3A_380 = tpu.vector_load %arg6[%get3A_378, %get3A_379] {strides = array<i32>} : memref<32x200xi32, #tpu.memory_space<vmem>>, vector<1x16xi32>,
          %get3A_381 = vector.shape_cast %get3A_380 : vector<1x16xi32> to vector<16xi32>
          %mul3A_382 = arith.constant 200 : i32
          %mul3A_383 = arith.muli %scan3A_271, %mul3A_382 : i32
          %add3A_384 = arith.constant 144 : i32
          %add3A_385 = arith.addi %mul3A_383, %add3A_384 : i32
          %swap3A_386 = arith.index_cast %add3A_385 : i32 to index
          %swap3A_387 = tpu.vector_load %arg8[%swap3A_386] {strides = array<i32>} : memref<6400xi32, #tpu.memory_space<vmem>>, vector<16xi32>,
          %swap3A_388 = vector.shape_cast %swap3A_387 : vector<16xi32> to vector<16xi32>
          %swap3A_389 = vector.shape_cast %get3A_381 : vector<16xi32> to vector<16xi32>
          tpu.vector_store %arg8[%swap3A_386], %swap3A_389 {strides = array<i32>} : memref<6400xi32, #tpu.memory_space<vmem>>, vector<16xi32>,
          %get3A_390 = arith.index_cast %scan3A_271 : i32 to index
          %get3A_391 = arith.constant 160 : index
          %get3A_392 = tpu.vector_load %arg6[%get3A_390, %get3A_391] {strides = array<i32>} : memref<32x200xi32, #tpu.memory_space<vmem>>, vector<1x16xi32>,
          %get3A_393 = vector.shape_cast %get3A_392 : vector<1x16xi32> to vector<16xi32>
          %mul3A_394 = arith.constant 200 : i32
          %mul3A_395 = arith.muli %scan3A_271, %mul3A_394 : i32
          %add3A_396 = arith.constant 160 : i32
          %add3A_397 = arith.addi %mul3A_395, %add3A_396 : i32
          %swap3A_398 = arith.index_cast %add3A_397 : i32 to index
          %swap3A_399 = tpu.vector_load %arg8[%swap3A_398] {strides = array<i32>} : memref<6400xi32, #tpu.memory_space<vmem>>, vector<16xi32>,
          %swap3A_400 = vector.shape_cast %swap3A_399 : vector<16xi32> to vector<16xi32>
          %swap3A_401 = vector.shape_cast %get3A_393 : vector<16xi32> to vector<16xi32>
          tpu.vector_store %arg8[%swap3A_398], %swap3A_401 {strides = array<i32>} : memref<6400xi32, #tpu.memory_space<vmem>>, vector<16xi32>,
          %get3A_402 = arith.index_cast %scan3A_271 : i32 to index
          %get3A_403 = arith.constant 176 : index
          %get3A_404 = tpu.vector_load %arg6[%get3A_402, %get3A_403] {strides = array<i32>} : memref<32x200xi32, #tpu.memory_space<vmem>>, vector<1x16xi32>,
          %get3A_405 = vector.shape_cast %get3A_404 : vector<1x16xi32> to vector<16xi32>
          %mul3A_406 = arith.constant 200 : i32
          %mul3A_407 = arith.muli %scan3A_271, %mul3A_406 : i32
          %add3A_408 = arith.constant 176 : i32
          %add3A_409 = arith.addi %mul3A_407, %add3A_408 : i32
          %swap3A_410 = arith.index_cast %add3A_409 : i32 to index
          %swap3A_411 = tpu.vector_load %arg8[%swap3A_410] {strides = array<i32>} : memref<6400xi32, #tpu.memory_space<vmem>>, vector<16xi32>,
          %swap3A_412 = vector.shape_cast %swap3A_411 : vector<16xi32> to vector<16xi32>
          %swap3A_413 = vector.shape_cast %get3A_405 : vector<16xi32> to vector<16xi32>
          tpu.vector_store %arg8[%swap3A_410], %swap3A_413 {strides = array<i32>} : memref<6400xi32, #tpu.memory_space<vmem>>, vector<16xi32>,
          %get3A_414 = arith.index_cast %scan3A_271 : i32 to index
          %get3A_415 = arith.constant 184 : index
          %get3A_416 = tpu.vector_load %arg6[%get3A_414, %get3A_415] {strides = array<i32>} : memref<32x200xi32, #tpu.memory_space<vmem>>, vector<1x16xi32>,
          %get3A_417 = vector.shape_cast %get3A_416 : vector<1x16xi32> to vector<16xi32>
          %mul3A_418 = arith.constant 200 : i32
          %mul3A_419 = arith.muli %scan3A_271, %mul3A_418 : i32
          %add3A_420 = arith.constant 184 : i32
          %add3A_421 = arith.addi %mul3A_419, %add3A_420 : i32
          %swap3A_422 = arith.index_cast %add3A_421 : i32 to index
          %swap3A_423 = tpu.vector_load %arg8[%swap3A_422] {strides = array<i32>} : memref<6400xi32, #tpu.memory_space<vmem>>, vector<16xi32>,
          %swap3A_424 = vector.shape_cast %swap3A_423 : vector<16xi32> to vector<16xi32>
          %swap3A_425 = vector.shape_cast %get3A_417 : vector<16xi32> to vector<16xi32>
          tpu.vector_store %arg8[%swap3A_422], %swap3A_425 {strides = array<i32>} : memref<6400xi32, #tpu.memory_space<vmem>>, vector<16xi32>,
          %scan3A_426 = arith.constant 1 : i32
          %scan3A_427 = arith.addi %scan3A_271, %scan3A_426 : i32
          %get3A_428 = arith.index_cast %scan3A_427 : i32 to index
          %get3A_429 = arith.constant 0 : index
          %get3A_430 = tpu.vector_load %arg6[%get3A_428, %get3A_429] {strides = array<i32>} : memref<32x200xi32, #tpu.memory_space<vmem>>, vector<1x16xi32>,
          %get3A_431 = vector.shape_cast %get3A_430 : vector<1x16xi32> to vector<16xi32>
          %mul3A_432 = arith.constant 200 : i32
          %mul3A_433 = arith.muli %scan3A_427, %mul3A_432 : i32
          %add3A_434 = arith.constant 0 : i32
          %add3A_435 = arith.addi %mul3A_433, %add3A_434 : i32
          %swap3A_436 = arith.index_cast %add3A_435 : i32 to index
          %swap3A_437 = tpu.vector_load %arg8[%swap3A_436] {strides = array<i32>} : memref<6400xi32, #tpu.memory_space<vmem>>, vector<16xi32>,
          %swap3A_438 = vector.shape_cast %swap3A_437 : vector<16xi32> to vector<16xi32>
          %swap3A_439 = vector.shape_cast %get3A_431 : vector<16xi32> to vector<16xi32>
          tpu.vector_store %arg8[%swap3A_436], %swap3A_439 {strides = array<i32>} : memref<6400xi32, #tpu.memory_space<vmem>>, vector<16xi32>,
          %get3A_440 = arith.index_cast %scan3A_427 : i32 to index
          %get3A_441 = arith.constant 16 : index
          %get3A_442 = tpu.vector_load %arg6[%get3A_440, %get3A_441] {strides = array<i32>} : memref<32x200xi32, #tpu.memory_space<vmem>>, vector<1x16xi32>,
          %get3A_443 = vector.shape_cast %get3A_442 : vector<1x16xi32> to vector<16xi32>
          %mul3A_444 = arith.constant 200 : i32
          %mul3A_445 = arith.muli %scan3A_427, %mul3A_444 : i32
          %add3A_446 = arith.constant 16 : i32
          %add3A_447 = arith.addi %mul3A_445, %add3A_446 : i32
          %swap3A_448 = arith.index_cast %add3A_447 : i32 to index
          %swap3A_449 = tpu.vector_load %arg8[%swap3A_448] {strides = array<i32>} : memref<6400xi32, #tpu.memory_space<vmem>>, vector<16xi32>,
          %swap3A_450 = vector.shape_cast %swap3A_449 : vector<16xi32> to vector<16xi32>
          %swap3A_451 = vector.shape_cast %get3A_443 : vector<16xi32> to vector<16xi32>
          tpu.vector_store %arg8[%swap3A_448], %swap3A_451 {strides = array<i32>} : memref<6400xi32, #tpu.memory_space<vmem>>, vector<16xi32>,
          %get3A_452 = arith.index_cast %scan3A_427 : i32 to index
          %get3A_453 = arith.constant 32 : index
          %get3A_454 = tpu.vector_load %arg6[%get3A_452, %get3A_453] {strides = array<i32>} : memref<32x200xi32, #tpu.memory_space<vmem>>, vector<1x16xi32>,
          %get3A_455 = vector.shape_cast %get3A_454 : vector<1x16xi32> to vector<16xi32>
          %mul3A_456 = arith.constant 200 : i32
          %mul3A_457 = arith.muli %scan3A_427, %mul3A_456 : i32
          %add3A_458 = arith.constant 32 : i32
          %add3A_459 = arith.addi %mul3A_457, %add3A_458 : i32
          %swap3A_460 = arith.index_cast %add3A_459 : i32 to index
          %swap3A_461 = tpu.vector_load %arg8[%swap3A_460] {strides = array<i32>} : memref<6400xi32, #tpu.memory_space<vmem>>, vector<16xi32>,
          %swap3A_462 = vector.shape_cast %swap3A_461 : vector<16xi32> to vector<16xi32>
          %swap3A_463 = vector.shape_cast %get3A_455 : vector<16xi32> to vector<16xi32>
          tpu.vector_store %arg8[%swap3A_460], %swap3A_463 {strides = array<i32>} : memref<6400xi32, #tpu.memory_space<vmem>>, vector<16xi32>,
          %get3A_464 = arith.index_cast %scan3A_427 : i32 to index
          %get3A_465 = arith.constant 48 : index
          %get3A_466 = tpu.vector_load %arg6[%get3A_464, %get3A_465] {strides = array<i32>} : memref<32x200xi32, #tpu.memory_space<vmem>>, vector<1x16xi32>,
          %get3A_467 = vector.shape_cast %get3A_466 : vector<1x16xi32> to vector<16xi32>
          %mul3A_468 = arith.constant 200 : i32
          %mul3A_469 = arith.muli %scan3A_427, %mul3A_468 : i32
          %add3A_470 = arith.constant 48 : i32
          %add3A_471 = arith.addi %mul3A_469, %add3A_470 : i32
          %swap3A_472 = arith.index_cast %add3A_471 : i32 to index
          %swap3A_473 = tpu.vector_load %arg8[%swap3A_472] {strides = array<i32>} : memref<6400xi32, #tpu.memory_space<vmem>>, vector<16xi32>,
          %swap3A_474 = vector.shape_cast %swap3A_473 : vector<16xi32> to vector<16xi32>
          %swap3A_475 = vector.shape_cast %get3A_467 : vector<16xi32> to vector<16xi32>
          tpu.vector_store %arg8[%swap3A_472], %swap3A_475 {strides = array<i32>} : memref<6400xi32, #tpu.memory_space<vmem>>, vector<16xi32>,
          %get3A_476 = arith.index_cast %scan3A_427 : i32 to index
          %get3A_477 = arith.constant 64 : index
          %get3A_478 = tpu.vector_load %arg6[%get3A_476, %get3A_477] {strides = array<i32>} : memref<32x200xi32, #tpu.memory_space<vmem>>, vector<1x16xi32>,
          %get3A_479 = vector.shape_cast %get3A_478 : vector<1x16xi32> to vector<16xi32>
          %mul3A_480 = arith.constant 200 : i32
          %mul3A_481 = arith.muli %scan3A_427, %mul3A_480 : i32
          %add3A_482 = arith.constant 64 : i32
          %add3A_483 = arith.addi %mul3A_481, %add3A_482 : i32
          %swap3A_484 = arith.index_cast %add3A_483 : i32 to index
          %swap3A_485 = tpu.vector_load %arg8[%swap3A_484] {strides = array<i32>} : memref<6400xi32, #tpu.memory_space<vmem>>, vector<16xi32>,
          %swap3A_486 = vector.shape_cast %swap3A_485 : vector<16xi32> to vector<16xi32>
          %swap3A_487 = vector.shape_cast %get3A_479 : vector<16xi32> to vector<16xi32>
          tpu.vector_store %arg8[%swap3A_484], %swap3A_487 {strides = array<i32>} : memref<6400xi32, #tpu.memory_space<vmem>>, vector<16xi32>,
          %get3A_488 = arith.index_cast %scan3A_427 : i32 to index
          %get3A_489 = arith.constant 80 : index
          %get3A_490 = tpu.vector_load %arg6[%get3A_488, %get3A_489] {strides = array<i32>} : memref<32x200xi32, #tpu.memory_space<vmem>>, vector<1x16xi32>,
          %get3A_491 = vector.shape_cast %get3A_490 : vector<1x16xi32> to vector<16xi32>
          %mul3A_492 = arith.constant 200 : i32
          %mul3A_493 = arith.muli %scan3A_427, %mul3A_492 : i32
          %add3A_494 = arith.constant 80 : i32
          %add3A_495 = arith.addi %mul3A_493, %add3A_494 : i32
          %swap3A_496 = arith.index_cast %add3A_495 : i32 to index
          %swap3A_497 = tpu.vector_load %arg8[%swap3A_496] {strides = array<i32>} : memref<6400xi32, #tpu.memory_space<vmem>>, vector<16xi32>,
          %swap3A_498 = vector.shape_cast %swap3A_497 : vector<16xi32> to vector<16xi32>
          %swap3A_499 = vector.shape_cast %get3A_491 : vector<16xi32> to vector<16xi32>
          tpu.vector_store %arg8[%swap3A_496], %swap3A_499 {strides = array<i32>} : memref<6400xi32, #tpu.memory_space<vmem>>, vector<16xi32>,
          %get3A_500 = arith.index_cast %scan3A_427 : i32 to index
          %get3A_501 = arith.constant 96 : index
          %get3A_502 = tpu.vector_load %arg6[%get3A_500, %get3A_501] {strides = array<i32>} : memref<32x200xi32, #tpu.memory_space<vmem>>, vector<1x16xi32>,
          %get3A_503 = vector.shape_cast %get3A_502 : vector<1x16xi32> to vector<16xi32>
          %mul3A_504 = arith.constant 200 : i32
          %mul3A_505 = arith.muli %scan3A_427, %mul3A_504 : i32
          %add3A_506 = arith.constant 96 : i32
          %add3A_507 = arith.addi %mul3A_505, %add3A_506 : i32
          %swap3A_508 = arith.index_cast %add3A_507 : i32 to index
          %swap3A_509 = tpu.vector_load %arg8[%swap3A_508] {strides = array<i32>} : memref<6400xi32, #tpu.memory_space<vmem>>, vector<16xi32>,
          %swap3A_510 = vector.shape_cast %swap3A_509 : vector<16xi32> to vector<16xi32>
          %swap3A_511 = vector.shape_cast %get3A_503 : vector<16xi32> to vector<16xi32>
          tpu.vector_store %arg8[%swap3A_508], %swap3A_511 {strides = array<i32>} : memref<6400xi32, #tpu.memory_space<vmem>>, vector<16xi32>,
          %get3A_512 = arith.index_cast %scan3A_427 : i32 to index
          %get3A_513 = arith.constant 112 : index
          %get3A_514 = tpu.vector_load %arg6[%get3A_512, %get3A_513] {strides = array<i32>} : memref<32x200xi32, #tpu.memory_space<vmem>>, vector<1x16xi32>,
          %get3A_515 = vector.shape_cast %get3A_514 : vector<1x16xi32> to vector<16xi32>
          %mul3A_516 = arith.constant 200 : i32
          %mul3A_517 = arith.muli %scan3A_427, %mul3A_516 : i32
          %add3A_518 = arith.constant 112 : i32
          %add3A_519 = arith.addi %mul3A_517, %add3A_518 : i32
          %swap3A_520 = arith.index_cast %add3A_519 : i32 to index
          %swap3A_521 = tpu.vector_load %arg8[%swap3A_520] {strides = array<i32>} : memref<6400xi32, #tpu.memory_space<vmem>>, vector<16xi32>,
          %swap3A_522 = vector.shape_cast %swap3A_521 : vector<16xi32> to vector<16xi32>
          %swap3A_523 = vector.shape_cast %get3A_515 : vector<16xi32> to vector<16xi32>
          tpu.vector_store %arg8[%swap3A_520], %swap3A_523 {strides = array<i32>} : memref<6400xi32, #tpu.memory_space<vmem>>, vector<16xi32>,
          %get3A_524 = arith.index_cast %scan3A_427 : i32 to index
          %get3A_525 = arith.constant 128 : index
          %get3A_526 = tpu.vector_load %arg6[%get3A_524, %get3A_525] {strides = array<i32>} : memref<32x200xi32, #tpu.memory_space<vmem>>, vector<1x16xi32>,
          %get3A_527 = vector.shape_cast %get3A_526 : vector<1x16xi32> to vector<16xi32>
          %mul3A_528 = arith.constant 200 : i32
          %mul3A_529 = arith.muli %scan3A_427, %mul3A_528 : i32
          %add3A_530 = arith.constant 128 : i32
          %add3A_531 = arith.addi %mul3A_529, %add3A_530 : i32
          %swap3A_532 = arith.index_cast %add3A_531 : i32 to index
          %swap3A_533 = tpu.vector_load %arg8[%swap3A_532] {strides = array<i32>} : memref<6400xi32, #tpu.memory_space<vmem>>, vector<16xi32>,
          %swap3A_534 = vector.shape_cast %swap3A_533 : vector<16xi32> to vector<16xi32>
          %swap3A_535 = vector.shape_cast %get3A_527 : vector<16xi32> to vector<16xi32>
          tpu.vector_store %arg8[%swap3A_532], %swap3A_535 {strides = array<i32>} : memref<6400xi32, #tpu.memory_space<vmem>>, vector<16xi32>,
          %get3A_536 = arith.index_cast %scan3A_427 : i32 to index
          %get3A_537 = arith.constant 144 : index
          %get3A_538 = tpu.vector_load %arg6[%get3A_536, %get3A_537] {strides = array<i32>} : memref<32x200xi32, #tpu.memory_space<vmem>>, vector<1x16xi32>,
          %get3A_539 = vector.shape_cast %get3A_538 : vector<1x16xi32> to vector<16xi32>
          %mul3A_540 = arith.constant 200 : i32
          %mul3A_541 = arith.muli %scan3A_427, %mul3A_540 : i32
          %add3A_542 = arith.constant 144 : i32
          %add3A_543 = arith.addi %mul3A_541, %add3A_542 : i32
          %swap3A_544 = arith.index_cast %add3A_543 : i32 to index
          %swap3A_545 = tpu.vector_load %arg8[%swap3A_544] {strides = array<i32>} : memref<6400xi32, #tpu.memory_space<vmem>>, vector<16xi32>,
          %swap3A_546 = vector.shape_cast %swap3A_545 : vector<16xi32> to vector<16xi32>
          %swap3A_547 = vector.shape_cast %get3A_539 : vector<16xi32> to vector<16xi32>
          tpu.vector_store %arg8[%swap3A_544], %swap3A_547 {strides = array<i32>} : memref<6400xi32, #tpu.memory_space<vmem>>, vector<16xi32>,
          %get3A_548 = arith.index_cast %scan3A_427 : i32 to index
          %get3A_549 = arith.constant 160 : index
          %get3A_550 = tpu.vector_load %arg6[%get3A_548, %get3A_549] {strides = array<i32>} : memref<32x200xi32, #tpu.memory_space<vmem>>, vector<1x16xi32>,
          %get3A_551 = vector.shape_cast %get3A_550 : vector<1x16xi32> to vector<16xi32>
          %mul3A_552 = arith.constant 200 : i32
          %mul3A_553 = arith.muli %scan3A_427, %mul3A_552 : i32
          %add3A_554 = arith.constant 160 : i32
          %add3A_555 = arith.addi %mul3A_553, %add3A_554 : i32
          %swap3A_556 = arith.index_cast %add3A_555 : i32 to index
          %swap3A_557 = tpu.vector_load %arg8[%swap3A_556] {strides = array<i32>} : memref<6400xi32, #tpu.memory_space<vmem>>, vector<16xi32>,
          %swap3A_558 = vector.shape_cast %swap3A_557 : vector<16xi32> to vector<16xi32>
          %swap3A_559 = vector.shape_cast %get3A_551 : vector<16xi32> to vector<16xi32>
          tpu.vector_store %arg8[%swap3A_556], %swap3A_559 {strides = array<i32>} : memref<6400xi32, #tpu.memory_space<vmem>>, vector<16xi32>,
          %get3A_560 = arith.index_cast %scan3A_427 : i32 to index
          %get3A_561 = arith.constant 176 : index
          %get3A_562 = tpu.vector_load %arg6[%get3A_560, %get3A_561] {strides = array<i32>} : memref<32x200xi32, #tpu.memory_space<vmem>>, vector<1x16xi32>,
          %get3A_563 = vector.shape_cast %get3A_562 : vector<1x16xi32> to vector<16xi32>
          %mul3A_564 = arith.constant 200 : i32
          %mul3A_565 = arith.muli %scan3A_427, %mul3A_564 : i32
          %add3A_566 = arith.constant 176 : i32
          %add3A_567 = arith.addi %mul3A_565, %add3A_566 : i32
          %swap3A_568 = arith.index_cast %add3A_567 : i32 to index
          %swap3A_569 = tpu.vector_load %arg8[%swap3A_568] {strides = array<i32>} : memref<6400xi32, #tpu.memory_space<vmem>>, vector<16xi32>,
          %swap3A_570 = vector.shape_cast %swap3A_569 : vector<16xi32> to vector<16xi32>
          %swap3A_571 = vector.shape_cast %get3A_563 : vector<16xi32> to vector<16xi32>
          tpu.vector_store %arg8[%swap3A_568], %swap3A_571 {strides = array<i32>} : memref<6400xi32, #tpu.memory_space<vmem>>, vector<16xi32>,
          %get3A_572 = arith.index_cast %scan3A_427 : i32 to index
          %get3A_573 = arith.constant 184 : index
          %get3A_574 = tpu.vector_load %arg6[%get3A_572, %get3A_573] {strides = array<i32>} : memref<32x200xi32, #tpu.memory_space<vmem>>, vector<1x16xi32>,
          %get3A_575 = vector.shape_cast %get3A_574 : vector<1x16xi32> to vector<16xi32>
          %mul3A_576 = arith.constant 200 : i32
          %mul3A_577 = arith.muli %scan3A_427, %mul3A_576 : i32
          %add3A_578 = arith.constant 184 : i32
          %add3A_579 = arith.addi %mul3A_577, %add3A_578 : i32
          %swap3A_580 = arith.index_cast %add3A_579 : i32 to index
          %swap3A_581 = tpu.vector_load %arg8[%swap3A_580] {strides = array<i32>} : memref<6400xi32, #tpu.memory_space<vmem>>, vector<16xi32>,
          %swap3A_582 = vector.shape_cast %swap3A_581 : vector<16xi32> to vector<16xi32>
          %swap3A_583 = vector.shape_cast %get3A_575 : vector<16xi32> to vector<16xi32>
          tpu.vector_store %arg8[%swap3A_580], %swap3A_583 {strides = array<i32>} : memref<6400xi32, #tpu.memory_space<vmem>>, vector<16xi32>,
        }
        %scan3A_261 = arith.constant 32 : i32
        %add3A_262 = arith.constant 3 : i32
        %add3A_263 = arith.addi %mul3A_173, %add3A_262 : i32
        %mul3A_264 = arith.constant 32 : i32
        %mul3A_265 = arith.muli %add3A_263, %mul3A_264 : i32
        %add3A_266 = arith.addi %mul3A_2, %mul3A_265 : i32
        %dma_start3A_267 = arith.constant 0 : i32
        %dma_start3A_268 = tpu.memref_slice %arg2[%add3A_266, %dma_start3A_267] : memref<16384x200xi32, #tpu.memory_space<hbm>> -> memref<32x200xi32, #tpu.memory_space<hbm>>
        %dma_start3A_269 = arith.constant 0 : i32
        %dma_start3A_270 = tpu.memref_slice %arg2[%add3A_266, %dma_start3A_269] : memref<16384x200xi32, #tpu.memory_space<hbm>> -> memref<32x200xi32, #tpu.memory_space<hbm>>
        tpu.enqueue_dma source(%dma_start3A_270 : memref<32x200xi32, #tpu.memory_space<hbm>>) target(%arg7 : memref<32x200xi32, #tpu.memory_space<vmem>>) target_semaphore(%arg17 : memref<!tpu.dma_semaphore, #tpu.memory_space<semaphore_mem>>)
      } else {
      }
      %dma_wait3A_220 = arith.constant 0 : i32
      %dma_wait3A_221 = tpu.memref_slice %arg5[%dma_wait3A_220] : memref<1000000xf32, #tpu.memory_space<vmem_shared>> -> memref<1000000xf32, #tpu.memory_space<vmem_shared>>
      tpu.wait_indirect_dma semaphore(%arg19 : memref<!tpu.dma_semaphore, #tpu.memory_space<semaphore_mem>>) src(%dma_wait3A_221 : memref<1000000xf32, #tpu.memory_space<vmem_shared>>) dst(%arg11 : memref<6400xf32, #tpu.memory_space<vmem>>)
      %lt3A_222 = arith.constant 7 : i32
      %lt3A_223 = arith.cmpi slt, %scan3A_171, %lt3A_222 : i32
      %convert_element_type3A_224 = arith.extui %lt3A_223 : i1 to i32
      %cond3A_225 = arith.constant 0 : i32
      %cond3A_226 = arith.cmpi ne, %convert_element_type3A_224, %cond3A_225 : i32
      scf.if %cond3A_226 {
        %dma_start3A_247 = arith.constant 0 : i32
        %dma_start3A_248 = tpu.memref_slice %arg5[%dma_start3A_247] : memref<1000000xf32, #tpu.memory_space<vmem_shared>> -> memref<1000000xf32, #tpu.memory_space<vmem_shared>>
        tpu.enqueue_indirect_dma source(%dma_start3A_248 : memref<1000000xf32, #tpu.memory_space<vmem_shared>>) target(%arg10 : memref<6400xf32, #tpu.memory_space<vmem>>) offsets(%arg8 : memref<6400xi32, #tpu.memory_space<vmem>>) semaphore(%arg18 : memref<!tpu.dma_semaphore, #tpu.memory_space<semaphore_mem>>)
      } else {
      }
      %ge3A_227 = arith.constant 1 : i32
      %ge3A_228 = arith.cmpi sge, %scan3A_171, %ge3A_227 : i32
      %convert_element_type3A_229 = arith.extui %ge3A_228 : i1 to i32
      %cond3A_230 = arith.constant 0 : i32
      %cond3A_231 = arith.cmpi ne, %convert_element_type3A_229, %cond3A_230 : i32
      scf.if %cond3A_231 {
        %sub3A = arith.constant 1 : i32
        %sub3A_247 = arith.subi %mul3A_173, %sub3A : i32
        %mul3A_248 = arith.constant 32 : i32
        %mul3A_249 = arith.muli %sub3A_247, %mul3A_248 : i32
        %add3A_250 = arith.addi %mul3A_2, %mul3A_249 : i32
        %mul3A_251 = arith.constant 200 : i32
        %mul3A_252 = arith.muli %add3A_250, %mul3A_251 : i32
        %dma_wait3A_253 = tpu.memref_slice %arg4[%mul3A_252] : memref<3276800xf32, #tpu.memory_space<hbm>> -> memref<6400xf32, #tpu.memory_space<hbm>>
        %dma_wait3A_254 = tpu.memref_slice %arg4[%mul3A_252] : memref<3276800xf32, #tpu.memory_space<hbm>> -> memref<6400xf32, #tpu.memory_space<hbm>>
        tpu.wait_dma2 semaphore(%arg21 : memref<!tpu.dma_semaphore, #tpu.memory_space<semaphore_mem>>) src(%arg11 : memref<6400xf32, #tpu.memory_space<vmem>>) dst(%dma_wait3A_254 : memref<6400xf32, #tpu.memory_space<hbm>>)
      } else {
      }
      %scan3A_232 = arith.constant 0 : i32
      %scan3A_233 = arith.constant 0 : i32
      %scan3A_234 = arith.constant 400 : i32
      %scan3A_235 = arith.addi %scan3A_233, %scan3A_234 : i32
      %scan3A_236 = arith.constant 8 : i32
      scf.for %scan3A_247 = %scan3A_233 to %scan3A_235 step %scan3A_236  : i32 {
        %mul3A_248 = arith.constant 16 : i32
        %mul3A_249 = arith.muli %scan3A_247, %mul3A_248 : i32
        %get3A = arith.index_cast %mul3A_249 : i32 to index
        %get3A_250 = tpu.vector_load %arg11[%get3A] {strides = array<i32>} : memref<6400xf32, #tpu.memory_space<vmem>>, vector<16xf32>,
        %get3A_251 = vector.shape_cast %get3A_250 : vector<16xf32> to vector<16xf32>
        %exp3A = math.exp %get3A_251 : vector<16xf32>
        %swap3A = arith.index_cast %mul3A_249 : i32 to index
        %swap3A_252 = tpu.vector_load %arg11[%swap3A] {strides = array<i32>} : memref<6400xf32, #tpu.memory_space<vmem>>, vector<16xf32>,
        %swap3A_253 = vector.shape_cast %swap3A_252 : vector<16xf32> to vector<16xf32>
        %swap3A_254 = vector.shape_cast %exp3A : vector<16xf32> to vector<16xf32>
        tpu.vector_store %arg11[%swap3A], %swap3A_254 {strides = array<i32>} : memref<6400xf32, #tpu.memory_space<vmem>>, vector<16xf32>,
        %scan3A_255 = arith.constant 1 : i32
        %scan3A_256 = arith.addi %scan3A_247, %scan3A_255 : i32
        %mul3A_257 = arith.constant 16 : i32
        %mul3A_258 = arith.muli %scan3A_256, %mul3A_257 : i32
        %get3A_259 = arith.index_cast %mul3A_258 : i32 to index
        %get3A_260 = tpu.vector_load %arg11[%get3A_259] {strides = array<i32>} : memref<6400xf32, #tpu.memory_space<vmem>>, vector<16xf32>,
        %get3A_261 = vector.shape_cast %get3A_260 : vector<16xf32> to vector<16xf32>
        %exp3A_262 = math.exp %get3A_261 : vector<16xf32>
        %swap3A_263 = arith.index_cast %mul3A_258 : i32 to index
        %swap3A_264 = tpu.vector_load %arg11[%swap3A_263] {strides = array<i32>} : memref<6400xf32, #tpu.memory_space<vmem>>, vector<16xf32>,
        %swap3A_265 = vector.shape_cast %swap3A_264 : vector<16xf32> to vector<16xf32>
        %swap3A_266 = vector.shape_cast %exp3A_262 : vector<16xf32> to vector<16xf32>
        tpu.vector_store %arg11[%swap3A_263], %swap3A_266 {strides = array<i32>} : memref<6400xf32, #tpu.memory_space<vmem>>, vector<16xf32>,
        %scan3A_267 = arith.constant 2 : i32
        %scan3A_268 = arith.addi %scan3A_247, %scan3A_267 : i32
        %mul3A_269 = arith.constant 16 : i32
        %mul3A_270 = arith.muli %scan3A_268, %mul3A_269 : i32
        %get3A_271 = arith.index_cast %mul3A_270 : i32 to index
        %get3A_272 = tpu.vector_load %arg11[%get3A_271] {strides = array<i32>} : memref<6400xf32, #tpu.memory_space<vmem>>, vector<16xf32>,
        %get3A_273 = vector.shape_cast %get3A_272 : vector<16xf32> to vector<16xf32>
        %exp3A_274 = math.exp %get3A_273 : vector<16xf32>
        %swap3A_275 = arith.index_cast %mul3A_270 : i32 to index
        %swap3A_276 = tpu.vector_load %arg11[%swap3A_275] {strides = array<i32>} : memref<6400xf32, #tpu.memory_space<vmem>>, vector<16xf32>,
        %swap3A_277 = vector.shape_cast %swap3A_276 : vector<16xf32> to vector<16xf32>
        %swap3A_278 = vector.shape_cast %exp3A_274 : vector<16xf32> to vector<16xf32>
        tpu.vector_store %arg11[%swap3A_275], %swap3A_278 {strides = array<i32>} : memref<6400xf32, #tpu.memory_space<vmem>>, vector<16xf32>,
        %scan3A_279 = arith.constant 3 : i32
        %scan3A_280 = arith.addi %scan3A_247, %scan3A_279 : i32
        %mul3A_281 = arith.constant 16 : i32
        %mul3A_282 = arith.muli %scan3A_280, %mul3A_281 : i32
        %get3A_283 = arith.index_cast %mul3A_282 : i32 to index
        %get3A_284 = tpu.vector_load %arg11[%get3A_283] {strides = array<i32>} : memref<6400xf32, #tpu.memory_space<vmem>>, vector<16xf32>,
        %get3A_285 = vector.shape_cast %get3A_284 : vector<16xf32> to vector<16xf32>
        %exp3A_286 = math.exp %get3A_285 : vector<16xf32>
        %swap3A_287 = arith.index_cast %mul3A_282 : i32 to index
        %swap3A_288 = tpu.vector_load %arg11[%swap3A_287] {strides = array<i32>} : memref<6400xf32, #tpu.memory_space<vmem>>, vector<16xf32>,
        %swap3A_289 = vector.shape_cast %swap3A_288 : vector<16xf32> to vector<16xf32>
        %swap3A_290 = vector.shape_cast %exp3A_286 : vector<16xf32> to vector<16xf32>
        tpu.vector_store %arg11[%swap3A_287], %swap3A_290 {strides = array<i32>} : memref<6400xf32, #tpu.memory_space<vmem>>, vector<16xf32>,
        %scan3A_291 = arith.constant 4 : i32
        %scan3A_292 = arith.addi %scan3A_247, %scan3A_291 : i32
        %mul3A_293 = arith.constant 16 : i32
        %mul3A_294 = arith.muli %scan3A_292, %mul3A_293 : i32
        %get3A_295 = arith.index_cast %mul3A_294 : i32 to index
        %get3A_296 = tpu.vector_load %arg11[%get3A_295] {strides = array<i32>} : memref<6400xf32, #tpu.memory_space<vmem>>, vector<16xf32>,
        %get3A_297 = vector.shape_cast %get3A_296 : vector<16xf32> to vector<16xf32>
        %exp3A_298 = math.exp %get3A_297 : vector<16xf32>
        %swap3A_299 = arith.index_cast %mul3A_294 : i32 to index
        %swap3A_300 = tpu.vector_load %arg11[%swap3A_299] {strides = array<i32>} : memref<6400xf32, #tpu.memory_space<vmem>>, vector<16xf32>,
        %swap3A_301 = vector.shape_cast %swap3A_300 : vector<16xf32> to vector<16xf32>
        %swap3A_302 = vector.shape_cast %exp3A_298 : vector<16xf32> to vector<16xf32>
        tpu.vector_store %arg11[%swap3A_299], %swap3A_302 {strides = array<i32>} : memref<6400xf32, #tpu.memory_space<vmem>>, vector<16xf32>,
        %scan3A_303 = arith.constant 5 : i32
        %scan3A_304 = arith.addi %scan3A_247, %scan3A_303 : i32
        %mul3A_305 = arith.constant 16 : i32
        %mul3A_306 = arith.muli %scan3A_304, %mul3A_305 : i32
        %get3A_307 = arith.index_cast %mul3A_306 : i32 to index
        %get3A_308 = tpu.vector_load %arg11[%get3A_307] {strides = array<i32>} : memref<6400xf32, #tpu.memory_space<vmem>>, vector<16xf32>,
        %get3A_309 = vector.shape_cast %get3A_308 : vector<16xf32> to vector<16xf32>
        %exp3A_310 = math.exp %get3A_309 : vector<16xf32>
        %swap3A_311 = arith.index_cast %mul3A_306 : i32 to index
        %swap3A_312 = tpu.vector_load %arg11[%swap3A_311] {strides = array<i32>} : memref<6400xf32, #tpu.memory_space<vmem>>, vector<16xf32>,
        %swap3A_313 = vector.shape_cast %swap3A_312 : vector<16xf32> to vector<16xf32>
        %swap3A_314 = vector.shape_cast %exp3A_310 : vector<16xf32> to vector<16xf32>
        tpu.vector_store %arg11[%swap3A_311], %swap3A_314 {strides = array<i32>} : memref<6400xf32, #tpu.memory_space<vmem>>, vector<16xf32>,
        %scan3A_315 = arith.constant 6 : i32
        %scan3A_316 = arith.addi %scan3A_247, %scan3A_315 : i32
        %mul3A_317 = arith.constant 16 : i32
        %mul3A_318 = arith.muli %scan3A_316, %mul3A_317 : i32
        %get3A_319 = arith.index_cast %mul3A_318 : i32 to index
        %get3A_320 = tpu.vector_load %arg11[%get3A_319] {strides = array<i32>} : memref<6400xf32, #tpu.memory_space<vmem>>, vector<16xf32>,
        %get3A_321 = vector.shape_cast %get3A_320 : vector<16xf32> to vector<16xf32>
        %exp3A_322 = math.exp %get3A_321 : vector<16xf32>
        %swap3A_323 = arith.index_cast %mul3A_318 : i32 to index
        %swap3A_324 = tpu.vector_load %arg11[%swap3A_323] {strides = array<i32>} : memref<6400xf32, #tpu.memory_space<vmem>>, vector<16xf32>,
        %swap3A_325 = vector.shape_cast %swap3A_324 : vector<16xf32> to vector<16xf32>
        %swap3A_326 = vector.shape_cast %exp3A_322 : vector<16xf32> to vector<16xf32>
        tpu.vector_store %arg11[%swap3A_323], %swap3A_326 {strides = array<i32>} : memref<6400xf32, #tpu.memory_space<vmem>>, vector<16xf32>,
        %scan3A_327 = arith.constant 7 : i32
        %scan3A_328 = arith.addi %scan3A_247, %scan3A_327 : i32
        %mul3A_329 = arith.constant 16 : i32
        %mul3A_330 = arith.muli %scan3A_328, %mul3A_329 : i32
        %get3A_331 = arith.index_cast %mul3A_330 : i32 to index
        %get3A_332 = tpu.vector_load %arg11[%get3A_331] {strides = array<i32>} : memref<6400xf32, #tpu.memory_space<vmem>>, vector<16xf32>,
        %get3A_333 = vector.shape_cast %get3A_332 : vector<16xf32> to vector<16xf32>
        %exp3A_334 = math.exp %get3A_333 : vector<16xf32>
        %swap3A_335 = arith.index_cast %mul3A_330 : i32 to index
        %swap3A_336 = tpu.vector_load %arg11[%swap3A_335] {strides = array<i32>} : memref<6400xf32, #tpu.memory_space<vmem>>, vector<16xf32>,
        %swap3A_337 = vector.shape_cast %swap3A_336 : vector<16xf32> to vector<16xf32>
        %swap3A_338 = vector.shape_cast %exp3A_334 : vector<16xf32> to vector<16xf32>
        tpu.vector_store %arg11[%swap3A_335], %swap3A_338 {strides = array<i32>} : memref<6400xf32, #tpu.memory_space<vmem>>, vector<16xf32>,
      }
      %scan3A_237 = arith.constant 400 : i32
      %add3A_238 = arith.constant 1 : i32
      %add3A_239 = arith.addi %mul3A_173, %add3A_238 : i32
      %mul3A_240 = arith.constant 32 : i32
      %mul3A_241 = arith.muli %add3A_239, %mul3A_240 : i32
      %add3A_242 = arith.addi %mul3A_2, %mul3A_241 : i32
      %mul3A_243 = arith.constant 200 : i32
      %mul3A_244 = arith.muli %add3A_242, %mul3A_243 : i32
      %dma_start3A_245 = tpu.memref_slice %arg4[%mul3A_244] : memref<3276800xf32, #tpu.memory_space<hbm>> -> memref<6400xf32, #tpu.memory_space<hbm>>
      %dma_start3A_246 = tpu.memref_slice %arg4[%mul3A_244] : memref<3276800xf32, #tpu.memory_space<hbm>> -> memref<6400xf32, #tpu.memory_space<hbm>>
      tpu.enqueue_dma source(%arg11 : memref<6400xf32, #tpu.memory_space<vmem>>) target(%dma_start3A_246 : memref<6400xf32, #tpu.memory_space<hbm>>) target_semaphore(%arg21 : memref<!tpu.dma_semaphore, #tpu.memory_space<semaphore_mem>>)
    }
    %scan3A_158 = arith.constant 8 : i32
    %add3A_159 = arith.constant 448 : i32
    %add3A_160 = arith.addi %mul3A_2, %add3A_159 : i32
    %mul3A_161 = arith.constant 200 : i32
    %mul3A_162 = arith.muli %add3A_160, %mul3A_161 : i32
    %dma_wait3A_163 = tpu.memref_slice %arg4[%mul3A_162] : memref<3276800xf32, #tpu.memory_space<hbm>> -> memref<6400xf32, #tpu.memory_space<hbm>>
    %dma_wait3A_164 = tpu.memref_slice %arg4[%mul3A_162] : memref<3276800xf32, #tpu.memory_space<hbm>> -> memref<6400xf32, #tpu.memory_space<hbm>>
    tpu.wait_dma2 semaphore(%arg20 : memref<!tpu.dma_semaphore, #tpu.memory_space<semaphore_mem>>) src(%arg10 : memref<6400xf32, #tpu.memory_space<vmem>>) dst(%dma_wait3A_164 : memref<6400xf32, #tpu.memory_space<hbm>>)
    %add3A_165 = arith.constant 480 : i32
    %add3A_166 = arith.addi %mul3A_2, %add3A_165 : i32
    %mul3A_167 = arith.constant 200 : i32
    %mul3A_168 = arith.muli %add3A_166, %mul3A_167 : i32
    %dma_wait3A_169 = tpu.memref_slice %arg4[%mul3A_168] : memref<3276800xf32, #tpu.memory_space<hbm>> -> memref<6400xf32, #tpu.memory_space<hbm>>
    %dma_wait3A_170 = tpu.memref_slice %arg4[%mul3A_168] : memref<3276800xf32, #tpu.memory_space<hbm>> -> memref<6400xf32, #tpu.memory_space<hbm>>
    tpu.wait_dma2 semaphore(%arg21 : memref<!tpu.dma_semaphore, #tpu.memory_space<semaphore_mem>>) src(%arg11 : memref<6400xf32, #tpu.memory_space<vmem>>) dst(%dma_wait3A_170 : memref<6400xf32, #tpu.memory_space<hbm>>)
    return
  }
}

</mosaic_0001>

<sc_bundles>
// kernel: _run.3.cloned.1.call-start
scs
__scs_entry_jumppad:
0x0: {  	(pc) =	sbr.rel $0x88, $3  }
0x1: {  	(tag) =	ssettag $0x0;
	lr =	simm.s32 $0x1  }
0x2: {  	[smem:$0x3F9F] =	sst lr;
	_ =	strace $0xD0000000  }
0x3: {  	_ = 	snop  }
0x4: {  	_ = 	snop  }
0x5: {  	_ = 	snop  }
0x6: {  	_ = 	snop  }
0x7: {  	_ = 	snop  }
__scs_overlays_trampoline_lowered:
0x8: {  	[smem:$0x3FAE] =	sst s0  }
0x9: {  	[smem:$0x3FAF] =	sst s1  }
0xa: {  	[smem:$0x3FB0] =	sst s2  }
0xb: {  	[smem:$0x3FB1] =	sst s3  }
0xc: {  	[smem:$0x3FB2] =	sst s4  }
0xd: {  	[smem:$0x3FB3] =	sst s5  }
0xe: {  	[smem:$0x3FB4] =	sst s6  }
0xf: {  	[smem:$0x3FB5] =	sst s7  }
0x10: {  	[smem:$0x3FB6] =	sst s8  }
0x11: {  	[smem:$0x3FB7] =	sst s9;
	s0 =	simm.s32 @!p0 $0x0  }
0x12: {  	s1 =	sld [smem:$0x3F9D];
	s0 =	simm.s32 @p0 $0x1  }
0x13: {  	[smem:$0x3FB8] =	sst s0;
	s0 =	simm.s32 @!p1 $0x0  }
0x14: {  	s2 =	sld [smem:$0x3F9C];
	s0 =	simm.s32 @p1 $0x1  }
0x15: {  	[smem:$0x3FB9] =	sst s0;
	s0 =	simm.s32 @!p2 $0x0  }
0x16: {  	s3 =	sld [smem:$0x3FDB];
	s0 =	simm.s32 @p2 $0x1  }
0x17: {  	s4 =	simm.s32 $0x1BF5;
	[smem:$0x3FBB] =	sst s0  }
0x18: {  	s0 =	sld [smem:$0x3F9E];
	_ =	swait.ge [sflag:s4], $0x0  }
0x19: {  	s7 =	sld [smem:$0x3F9F]  }
0x1a: {  	s8 =	sadd.s32 $0xFFFFE003, lr  }
0x1b: {  	s9 =	sadd.s32 $0xFFFFFEF7, lr;
	s5 =	simm.s32 $0xFFFFFFFF;
	p2 =	slt.u32 s8, $0xFFFFF086  }
0x1c: {  	p1 =	slt.u32 s9, $0xF7A;
	s5 =	simm.s32 @!p2 $0x0  }
0x1d: {  	s5 =	simm.s32 @p1 $0x1;
	p0 =	seq.s32 s7, s2  }
0x1e: {  	s7 =	smul.u32 @!p0 $0xF7A, s2;
	p2 =	seq.s32 @!p0 s5, $0x0  }
0x1f: {  	s9 =	smul.u32 $0xF7A, s1;
	s8 =	simm.s32 @!p0 $0x1BF5;
	p2 =	por !p2, p0  }
0x20: {  	[sflag:s8] =	ssyncset.s32 @!p0 $0xFFFFF086;
	s6 =	sadd.s32 @!p0 s3, s7;
	s7 =	simm.s32 @!p0 $0x108  }
0x21: {  	s3 =	sadd.s32 s3, s9;
	s6 =	sadd.s32 @!p0 $0x88, s6;
	s7 =	simm.s32 @p2 $0x1082  }
0x22: {  	[simem:s7], [sflag:s8] =	dma.local @!p0 [hbm:s6], $0xF7A  }
0x23: {  	s9 =	sor.u32 $0xD0000000, s2;
	s6 =	simm.s32 $0x108;
	_ =	swait.ge @!p0 [sflag:s8], $0x0  }
0x24: {  	s3 =	sadd.s32 $0x88, s3;
	s6 =	simm.s32 @!p1 $0x1082;
	[sflag:s4] =	ssyncset.s32 $0xFFFFF086  }
0x25: {  	[simem:s6], [sflag:s4] =	dma.local [hbm:s3], $0xF7A  }
0x26: {  	[smem:$0x3F9F] =	sst s1;
	(tag) =	ssettag s2;
	_ =	strace s9  }
0x27: {  	s1 =	sld [smem:$0x3FAF]  }
0x28: {  	s2 =	sld [smem:$0x3FB0]  }
0x29: {  	s4 =	sld [smem:$0x3FB2]  }
0x2a: {  	p0 =	seq.s32 s5, $0x0;
	s5 =	sld [smem:$0x3FB3]  }
0x2b: {  	s6 =	sld [smem:$0x3FB4]  }
0x2c: {  	s7 =	sld [smem:$0x3FB5]  }
0x2d: {  	s3 =	simm.s32 $0x108;
	s8 =	sld [smem:$0x3FB6]  }
0x2e: {  	s3 =	simm.s32 @!p0 $0x1082;
	s9 =	sld [smem:$0x3FB7]  }
0x2f: {  	lr =	sadd.s32 s0, s3;
	s0 =	sld [smem:$0x3FAE]  }
0x30: {  	s3 =	sld [smem:$0x3FB1]  }
0x31: {  	[smem:$0x3FBA] =	sst s10  }
0x32: {  	s10 =	sld [smem:$0x3FB8];
	_ =	sdelay $0x3  }
0x33: {  	p0 =	seq.s32 s10, $0x1;
	s10 =	sld [smem:$0x3FBA];
	_ =	sdelay $0x3  }
0x34: {  	[smem:$0x3FBA] =	sst s10  }
0x35: {  	s10 =	sld [smem:$0x3FB9];
	_ =	sdelay $0x3  }
0x36: {  	p1 =	seq.s32 s10, $0x1;
	s10 =	sld [smem:$0x3FBA];
	_ =	sdelay $0x3  }
0x37: {  	[smem:$0x3FBA] =	sst s10  }
0x38: {  	s10 =	sld [smem:$0x3FBB]  }
0x39: {  	_ = 	snop;
	(pc) =	sbr.ind lr, $3  }
0x3a: {  	_ = 	snop  }
0x3b: {  	_ = 	snop  }
0x3c: {  	p2 =	seq.s32 s10, $0x1;
	s10 =	sld [smem:$0x3FBA]  }
0x3d: {  	_ =	shalt  }
0x3e: {  	_ =	shalt  }
0x3f: {  	_ =	shalt  }
0x40: {  	_ =	shalt  }
0x41: {  	_ =	shalt  }
0x42: {  	_ =	shalt  }
0x43: {  	_ =	shalt  }
0x44: {  	_ =	shalt  }
0x45: {  	_ =	shalt  }
0x46: {  	_ =	shalt  }
0x47: {  	_ =	shalt  }
0x48: {  	_ =	shalt  }
0x49: {  	_ =	shalt  }
0x4a: {  	_ =	shalt  }
0x4b: {  	_ =	shalt  }
0x4c: {  	_ =	shalt  }
0x4d: {  	_ =	shalt  }
0x4e: {  	_ =	shalt  }
0x4f: {  	_ =	shalt  }
0x50: {  	_ =	shalt  }
0x51: {  	_ =	shalt  }
0x52: {  	_ =	shalt  }
0x53: {  	_ =	shalt  }
0x54: {  	_ =	shalt  }
0x55: {  	_ =	shalt  }
0x56: {  	_ =	shalt  }
0x57: {  	_ =	shalt  }
0x58: {  	_ =	shalt  }
0x59: {  	_ =	shalt  }
0x5a: {  	_ =	shalt  }
0x5b: {  	_ =	shalt  }
0x5c: {  	_ =	shalt  }
0x5d: {  	_ =	shalt  }
0x5e: {  	_ =	shalt  }
0x5f: {  	_ =	shalt  }
0x60: {  	_ =	shalt  }
0x61: {  	_ =	shalt  }
0x62: {  	_ =	shalt  }
0x63: {  	_ =	shalt  }
0x64: {  	_ =	shalt  }
0x65: {  	_ =	shalt  }
0x66: {  	_ =	shalt  }
0x67: {  	_ =	shalt  }
0x68: {  	_ =	shalt  }
0x69: {  	_ =	shalt  }
0x6a: {  	_ =	shalt  }
0x6b: {  	_ =	shalt  }
0x6c: {  	_ =	shalt  }
0x6d: {  	_ =	shalt  }
0x6e: {  	_ =	shalt  }
0x6f: {  	_ =	shalt  }
0x70: {  	_ =	shalt  }
0x71: {  	_ =	shalt  }
0x72: {  	_ =	shalt  }
0x73: {  	_ =	shalt  }
0x74: {  	_ =	shalt  }
0x75: {  	_ =	shalt  }
0x76: {  	_ =	shalt  }
0x77: {  	_ =	shalt  }
0x78: {  	_ =	shalt  }
0x79: {  	_ =	shalt  }
0x7a: {  	_ =	shalt  }
0x7b: {  	_ =	shalt  }
0x7c: {  	_ =	shalt  }
0x7d: {  	_ =	shalt  }
0x7e: {  	_ =	shalt  }
0x7f: {  	_ =	shalt  }
0x80: {  	_ =	shalt  }
0x81: {  	_ =	shalt  }
0x82: {  	_ =	shalt  }
0x83: {  	_ =	shalt  }
0x84: {  	_ =	shalt  }
0x85: {  	_ =	shalt  }
0x86: {  	_ =	shalt  }
0x87: {  	_ =	shalt  }
.Lfunc_end0:
.L_simem_size_0:
called_computation_lowered:
.L_overlay_start_0:
0x88: {  	s2 =	sld [smem:$0x3FD9]  }
0x89: {  	s3 =	sld [smem:$0x3FFE];
	_ =	sdelay $0x1  }
0x8a: {  	s1 =	srdreg.scid  }
0x8b: {  	s0 =	sand.u32 $0x1, s1  }
0x8c: {  	s17 =	sshll.u32 s0, $0xA;
	s2 =	sadd.s32 s3, s2  }
0x8d: {  	s2 =	sadd.s32 s2, s17  }
0x8e: {  	[smem:$0x3FC6] =	sst s2  }
0x8f: {  	_ = 	snop  }
0x90: {  	s2 =	sld [smem:$0x3FC8]  }
0x91: {  	s18 =	sld [smem:$0x3FD0];
	(tm) =	ssettm $0x1  }
0x92: {  	s4 =	sld [smem:$0x3FFB];
	_ =	sdelay $0x3  }
0x93: {  	_ =	strace s4  }
0x94: {  	s4 =	sld [smem:$0x3FFC];
	_ =	sdelay $0x3  }
0x95: {  	_ =	strace s4  }
0x96: {  	s4 =	sld [smem:$0x3FFD];
	_ =	sdelay $0x3  }
0x97: {  	_ =	strace s4  }
0x98: {  	_ =	strace $0x8FFFFFFF  }
0x99: {  	s19 =	sld [smem:$0x3FDB];
	_ =	sdelay $0x1  }
0x9a: {  	s5 =	simm.s32 $_scs_section_size  }
0x9b: {  	s6 =	simm.s32 $_size__tile_overlayer_lowered;
	s7 =	simm.s32 $_tile_overlayer_lowered  }
0x9c: {  	s22 =	simm.s32 $0x1BFF;
	s21 =	sshll.u32 s7, $0x1;
	s4 =	sadd.s32 s5, s19  }
0x9d: {  	s8 =	simm.s32 $0x0;
	s20 =	sshll.u32 s6, $0x1;
	s6 =	sadd.s32 s21, s4  }
0x9e: {  	[timem:s8], [sflag:s22] =	dma.local [hbm:s6], s20  }
0x9f: {  	_ =	swait.ge [sflag:s22], s20  }
0xa0: {  	s5 =	ssub.s32 $0x0, s20;
	[sflag:s22] =	ssyncset.done $0x0  }
0xa1: {  	[sflag:s22] =	ssyncadd.s32 s5;
	_ =	sdelay $0x1  }
0xa2: {  	s23 =	simm.s32 $0x1B8B  }
0xa3: {  	_ =	swait.ge [sflag:s23], $0x1  }
0xa4: {  	[sflag:s23] =	ssyncset.done $0x0  }
0xa5: {  	s25 =	simm.s32 $0x1B8E;
	s24 =	sld [smem:$0x3FFE];
	[sflag:s23] =	ssyncadd.s32 $0xFFFFFFFF  }
0xa6: {  	s26 =	simm.s32 $execute0_lowered;
	[smem:$0x3FD2] =	sst s25  }
0xa7: {  	s6 =	sshll.u32 s26, $0x1;
	_ =	strace $0x80000046;
	[dreg:$0x1] =	wrdreg $0xFFFFFFFF  }
0xa8: {  	s28 =	simm.s32 $_size_execute0_lowered;
	s4 =	sadd.s32 s4, s6;
	[dreg:$0x0] =	wrdreg $0x0  }
0xa9: {  	s6 =	sshll.u32 s28, $0x1;
	[dreg:$0x2] =	wrdreg s4  }
0xaa: {  	[dreg:$0x3] =	wrdreg s6  }
0xab: {  	[dreg:$0x4] =	wrdreg $0xC0  }
0xac: {  	_ =	task [dreg:s8], $0x5FFFF  }
0xad: {  	[dreg:$0x1] =	wrdreg $0xFFFFFFFF  }
0xae: {  	[dreg:$0x0] =	wrdreg $0x60  }
0xaf: {  	[dreg:$0x2] =	wrdreg s24  }
0xb0: {  	[dreg:$0x3] =	wrdreg s2  }
0xb1: {  	[dreg:$0x4] =	wrdreg s18  }
0xb2: {  	[dreg:$0x5] =	wrdreg $0x0  }
0xb3: {  	[dreg:$0x6] =	wrdreg $0x9  }
0xb4: {  	_ =	task.clear_ibuf [dreg:s8], $0x7FFFF;
	_ =	strace $0x90000046  }
0xb5: {  	s29 =	simm.s32 $0x9;
	_ =	strace $0x80000048  }
0xb6: {  	_ =	swait.ge [sflag:s29], $0x1  }
0xb7: {  	[sflag:s29] =	ssyncadd.s32 $0xFFFFFFFF  }
0xb8: {  	_ =	strace $0x90000048  }
0xb9: {  	_ =	sfence  }
0xba: {  	s30 =	sld [smem:$0x0];
	_ =	sdelay $0x2  }
0xbb: {  	s31 =	sshll.u32 s1, $0xD;
	s1 =	sshrl.u32 s1, $0x2  }
0xbc: {  	s3 =	sand.u32 $0x4000, s31;
	s1 =	sadd.s32 s1, s30  }
0xbd: {  	s0 =	sor.u32 s3, s0;
	s1 =	sshll.u32 s1, $0x11  }
0xbe: {  	s0 =	sor.u32 s1, s0  }
0xbf: {  	s0 =	sadd.s32 $0x8F2B, s0  }
0xc0: {  	[sflag:s0] =	ssyncadd.remote.s32 $0x1  }
0xc1: {  	_ =	sfence.sel $0xFFFF  }
0xc2: {  	[dreg:$0x0] =	wrdreg $0xFFFFFFFF;
	(pc) =	sbr.abs _section_cstart, $3  }
0xc3: {  	[dreg:$0x1] =	wrdreg $0xFFFFFFFF  }
0xc4: {  	_ =	task.clear_ibuf [dreg:s8], $0x2FFFF;
	_ =	strace $0x9FFFFFFF  }
0xc5: {  	(tm) =	ssettm $0x7FFFFFFF  }
tec
execute0_lowered:
.L_overlay_start_1:
0x0: {  	(tag) =	ssettag $0x1  }
0x1: {  	s0 =	rddreg [dreg:$0x0]  }
0x2: {  	s3 =	rddreg [dreg:$0x1]  }
0x3: {  	s1 =	rddreg [dreg:$0x2]  }
0x4: {  	s2 =	rddreg [dreg:$0x3]  }
0x5: {  	s5 =	srdreg.scid;
	s4 =	simm.s32 $0x0;
	s12 =	stileid.u32  }
0x6: {  	s5 =	sand.u32 $0x1, s5;
	[smem:$0x7FF] =	sst s4;
	s8 =	smul.u32 $0xFA0, s12  }
0x7: {  	s9 =	sshll.u32 s12, $0xA;
	s11 =	smul.u32 $0x3E80, s12;
	s6 =	ssub.s32 $0x2, s5  }
0x8: {  	_ =	strace $0x80000047;
	s10 =	sshll.u32 s5, $0x9;
	s5 =	sadd.s32 $0x400, s0  }
0x9: {  	s7 =	sshrl.u32 s6, $0x1;
	s13 =	sshrl.u32 s8, $0x3;
	s14 =	sshrl.u32 s11, $0x2  }
0xa: {  	s8 =	sadd.s32 s8, s2;
	s0 =	ssub.s32 s6, s7;
	s6 =	sor.u32 s10, s9  }
0xb: {  	s9 =	sadd.s32 s3, s13;
	s15 =	sadd.s32 s14, s2;
	[dreg:$0x7] =	wrdreg s8  }
0xc: {  	s16 =	sadd.s32 $0xFA00, s15;
	[dreg:$0x6] =	wrdreg s9  }
0xd: {  	s17 =	sadd.s32 $0x1F400, s15;
	[dreg:$0x8] =	wrdreg s16  }
0xe: {  	s18 =	sadd.s32 $0x2EE00, s15;
	[dreg:$0x9] =	wrdreg s17  }
0xf: {  	s19 =	sadd.s32 $0x3E800, s15;
	[dreg:$0xa] =	wrdreg s18  }
0x10: {  	s20 =	sadd.s32 $0x4E200, s15;
	[dreg:$0xb] =	wrdreg s19  }
0x11: {  	s21 =	sadd.s32 $0x5DC00, s15;
	[dreg:$0xc] =	wrdreg s20  }
0x12: {  	s22 =	sadd.s32 $0x6D600, s15;
	[dreg:$0xd] =	wrdreg s21  }
0x13: {  	s23 =	sadd.s32 $0x7D000, s15;
	[dreg:$0xe] =	wrdreg s22  }
0x14: {  	s24 =	sadd.s32 $0x8CA00, s15;
	[dreg:$0xf] =	wrdreg s23  }
0x15: {  	s25 =	sadd.s32 $0x9C400, s15;
	[dreg:$0x10] =	wrdreg s24  }
0x16: {  	s26 =	sadd.s32 $0xABE00, s15;
	[dreg:$0x11] =	wrdreg s25  }
0x17: {  	s31 =	sadd.s32 $0xBB800, s15;
	[dreg:$0x12] =	wrdreg s26  }
0x18: {  	s11 =	sadd.s32 $0xDAC00, s15;
	[dreg:$0x13] =	wrdreg s31  }
0x19: {  	s3 =	sadd.s32 $0xEA600, s15;
	[dreg:$0x15] =	wrdreg s11  }
0x1a: {  	s0 =	smax.u32 s0, $0x1;
	[dreg:$0x16] =	wrdreg s3  }
0x1b: {  	s13 =	sadd.s32 $0x1F40, s9;
	[dreg:$0x17] =	wrdreg s0  }
0x1c: {  	s10 =	sshll.u32 s6, $0x5;
	s14 =	sadd.s32 $0x3E80, s9;
	[dreg:$0x19] =	wrdreg s13  }
0x1d: {  	s7 =	sadd.s32 s5, s10;
	s10 =	sadd.s32 $0xCB200, s15;
	[dreg:$0x1a] =	wrdreg s14  }
0x1e: {  	[dreg:$0x14] =	wrdreg s10  }
0x1f: {  	s15 =	sadd.s32 $0x5DC0, s9;
	[dreg:$0x5] =	wrdreg s7  }
0x20: {  	s16 =	sadd.s32 $0x7D00, s9;
	[dreg:$0x1b] =	wrdreg s15  }
0x21: {  	s17 =	sadd.s32 $0x9C40, s9;
	[dreg:$0x1c] =	wrdreg s16  }
0x22: {  	s18 =	sadd.s32 $0xBB80, s9;
	[dreg:$0x1d] =	wrdreg s17  }
0x23: {  	s28 =	simm.s32 $0x4;
	s19 =	sadd.s32 $0xDAC0, s9;
	[dreg:$0x1e] =	wrdreg s18  }
0x24: {  	s29 =	simm.s32 $0x5;
	s20 =	sadd.s32 $0xFA00, s9;
	[dreg:$0x1f] =	wrdreg s19  }
0x25: {  	s30 =	simm.s32 $0x1900;
	s21 =	sadd.s32 $0x11940, s9;
	[smem:$0x7F6] =	sst s20  }
0x26: {  	p0 =	sgt.u32 s12, $0x9;
	s22 =	sadd.s32 $0x13880, s9;
	[smem:$0x7F7] =	sst s21  }
0x27: {  	s8 =	simm.s32 $0x0;
	s23 =	sadd.s32 $0x157C0, s9;
	[smem:$0x7F8] =	sst s22  }
0x28: {  	v0 =	vimm.s32 $0xFEDCBA98;
	s24 =	sadd.s32 $0x17700, s9;
	s25 =	sadd.s32 $0x19640, s9;
	[smem:$0x7F9] =	sst s23  }
0x29: {  	v1 =	vimm.s32 $0x76543210;
	v0 =	vunpack.c.l.s4.s8 v0;
	s26 =	sadd.s32 $0x1B580, s9;
	s31 =	sadd.s32 $0x1D4C0, s9;
	[smem:$0x7FA] =	sst s24  }
0x2a: {  	v1 =	vunpack.c.l.s4.s8 v1;
	s0 =	simm.s32 $0x6;
	s3 =	simm.s32 $0x7;
	[smem:$0x7FB] =	sst s25  }
0x2b: {  	v0 =	vunpack.c.0.s8.s32 v0;
	s9 =	simm.s32 $0x14D28;
	s11 =	simm.s32 $0xA;
	[smem:$0x7FC] =	sst s26  }
0x2c: {  	v1 =	vunpack.c.0.s8.s32 v1;
	s12 =	sadd.s32 $0x400, s7;
	[smem:$0x7FD] =	sst s31;
	s18 =	sor.u32 $0x40, s6  }
0x2d: {  	v0 =	vand.u32 $0xF, v0;
	s19 =	sor.u32 $0x60, s6;
	s21 =	simm.s32 $0x16628;
	s22 =	simm.s32 $0x17F28  }
0x2e: {  	vm0 =	vmmov $0xff;
	v0 =	vcombine.low v0, v1;
	s26 =	simm.s32 $0x2;
	s10 =	simm.s32 $0x8;
	[dreg:$0x18] =	wrdreg s12  }
.LBB2_1:
0x2f: {  	[smem:$0x7F5] =	sst s8  }
0x30: {  	s7 =	rddreg [dreg:$0x5];
	s15 =	simm.s32 $0xF428  }
0x31: {  	[tilespmem:s15], [sflag:$0x5] =	stream.linear.gather [hbm4b:s7+s4], $0x2000, $0x38;
	[tilespmem:$0x19828] =	vst v63  }
0x32: {  	s16 =	rddreg [dreg:$0x18];
	s17 =	simm.s32 $0x11428  }
0x33: {  	[tilespmem:s17], [sflag:$0x6] =	stream.linear.gather [hbm4b:s16+s4], $0x2000, $0x38;
	[tilespmem:$0x19828] =	vst v63  }
0x34: {  	s20 =	rddreg [dreg:$0x6]  }
0x35: {  	[tilespmem:s21], [sflag:$0x1] =	stream.linear.gather [hbm4b:s20+s4], $0xFA0, $0x38;
	[tilespmem:$0x19828] =	vst v63  }
0x36: {  	s23 =	rddreg [dreg:$0x19];
	s8 =	simm.s32 $0x1  }
0x37: {  	[tilespmem:s22], [sflag:$0x2] =	stream.linear.gather [hbm4b:s23+s4], $0xFA0, $0x38;
	[tilespmem:$0x19828] =	vst v63  }
0x38: {  	_ =	swait.ge [sflag:s8], $0xFA0  }
0x39: {  	[sflag:s8] =	ssyncset.done $0x0  }
0x3a: {  	s12 =	simm.s32 $0x3;
	s24 =	rddreg [dreg:$0x7];
	[sflag:s8] =	ssyncadd.s32 $0xFFFFF060  }
0x3b: {  	[spmem:s24] =	stream.linear.scatter [tilespmem:s21], [sflag:$0x3], $0xFA0, $0x38;
	[tilespmem:$0x19828] =	vst v63  }
0x3c: {  	_ =	swait.ge [sflag:s12], $0xFA0  }
0x3d: {  	[sflag:s12] =	ssyncset.done $0x0  }
0x3e: {  	s25 =	rddreg [dreg:$0x1a];
	[sflag:s12] =	ssyncadd.s32 $0xFFFFF060  }
0x3f: {  	[tilespmem:s21], [sflag:$0x1] =	stream.linear.gather [hbm4b:s25+s4], $0xFA0, $0x38;
	[tilespmem:$0x19828] =	vst v63  }
0x40: {  	_ =	swait.ge [sflag:s26], $0xFA0  }
0x41: {  	[sflag:s26] =	ssyncset.done $0x0  }
0x42: {  	s31 =	rddreg [dreg:$0x8];
	[sflag:s26] =	ssyncadd.s32 $0xFFFFF060  }
0x43: {  	[spmem:s31] =	stream.linear.scatter [tilespmem:s22], [sflag:$0x4], $0xFA0, $0x38;
	[tilespmem:$0x19828] =	vst v63  }
0x44: {  	_ =	swait.ge [sflag:s28], $0xFA0  }
0x45: {  	[sflag:s28] =	ssyncset.done $0x0  }
0x46: {  	s13 =	rddreg [dreg:$0x1b];
	[sflag:s28] =	ssyncadd.s32 $0xFFFFF060  }
0x47: {  	[tilespmem:s22], [sflag:$0x2] =	stream.linear.gather [hbm4b:s13+s4], $0xFA0, $0x38;
	[tilespmem:$0x19828] =	vst v63  }
0x48: {  	_ =	swait.ge [sflag:s8], $0xFA0  }
0x49: {  	[sflag:s8] =	ssyncset.done $0x0  }
0x4a: {  	s14 =	rddreg [dreg:$0x9];
	[sflag:s8] =	ssyncadd.s32 $0xFFFFF060  }
0x4b: {  	[spmem:s14] =	stream.linear.scatter [tilespmem:s21], [sflag:$0x3], $0xFA0, $0x38;
	[tilespmem:$0x19828] =	vst v63  }
0x4c: {  	_ =	swait.ge [sflag:s12], $0xFA0  }
0x4d: {  	[sflag:s12] =	ssyncset.done $0x0  }
0x4e: {  	s15 =	rddreg [dreg:$0x1c];
	[sflag:s12] =	ssyncadd.s32 $0xFFFFF060  }
0x4f: {  	[tilespmem:s21], [sflag:$0x1] =	stream.linear.gather [hbm4b:s15+s4], $0xFA0, $0x38;
	[tilespmem:$0x19828] =	vst v63  }
0x50: {  	_ =	swait.ge [sflag:s26], $0xFA0  }
0x51: {  	[sflag:s26] =	ssyncset.done $0x0  }
0x52: {  	s16 =	rddreg [dreg:$0xa];
	[sflag:s26] =	ssyncadd.s32 $0xFFFFF060  }
0x53: {  	[spmem:s16] =	stream.linear.scatter [tilespmem:s22], [sflag:$0x4], $0xFA0, $0x38;
	[tilespmem:$0x19828] =	vst v63  }
0x54: {  	_ =	swait.ge [sflag:s28], $0xFA0  }
0x55: {  	[sflag:s28] =	ssyncset.done $0x0  }
0x56: {  	s17 =	rddreg [dreg:$0x1d];
	[sflag:s28] =	ssyncadd.s32 $0xFFFFF060  }
0x57: {  	[tilespmem:s22], [sflag:$0x2] =	stream.linear.gather [hbm4b:s17+s4], $0xFA0, $0x38;
	[tilespmem:$0x19828] =	vst v63  }
0x58: {  	_ =	swait.ge [sflag:s8], $0xFA0  }
0x59: {  	[sflag:s8] =	ssyncset.done $0x0  }
0x5a: {  	s20 =	rddreg [dreg:$0xb];
	[sflag:s8] =	ssyncadd.s32 $0xFFFFF060  }
0x5b: {  	[spmem:s20] =	stream.linear.scatter [tilespmem:s21], [sflag:$0x3], $0xFA0, $0x38;
	[tilespmem:$0x19828] =	vst v63  }
0x5c: {  	_ =	swait.ge [sflag:s12], $0xFA0  }
0x5d: {  	[sflag:s12] =	ssyncset.done $0x0  }
0x5e: {  	s23 =	rddreg [dreg:$0x1e];
	[sflag:s12] =	ssyncadd.s32 $0xFFFFF060  }
0x5f: {  	[tilespmem:s21], [sflag:$0x1] =	stream.linear.gather [hbm4b:s23+s4], $0xFA0, $0x38;
	[tilespmem:$0x19828] =	vst v63  }
0x60: {  	_ =	swait.ge [sflag:s26], $0xFA0  }
0x61: {  	[sflag:s26] =	ssyncset.done $0x0  }
0x62: {  	s24 =	rddreg [dreg:$0xc];
	[sflag:s26] =	ssyncadd.s32 $0xFFFFF060  }
0x63: {  	[spmem:s24] =	stream.linear.scatter [tilespmem:s22], [sflag:$0x4], $0xFA0, $0x38;
	[tilespmem:$0x19828] =	vst v63  }
0x64: {  	_ =	swait.ge [sflag:s28], $0xFA0  }
0x65: {  	[sflag:s28] =	ssyncset.done $0x0  }
0x66: {  	s25 =	rddreg [dreg:$0x1f];
	[sflag:s28] =	ssyncadd.s32 $0xFFFFF060  }
0x67: {  	[tilespmem:s22], [sflag:$0x2] =	stream.linear.gather [hbm4b:s25+s4], $0xFA0, $0x38;
	[tilespmem:$0x19828] =	vst v63  }
0x68: {  	_ =	swait.ge [sflag:s8], $0xFA0  }
0x69: {  	[sflag:s8] =	ssyncset.done $0x0  }
0x6a: {  	s31 =	rddreg [dreg:$0xd];
	[sflag:s8] =	ssyncadd.s32 $0xFFFFF060  }
0x6b: {  	[spmem:s31] =	stream.linear.scatter [tilespmem:s21], [sflag:$0x3], $0xFA0, $0x38;
	[tilespmem:$0x19828] =	vst v63  }
0x6c: {  	_ =	swait.ge [sflag:s12], $0xFA0  }
0x6d: {  	s13 =	sld [smem:$0x7F6]  }
0x6e: {  	[sflag:s12] =	ssyncset.done $0x0  }
0x6f: {  	[sflag:s12] =	ssyncadd.s32 $0xFFFFF060  }
0x70: {  	[tilespmem:s21], [sflag:$0x1] =	stream.linear.gather [hbm4b:s13+s4], $0xFA0, $0x38;
	[tilespmem:$0x19828] =	vst v63  }
0x71: {  	_ =	swait.ge [sflag:s26], $0xFA0  }
0x72: {  	[sflag:s26] =	ssyncset.done $0x0  }
0x73: {  	s14 =	rddreg [dreg:$0xe];
	[sflag:s26] =	ssyncadd.s32 $0xFFFFF060  }
0x74: {  	[spmem:s14] =	stream.linear.scatter [tilespmem:s22], [sflag:$0x4], $0xFA0, $0x38;
	[tilespmem:$0x19828] =	vst v63  }
0x75: {  	_ =	swait.ge [sflag:s28], $0xFA0  }
0x76: {  	s15 =	sld [smem:$0x7F7]  }
0x77: {  	[sflag:s28] =	ssyncset.done $0x0  }
0x78: {  	[sflag:s28] =	ssyncadd.s32 $0xFFFFF060  }
0x79: {  	[tilespmem:s22], [sflag:$0x2] =	stream.linear.gather [hbm4b:s15+s4], $0xFA0, $0x38;
	[tilespmem:$0x19828] =	vst v63  }
0x7a: {  	_ =	swait.ge [sflag:s8], $0xFA0  }
0x7b: {  	[sflag:s8] =	ssyncset.done $0x0  }
0x7c: {  	s16 =	rddreg [dreg:$0xf];
	[sflag:s8] =	ssyncadd.s32 $0xFFFFF060  }
0x7d: {  	[spmem:s16] =	stream.linear.scatter [tilespmem:s21], [sflag:$0x3], $0xFA0, $0x38;
	[tilespmem:$0x19828] =	vst v63  }
0x7e: {  	_ =	swait.ge [sflag:s12], $0xFA0  }
0x7f: {  	s17 =	sld [smem:$0x7F8]  }
0x80: {  	[sflag:s12] =	ssyncset.done $0x0  }
0x81: {  	[sflag:s12] =	ssyncadd.s32 $0xFFFFF060  }
0x82: {  	[tilespmem:s21], [sflag:$0x1] =	stream.linear.gather [hbm4b:s17+s4], $0xFA0, $0x38;
	[tilespmem:$0x19828] =	vst v63  }
0x83: {  	_ =	swait.ge [sflag:s26], $0xFA0  }
0x84: {  	[sflag:s26] =	ssyncset.done $0x0  }
0x85: {  	s20 =	rddreg [dreg:$0x10];
	[sflag:s26] =	ssyncadd.s32 $0xFFFFF060  }
0x86: {  	[spmem:s20] =	stream.linear.scatter [tilespmem:s22], [sflag:$0x4], $0xFA0, $0x38;
	[tilespmem:$0x19828] =	vst v63  }
0x87: {  	_ =	swait.ge [sflag:s28], $0xFA0  }
0x88: {  	s23 =	sld [smem:$0x7F9]  }
0x89: {  	[sflag:s28] =	ssyncset.done $0x0  }
0x8a: {  	[sflag:s28] =	ssyncadd.s32 $0xFFFFF060  }
0x8b: {  	[tilespmem:s22], [sflag:$0x2] =	stream.linear.gather [hbm4b:s23+s4], $0xFA0, $0x38;
	[tilespmem:$0x19828] =	vst v63  }
0x8c: {  	_ =	swait.ge [sflag:s8], $0xFA0  }
0x8d: {  	[sflag:s8] =	ssyncset.done $0x0  }
0x8e: {  	s24 =	rddreg [dreg:$0x11];
	[sflag:s8] =	ssyncadd.s32 $0xFFFFF060  }
0x8f: {  	[spmem:s24] =	stream.linear.scatter [tilespmem:s21], [sflag:$0x3], $0xFA0, $0x38;
	[tilespmem:$0x19828] =	vst v63  }
0x90: {  	_ =	swait.ge [sflag:s12], $0xFA0  }
0x91: {  	s25 =	sld [smem:$0x7FA]  }
0x92: {  	[sflag:s12] =	ssyncset.done $0x0  }
0x93: {  	[sflag:s12] =	ssyncadd.s32 $0xFFFFF060  }
0x94: {  	[tilespmem:s21], [sflag:$0x1] =	stream.linear.gather [hbm4b:s25+s4], $0xFA0, $0x38;
	[tilespmem:$0x19828] =	vst v63  }
0x95: {  	_ =	swait.ge [sflag:s26], $0xFA0  }
0x96: {  	[sflag:s26] =	ssyncset.done $0x0  }
0x97: {  	s31 =	rddreg [dreg:$0x12];
	[sflag:s26] =	ssyncadd.s32 $0xFFFFF060  }
0x98: {  	[spmem:s31] =	stream.linear.scatter [tilespmem:s22], [sflag:$0x4], $0xFA0, $0x38;
	[tilespmem:$0x19828] =	vst v63  }
0x99: {  	_ =	swait.ge [sflag:s28], $0xFA0  }
0x9a: {  	s13 =	sld [smem:$0x7FB]  }
0x9b: {  	[sflag:s28] =	ssyncset.done $0x0  }
0x9c: {  	[sflag:s28] =	ssyncadd.s32 $0xFFFFF060  }
0x9d: {  	[tilespmem:s22], [sflag:$0x2] =	stream.linear.gather [hbm4b:s13+s4], $0xFA0, $0x38;
	[tilespmem:$0x19828] =	vst v63  }
0x9e: {  	_ =	swait.ge [sflag:s8], $0xFA0  }
0x9f: {  	[sflag:s8] =	ssyncset.done $0x0  }
0xa0: {  	s14 =	rddreg [dreg:$0x13];
	[sflag:s8] =	ssyncadd.s32 $0xFFFFF060  }
0xa1: {  	[spmem:s14] =	stream.linear.scatter [tilespmem:s21], [sflag:$0x3], $0xFA0, $0x38;
	[tilespmem:$0x19828] =	vst v63  }
0xa2: {  	_ =	swait.ge [sflag:s12], $0xFA0  }
0xa3: {  	s15 =	sld [smem:$0x7FC]  }
0xa4: {  	[sflag:s12] =	ssyncset.done $0x0  }
0xa5: {  	[sflag:s12] =	ssyncadd.s32 $0xFFFFF060  }
0xa6: {  	[tilespmem:s21], [sflag:$0x1] =	stream.linear.gather [hbm4b:s15+s4], $0xFA0, $0x38;
	[tilespmem:$0x19828] =	vst v63  }
0xa7: {  	_ =	swait.ge [sflag:s26], $0xFA0  }
0xa8: {  	[sflag:s26] =	ssyncset.done $0x0  }
0xa9: {  	s16 =	rddreg [dreg:$0x14];
	[sflag:s26] =	ssyncadd.s32 $0xFFFFF060  }
0xaa: {  	[spmem:s16] =	stream.linear.scatter [tilespmem:s22], [sflag:$0x4], $0xFA0, $0x38;
	[tilespmem:$0x19828] =	vst v63  }
0xab: {  	_ =	swait.ge [sflag:s28], $0xFA0  }
0xac: {  	[sflag:s28] =	ssyncset.done $0x0  }
0xad: {  	s7 =	simm.s32 @p0 $0x1;
	[sflag:s28] =	ssyncadd.s32 $0xFFFFF060  }
0xae: {  	_ =	swait.ge @p0 [sflag:s7], $0xFA0  }
0xaf: {  	[sflag:s7] =	ssyncset.done @p0 $0x0;
	s12 =	rddreg [dreg:$0x15]  }
0xb0: {  	s13 =	sld [smem:$0x7FD];
	[sflag:s7] =	ssyncadd.s32 @p0 $0xFFFFF060;
	s7 =	simm.s32 @p0 $0x16628  }
0xb1: {  	[spmem:s12] =	stream.linear.scatter @p0 [tilespmem:s7], [sflag:$0x3], $0xFA0, $0x38;
	[tilespmem:$0x19828] =	vst v63  }
0xb2: {  	s8 =	simm.s32 @!p0 $0x17F28;
	s7 =	simm.s32 @!p0 $0x0  }
0xb3: {  	[tilespmem:s8], [sflag:$0x2] =	stream.linear.gather @!p0 [hbm4b:s13+s7], $0xFA0, $0x38;
	[tilespmem:$0x19828] =	vst v63  }
0xb4: {  	s7 =	simm.s32 @!p0 $0x1  }
0xb5: {  	_ =	swait.ge @!p0 [sflag:s7], $0xFA0  }
0xb6: {  	[sflag:s7] =	ssyncset.done @!p0 $0x0  }
0xb7: {  	[sflag:s7] =	ssyncadd.s32 @!p0 $0xFFFFF060;
	s7 =	simm.s32 @!p0 $0x16628  }
0xb8: {  	[spmem:s12] =	stream.linear.scatter @!p0 [tilespmem:s7], [sflag:$0x3], $0xFA0, $0x38;
	[tilespmem:$0x19828] =	vst v63  }
0xb9: {  	s7 =	simm.s32 @!p0 $0x3  }
0xba: {  	_ =	swait.ge @!p0 [sflag:s7], $0xFA0  }
0xbb: {  	[sflag:s7] =	ssyncset.done @!p0 $0x0  }
0xbc: {  	[sflag:s7] =	ssyncadd.s32 @!p0 $0xFFFFF060;
	s7 =	simm.s32 @!p0 $0x2  }
0xbd: {  	_ =	swait.ge @!p0 [sflag:s7], $0xFA0  }
0xbe: {  	[sflag:s7] =	ssyncset.done @!p0 $0x0  }
0xbf: {  	[sflag:s7] =	ssyncadd.s32 @!p0 $0xFFFFF060;
	s7 =	rddreg [dreg:$0x16]  }
0xc0: {  	[spmem:s7] =	stream.linear.scatter @!p0 [tilespmem:s8], [sflag:$0x4], $0xFA0, $0x38;
	[tilespmem:$0x19828] =	vst v63  }
0xc1: {  	s7 =	simm.s32 @!p0 $0x4  }
0xc2: {  	s7 =	simm.s32 @p0 $0x3  }
0xc3: {  	_ =	swait.ge [sflag:s7], $0xFA0  }
0xc4: {  	[sflag:s7] =	ssyncset.done $0x0  }
0xc5: {  	[sflag:s7] =	ssyncadd.s32 $0xFFFFF060  }
0xc6: {  	[bflag:$0x0] =	sbarrier.arrive $0xFFFF  }
0xc7: {  	s17 =	sand.u32 $0x1800, s4;
	s20 =	simm.s32 $0x0;
	_ =	swait.ge [sflag:s29], $0x2000  }
0xc8: {  	s8 =	sand.u32 $0x300, s20;
	s7 =	sadd.s32 $0xF428, s17;
	[sflag:s29] =	ssyncset.done $0x0  }
0xc9: {  	s8 =	sor.u32 s8, s7;
	[sflag:s29] =	ssyncadd.s32 $0xFFFFE000  }
0xca: {  	v1 =	vld [tilespmem:s8+$0x0];
	_ =	sdelay $0x3  }
0xcb: {  	s14 =	simm.s32 $0x134F0  }
0xcc: {  	[tilespmem:s14+$0xFFFFFF38] =	vst v1  }
0xcd: {  	v1 =	vld [tilespmem:s8+$0x10];
	_ =	sdelay $0x4  }
0xce: {  	[tilespmem:s14+$0xFFFFFF48] =	vst v1  }
0xcf: {  	v1 =	vld [tilespmem:s8+$0x20];
	_ =	sdelay $0x4  }
0xd0: {  	[tilespmem:s14+$0xFFFFFF58] =	vst v1  }
0xd1: {  	v1 =	vld [tilespmem:s8+$0x30];
	_ =	sdelay $0x4  }
0xd2: {  	[tilespmem:s14+$0xFFFFFF68] =	vst v1  }
0xd3: {  	v1 =	vld [tilespmem:s8+$0x40];
	_ =	sdelay $0x4  }
0xd4: {  	[tilespmem:s14+$0xFFFFFF78] =	vst v1  }
0xd5: {  	v1 =	vld [tilespmem:s8+$0x50];
	_ =	sdelay $0x4  }
0xd6: {  	[tilespmem:s14+$0xFFFFFF88] =	vst v1  }
0xd7: {  	v1 =	vld [tilespmem:s8+$0x60];
	_ =	sdelay $0x4  }
0xd8: {  	[tilespmem:s14+$0xFFFFFF98] =	vst v1  }
0xd9: {  	v1 =	vld [tilespmem:s8+$0x70];
	_ =	sdelay $0x4  }
0xda: {  	[tilespmem:s14+$0xFFFFFFA8] =	vst v1  }
0xdb: {  	v1 =	vld [tilespmem:s8+$0x400];
	_ =	sdelay $0x2  }
0xdc: {  	s23 =	simm.s32 $0x0  }
0xdd: {  	s12 =	sand.u32 $0x1FF0, s23  }
0xde: {  	[tilespmem:s12+$0x134A8] =	vst v1  }
0xdf: {  	v1 =	vld [tilespmem:s8+$0x410];
	_ =	sdelay $0x4  }
0xe0: {  	[tilespmem:s14+$0xFFFFFFC8] =	vst v1  }
0xe1: {  	v1 =	vld [tilespmem:s8+$0x420];
	_ =	sdelay $0x4  }
0xe2: {  	[tilespmem:s14+$0xFFFFFFD8] =	vst v1  }
0xe3: {  	v1 =	vld [tilespmem:s8+$0x430];
	_ =	sdelay $0x4  }
0xe4: {  	[tilespmem:s14+$0xFFFFFFE8] =	vst v1  }
0xe5: {  	v2 =	vld.msk [tilespmem:s8+$0x440], $0xff;
	_ =	sdelay $0x4  }
0xe6: {  	v1 =	vperm.xlane v1, v0;
	v2 =	vperm.xlane v2, v0  }
0xe7: {  	s24 =	simm.s32 $0x80  }
0xe8: {  	s8 =	sand.u32 $0x380, s24;
	v1 =	vsel vm0, v1, v2  }
0xe9: {  	s7 =	sor.u32 s8, s7;
	[tilespmem:s14+$0xFFFFFFF0] =	vst v1  }
0xea: {  	v1 =	vld [tilespmem:s7+$0x0];
	_ =	sdelay $0x4  }
0xeb: {  	[tilespmem:s14+$0x0] =	vst v1  }
0xec: {  	v1 =	vld [tilespmem:s7+$0x10];
	_ =	sdelay $0x4  }
0xed: {  	[tilespmem:s14+$0x10] =	vst v1  }
0xee: {  	v1 =	vld [tilespmem:s7+$0x20];
	_ =	sdelay $0x4  }
0xef: {  	[tilespmem:s14+$0x20] =	vst v1  }
0xf0: {  	v1 =	vld [tilespmem:s7+$0x30];
	_ =	sdelay $0x4  }
0xf1: {  	[tilespmem:s14+$0x30] =	vst v1  }
0xf2: {  	v1 =	vld [tilespmem:s7+$0x40];
	_ =	sdelay $0x4  }
0xf3: {  	[tilespmem:s14+$0x40] =	vst v1  }
0xf4: {  	v1 =	vld [tilespmem:s7+$0x50];
	_ =	sdelay $0x4  }
0xf5: {  	[tilespmem:s14+$0x50] =	vst v1  }
0xf6: {  	v1 =	vld [tilespmem:s7+$0x60];
	_ =	sdelay $0x4  }
0xf7: {  	[tilespmem:s14+$0x60] =	vst v1  }
0xf8: {  	v1 =	vld [tilespmem:s7+$0x70];
	_ =	sdelay $0x4  }
0xf9: {  	[tilespmem:s14+$0x70] =	vst v1  }
0xfa: {  	v1 =	vld [tilespmem:s7+$0x400];
	_ =	sdelay $0x2  }
0xfb: {  	s8 =	simm.s32 $0xC8  }
0xfc: {  	s25 =	sand.u32 $0x1FF8, s8  }
0xfd: {  	[tilespmem:s25+$0x134A8] =	vst v1  }
0xfe: {  	v1 =	vld [tilespmem:s7+$0x410];
	_ =	sdelay $0x4  }
0xff: {  	[tilespmem:s14+$0x90] =	vst v1  }
0x100: {  	v1 =	vld [tilespmem:s7+$0x420];
	_ =	sdelay $0x4  }
0x101: {  	[tilespmem:s14+$0xA0] =	vst v1  }
0x102: {  	v1 =	vld [tilespmem:s7+$0x430];
	_ =	sdelay $0x4  }
0x103: {  	[tilespmem:s14+$0xB0] =	vst v1  }
0x104: {  	v2 =	vld.msk [tilespmem:s7+$0x440], $0xff;
	_ =	sdelay $0x4  }
0x105: {  	s16 =	simm.s32 $0x100;
	s13 =	simm.s32 $0x200;
	v1 =	vperm.xlane v1, v0;
	v2 =	vperm.xlane v2, v0  }
0x106: {  	s15 =	simm.s32 $0x180;
	s31 =	sand.u32 $0x1800, s13;
	s17 =	sand.u32 $0x300, s16  }
0x107: {  	s16 =	sadd.s32 $0xF428, s31;
	s12 =	simm.s32 $0x2;
	s7 =	simm.s32 $0x13680;
	v1 =	vsel vm0, v1, v2  }
.LBB2_2:
0x108: {  	s12 =	sadd.s32 $0x2, s12;
	s17 =	sor.u32 s17, s16;
	[tilespmem:s14+$0xB8] =	vst v1;
	s8 =	sadd.s32 $0x190, s8  }
0x109: {  	s14 =	smov.u32 s7;
	p1 =	slt.u32 s12, $0x1E;
	v1 =	vld [tilespmem:s17+$0x0];
	_ =	sdelay $0x4  }
0x10a: {  	[tilespmem:s7+$0xFFFFFF38] =	vst v1  }
0x10b: {  	v1 =	vld [tilespmem:s17+$0x10];
	_ =	sdelay $0x4  }
0x10c: {  	[tilespmem:s7+$0xFFFFFF48] =	vst v1  }
0x10d: {  	v1 =	vld [tilespmem:s17+$0x20];
	_ =	sdelay $0x4  }
0x10e: {  	[tilespmem:s7+$0xFFFFFF58] =	vst v1  }
0x10f: {  	v1 =	vld [tilespmem:s17+$0x30];
	_ =	sdelay $0x4  }
0x110: {  	[tilespmem:s7+$0xFFFFFF68] =	vst v1  }
0x111: {  	v1 =	vld [tilespmem:s17+$0x40];
	_ =	sdelay $0x4  }
0x112: {  	[tilespmem:s7+$0xFFFFFF78] =	vst v1  }
0x113: {  	v1 =	vld [tilespmem:s17+$0x50];
	_ =	sdelay $0x4  }
0x114: {  	[tilespmem:s7+$0xFFFFFF88] =	vst v1  }
0x115: {  	v1 =	vld [tilespmem:s17+$0x60];
	_ =	sdelay $0x4  }
0x116: {  	[tilespmem:s7+$0xFFFFFF98] =	vst v1  }
0x117: {  	v1 =	vld [tilespmem:s17+$0x70];
	_ =	sdelay $0x4  }
0x118: {  	[tilespmem:s7+$0xFFFFFFA8] =	vst v1  }
0x119: {  	v1 =	vld [tilespmem:s17+$0x400];
	_ =	sdelay $0x2  }
0x11a: {  	s20 =	sadd.s32 $0xFFFFFF38, s8  }
0x11b: {  	s20 =	sand.u32 $0x1FF0, s20  }
0x11c: {  	[tilespmem:s20+$0x134A8] =	vst v1  }
0x11d: {  	v1 =	vld [tilespmem:s17+$0x410];
	_ =	sdelay $0x4  }
0x11e: {  	[tilespmem:s7+$0xFFFFFFC8] =	vst v1  }
0x11f: {  	v1 =	vld [tilespmem:s17+$0x420];
	_ =	sdelay $0x4  }
0x120: {  	[tilespmem:s7+$0xFFFFFFD8] =	vst v1  }
0x121: {  	v1 =	vld [tilespmem:s17+$0x430];
	_ =	sdelay $0x4  }
0x122: {  	[tilespmem:s7+$0xFFFFFFE8] =	vst v1  }
0x123: {  	v2 =	vld.msk [tilespmem:s17+$0x440], $0xff;
	_ =	sdelay $0x4  }
0x124: {  	v1 =	vperm.xlane v1, v0;
	v2 =	vperm.xlane v2, v0;
	_ =	sdelay $0x1  }
0x125: {  	s17 =	sand.u32 $0x380, s15;
	v1 =	vsel vm0, v1, v2  }
0x126: {  	s16 =	sor.u32 s17, s16;
	[tilespmem:s7+$0xFFFFFFF0] =	vst v1  }
0x127: {  	v1 =	vld [tilespmem:s16+$0x0];
	_ =	sdelay $0x4  }
0x128: {  	[tilespmem:s7+$0x0] =	vst v1  }
0x129: {  	v1 =	vld [tilespmem:s16+$0x10];
	_ =	sdelay $0x4  }
0x12a: {  	[tilespmem:s7+$0x10] =	vst v1  }
0x12b: {  	v1 =	vld [tilespmem:s16+$0x20];
	_ =	sdelay $0x4  }
0x12c: {  	[tilespmem:s7+$0x20] =	vst v1  }
0x12d: {  	v1 =	vld [tilespmem:s16+$0x30];
	_ =	sdelay $0x4  }
0x12e: {  	[tilespmem:s7+$0x30] =	vst v1  }
0x12f: {  	v1 =	vld [tilespmem:s16+$0x40];
	_ =	sdelay $0x4  }
0x130: {  	[tilespmem:s7+$0x40] =	vst v1  }
0x131: {  	v1 =	vld [tilespmem:s16+$0x50];
	_ =	sdelay $0x4  }
0x132: {  	[tilespmem:s7+$0x50] =	vst v1  }
0x133: {  	v1 =	vld [tilespmem:s16+$0x60];
	_ =	sdelay $0x4  }
0x134: {  	[tilespmem:s7+$0x60] =	vst v1  }
0x135: {  	v1 =	vld [tilespmem:s16+$0x70];
	_ =	sdelay $0x4  }
0x136: {  	[tilespmem:s7+$0x70] =	vst v1  }
0x137: {  	v1 =	vld [tilespmem:s16+$0x400];
	_ =	sdelay $0x3  }
0x138: {  	s17 =	sand.u32 $0x1FF8, s8  }
0x139: {  	[tilespmem:s17+$0x134A8] =	vst v1  }
0x13a: {  	v1 =	vld [tilespmem:s16+$0x410];
	_ =	sdelay $0x4  }
0x13b: {  	[tilespmem:s7+$0x90] =	vst v1  }
0x13c: {  	v1 =	vld [tilespmem:s16+$0x420];
	_ =	sdelay $0x4  }
0x13d: {  	[tilespmem:s7+$0xA0] =	vst v1  }
0x13e: {  	v1 =	vld [tilespmem:s16+$0x430];
	_ =	sdelay $0x4  }
0x13f: {  	[tilespmem:s7+$0xB0] =	vst v1  }
0x140: {  	v2 =	vld.msk [tilespmem:s16+$0x440], $0xff;
	_ =	sdelay $0x2  }
.Ltmp0:
0x141: {  	(pc) =	sbr.rel @p1 .LBB2_2-.Ltmp0, $4  }
0x142: {  	_ = 	snop  }
0x143: {  	s13 =	sadd.s32 $0x200, s13;
	s15 =	sadd.s32 $0x100, s15;
	v1 =	vperm.xlane v1, v0;
	v2 =	vperm.xlane v2, v0  }
0x144: {  	s17 =	sadd.s32 $0xFFFFFF80, s15;
	s16 =	sand.u32 $0x1800, s13  }
0x145: {  	s17 =	sand.u32 $0x300, s17;
	s7 =	sadd.s32 $0x190, s7;
	s16 =	sadd.s32 $0xF428, s16;
	v1 =	vsel vm0, v1, v2  }
0x146: {  	s12 =	sor.u32 s17, s16;
	[tilespmem:s14+$0xB8] =	vst v1  }
0x147: {  	v1 =	vld [tilespmem:s12+$0x0];
	_ =	sdelay $0x4  }
0x148: {  	[tilespmem:s7+$0xFFFFFF38] =	vst v1  }
0x149: {  	v1 =	vld [tilespmem:s12+$0x10];
	_ =	sdelay $0x4  }
0x14a: {  	[tilespmem:s7+$0xFFFFFF48] =	vst v1  }
0x14b: {  	v1 =	vld [tilespmem:s12+$0x20];
	_ =	sdelay $0x4  }
0x14c: {  	[tilespmem:s7+$0xFFFFFF58] =	vst v1  }
0x14d: {  	v1 =	vld [tilespmem:s12+$0x30];
	_ =	sdelay $0x4  }
0x14e: {  	[tilespmem:s7+$0xFFFFFF68] =	vst v1  }
0x14f: {  	v1 =	vld [tilespmem:s12+$0x40];
	_ =	sdelay $0x4  }
0x150: {  	[tilespmem:s7+$0xFFFFFF78] =	vst v1  }
0x151: {  	v1 =	vld [tilespmem:s12+$0x50];
	_ =	sdelay $0x4  }
0x152: {  	[tilespmem:s7+$0xFFFFFF88] =	vst v1  }
0x153: {  	v1 =	vld [tilespmem:s12+$0x60];
	_ =	sdelay $0x4  }
0x154: {  	[tilespmem:s7+$0xFFFFFF98] =	vst v1  }
0x155: {  	v1 =	vld [tilespmem:s12+$0x70];
	_ =	sdelay $0x4  }
0x156: {  	[tilespmem:s7+$0xFFFFFFA8] =	vst v1  }
0x157: {  	v1 =	vld [tilespmem:s12+$0x400];
	_ =	sdelay $0x1  }
0x158: {  	s8 =	sadd.s32 $0x190, s8  }
0x159: {  	s13 =	sadd.s32 $0xFFFFFF38, s8  }
0x15a: {  	s13 =	sand.u32 $0x1FF0, s13  }
0x15b: {  	[tilespmem:s13+$0x134A8] =	vst v1  }
0x15c: {  	v1 =	vld [tilespmem:s12+$0x410];
	_ =	sdelay $0x4  }
0x15d: {  	[tilespmem:s7+$0xFFFFFFC8] =	vst v1  }
0x15e: {  	v1 =	vld [tilespmem:s12+$0x420];
	_ =	sdelay $0x4  }
0x15f: {  	[tilespmem:s7+$0xFFFFFFD8] =	vst v1  }
0x160: {  	v1 =	vld [tilespmem:s12+$0x430];
	_ =	sdelay $0x4  }
0x161: {  	[tilespmem:s7+$0xFFFFFFE8] =	vst v1  }
0x162: {  	v2 =	vld.msk [tilespmem:s12+$0x440], $0xff;
	_ =	sdelay $0x4  }
0x163: {  	v1 =	vperm.xlane v1, v0;
	v2 =	vperm.xlane v2, v0;
	_ =	sdelay $0x1  }
0x164: {  	s25 =	sand.u32 $0x380, s15;
	v1 =	vsel vm0, v1, v2  }
0x165: {  	s12 =	sor.u32 s25, s16;
	[tilespmem:s7+$0xFFFFFFF0] =	vst v1  }
0x166: {  	v1 =	vld [tilespmem:s12+$0x0];
	_ =	sdelay $0x4  }
0x167: {  	[tilespmem:s7+$0x0] =	vst v1  }
0x168: {  	v1 =	vld [tilespmem:s12+$0x10];
	_ =	sdelay $0x4  }
0x169: {  	[tilespmem:s7+$0x10] =	vst v1  }
0x16a: {  	v1 =	vld [tilespmem:s12+$0x20];
	_ =	sdelay $0x4  }
0x16b: {  	[tilespmem:s7+$0x20] =	vst v1  }
0x16c: {  	v1 =	vld [tilespmem:s12+$0x30];
	_ =	sdelay $0x4  }
0x16d: {  	[tilespmem:s7+$0x30] =	vst v1  }
0x16e: {  	v1 =	vld [tilespmem:s12+$0x40];
	_ =	sdelay $0x4  }
0x16f: {  	[tilespmem:s7+$0x40] =	vst v1  }
0x170: {  	v1 =	vld [tilespmem:s12+$0x50];
	_ =	sdelay $0x4  }
0x171: {  	[tilespmem:s7+$0x50] =	vst v1  }
0x172: {  	v1 =	vld [tilespmem:s12+$0x60];
	_ =	sdelay $0x4  }
0x173: {  	[tilespmem:s7+$0x60] =	vst v1  }
0x174: {  	v1 =	vld [tilespmem:s12+$0x70];
	_ =	sdelay $0x4  }
0x175: {  	[tilespmem:s7+$0x70] =	vst v1  }
0x176: {  	v1 =	vld [tilespmem:s12+$0x400];
	_ =	sdelay $0x3  }
0x177: {  	s8 =	sand.u32 $0x1FF8, s8  }
0x178: {  	[tilespmem:s8+$0x134A8] =	vst v1  }
0x179: {  	v1 =	vld [tilespmem:s12+$0x410];
	_ =	sdelay $0x4  }
0x17a: {  	[tilespmem:s7+$0x90] =	vst v1  }
0x17b: {  	v1 =	vld [tilespmem:s12+$0x420];
	_ =	sdelay $0x4  }
0x17c: {  	[tilespmem:s7+$0xA0] =	vst v1  }
0x17d: {  	v1 =	vld [tilespmem:s12+$0x430];
	_ =	sdelay $0x4  }
0x17e: {  	[tilespmem:s7+$0xB0] =	vst v1  }
0x17f: {  	v2 =	vld.msk [tilespmem:s12+$0x440], $0xff;
	_ =	sdelay $0x4  }
0x180: {  	v1 =	vperm.xlane v1, v0;
	v2 =	vperm.xlane v2, v0;
	_ =	sdelay $0x1  }
0x181: {  	v1 =	vsel vm0, v1, v2  }
0x182: {  	s31 =	simm.s32 $0x13428;
	s14 =	simm.s32 $0x0;
	s15 =	simm.s32 $0x0;
	[tilespmem:s7+$0xB8] =	vst v1  }
0x183: {  	[tilespmem:s21], [sflag:$0x7] =	stream.indirect.gather [spmem:s2], $0x1, s31, s30, $0xb8;
	[tilespmem:$0x19828] =	vst v63  }
.LBB2_4:
0x184: {  	_ =	swait.ge [sflag:s0], $0x2000;
	s7 =	sand.u32 $0x1800, s14;
	s8 =	simm.s32 $0x0  }
0x185: {  	[sflag:s0] =	ssyncset.done $0x0;
	s8 =	sand.u32 $0x300, s8;
	s7 =	sadd.s32 $0x11428, s7  }
0x186: {  	[sflag:s0] =	ssyncadd.s32 $0xFFFFE000;
	s8 =	sor.u32 s8, s7  }
0x187: {  	v1 =	vld [tilespmem:s8+$0x0];
	_ =	sdelay $0x3  }
0x188: {  	s17 =	simm.s32 $0x14DF0  }
0x189: {  	[tilespmem:s17+$0xFFFFFF38] =	vst v1  }
0x18a: {  	v1 =	vld [tilespmem:s8+$0x10];
	_ =	sdelay $0x4  }
0x18b: {  	[tilespmem:s17+$0xFFFFFF48] =	vst v1  }
0x18c: {  	v1 =	vld [tilespmem:s8+$0x20];
	_ =	sdelay $0x4  }
0x18d: {  	[tilespmem:s17+$0xFFFFFF58] =	vst v1  }
0x18e: {  	v1 =	vld [tilespmem:s8+$0x30];
	_ =	sdelay $0x4  }
0x18f: {  	[tilespmem:s17+$0xFFFFFF68] =	vst v1  }
0x190: {  	v1 =	vld [tilespmem:s8+$0x40];
	_ =	sdelay $0x4  }
0x191: {  	[tilespmem:s17+$0xFFFFFF78] =	vst v1  }
0x192: {  	v1 =	vld [tilespmem:s8+$0x50];
	_ =	sdelay $0x4  }
0x193: {  	[tilespmem:s17+$0xFFFFFF88] =	vst v1  }
0x194: {  	v1 =	vld [tilespmem:s8+$0x60];
	_ =	sdelay $0x4  }
0x195: {  	[tilespmem:s17+$0xFFFFFF98] =	vst v1  }
0x196: {  	v1 =	vld [tilespmem:s8+$0x70];
	_ =	sdelay $0x4  }
0x197: {  	[tilespmem:s17+$0xFFFFFFA8] =	vst v1  }
0x198: {  	v1 =	vld [tilespmem:s8+$0x400];
	_ =	sdelay $0x2  }
0x199: {  	s12 =	simm.s32 $0x0  }
0x19a: {  	s12 =	sand.u32 $0x1FF0, s12  }
0x19b: {  	[tilespmem:s12+$0x14DA8] =	vst v1  }
0x19c: {  	v1 =	vld [tilespmem:s8+$0x410];
	_ =	sdelay $0x4  }
0x19d: {  	[tilespmem:s17+$0xFFFFFFC8] =	vst v1  }
0x19e: {  	v1 =	vld [tilespmem:s8+$0x420];
	_ =	sdelay $0x4  }
0x19f: {  	[tilespmem:s17+$0xFFFFFFD8] =	vst v1  }
0x1a0: {  	v1 =	vld [tilespmem:s8+$0x430];
	_ =	sdelay $0x4  }
0x1a1: {  	[tilespmem:s17+$0xFFFFFFE8] =	vst v1  }
0x1a2: {  	v2 =	vld.msk [tilespmem:s8+$0x440], $0xff;
	_ =	sdelay $0x4  }
0x1a3: {  	v1 =	vperm.xlane v1, v0;
	v2 =	vperm.xlane v2, v0  }
0x1a4: {  	s25 =	simm.s32 $0x80  }
0x1a5: {  	s8 =	sand.u32 $0x380, s25;
	v1 =	vsel vm0, v1, v2  }
0x1a6: {  	s8 =	sor.u32 s8, s7;
	[tilespmem:s17+$0xFFFFFFF0] =	vst v1  }
0x1a7: {  	v1 =	vld [tilespmem:s8+$0x0];
	_ =	sdelay $0x4  }
0x1a8: {  	[tilespmem:s17+$0x0] =	vst v1  }
0x1a9: {  	v1 =	vld [tilespmem:s8+$0x10];
	_ =	sdelay $0x4  }
0x1aa: {  	[tilespmem:s17+$0x10] =	vst v1  }
0x1ab: {  	v1 =	vld [tilespmem:s8+$0x20];
	_ =	sdelay $0x4  }
0x1ac: {  	[tilespmem:s17+$0x20] =	vst v1  }
0x1ad: {  	v1 =	vld [tilespmem:s8+$0x30];
	_ =	sdelay $0x4  }
0x1ae: {  	[tilespmem:s17+$0x30] =	vst v1  }
0x1af: {  	v1 =	vld [tilespmem:s8+$0x40];
	_ =	sdelay $0x4  }
0x1b0: {  	[tilespmem:s17+$0x40] =	vst v1  }
0x1b1: {  	v1 =	vld [tilespmem:s8+$0x50];
	_ =	sdelay $0x4  }
0x1b2: {  	[tilespmem:s17+$0x50] =	vst v1  }
0x1b3: {  	v1 =	vld [tilespmem:s8+$0x60];
	_ =	sdelay $0x4  }
0x1b4: {  	[tilespmem:s17+$0x60] =	vst v1  }
0x1b5: {  	v1 =	vld [tilespmem:s8+$0x70];
	_ =	sdelay $0x4  }
0x1b6: {  	[tilespmem:s17+$0x70] =	vst v1  }
0x1b7: {  	v1 =	vld [tilespmem:s8+$0x400];
	_ =	sdelay $0x2  }
0x1b8: {  	s7 =	simm.s32 $0xC8  }
0x1b9: {  	s31 =	sand.u32 $0x1FF8, s7  }
0x1ba: {  	[tilespmem:s31+$0x14DA8] =	vst v1  }
0x1bb: {  	v1 =	vld [tilespmem:s8+$0x410];
	_ =	sdelay $0x4  }
0x1bc: {  	[tilespmem:s17+$0x90] =	vst v1  }
0x1bd: {  	v1 =	vld [tilespmem:s8+$0x420];
	_ =	sdelay $0x4  }
0x1be: {  	[tilespmem:s17+$0xA0] =	vst v1  }
0x1bf: {  	v1 =	vld [tilespmem:s8+$0x430];
	_ =	sdelay $0x4  }
0x1c0: {  	[tilespmem:s17+$0xB0] =	vst v1  }
0x1c1: {  	v2 =	vld.msk [tilespmem:s8+$0x440], $0xff;
	_ =	sdelay $0x3  }
0x1c2: {  	s13 =	simm.s32 $0x200  }
0x1c3: {  	s20 =	simm.s32 $0x100;
	s16 =	sand.u32 $0x1800, s13;
	v1 =	vperm.xlane v1, v0;
	v2 =	vperm.xlane v2, v0  }
0x1c4: {  	s23 =	sand.u32 $0x300, s20;
	s20 =	sadd.s32 $0x11428, s16  }
0x1c5: {  	s16 =	simm.s32 $0x14F80;
	s12 =	simm.s32 $0x2;
	s8 =	simm.s32 $0x180;
	v1 =	vsel vm0, v1, v2  }
.LBB2_5:
0x1c6: {  	s12 =	sadd.s32 $0x2, s12;
	s23 =	sor.u32 s23, s20;
	[tilespmem:s17+$0xB8] =	vst v1;
	s7 =	sadd.s32 $0x190, s7  }
0x1c7: {  	s17 =	smov.u32 s16;
	p1 =	slt.u32 s12, $0x1E;
	v1 =	vld [tilespmem:s23+$0x0];
	_ =	sdelay $0x4  }
0x1c8: {  	[tilespmem:s16+$0xFFFFFF38] =	vst v1  }
0x1c9: {  	v1 =	vld [tilespmem:s23+$0x10];
	_ =	sdelay $0x4  }
0x1ca: {  	[tilespmem:s16+$0xFFFFFF48] =	vst v1  }
0x1cb: {  	v1 =	vld [tilespmem:s23+$0x20];
	_ =	sdelay $0x4  }
0x1cc: {  	[tilespmem:s16+$0xFFFFFF58] =	vst v1  }
0x1cd: {  	v1 =	vld [tilespmem:s23+$0x30];
	_ =	sdelay $0x4  }
0x1ce: {  	[tilespmem:s16+$0xFFFFFF68] =	vst v1  }
0x1cf: {  	v1 =	vld [tilespmem:s23+$0x40];
	_ =	sdelay $0x4  }
0x1d0: {  	[tilespmem:s16+$0xFFFFFF78] =	vst v1  }
0x1d1: {  	v1 =	vld [tilespmem:s23+$0x50];
	_ =	sdelay $0x4  }
0x1d2: {  	[tilespmem:s16+$0xFFFFFF88] =	vst v1  }
0x1d3: {  	v1 =	vld [tilespmem:s23+$0x60];
	_ =	sdelay $0x4  }
0x1d4: {  	[tilespmem:s16+$0xFFFFFF98] =	vst v1  }
0x1d5: {  	v1 =	vld [tilespmem:s23+$0x70];
	_ =	sdelay $0x4  }
0x1d6: {  	[tilespmem:s16+$0xFFFFFFA8] =	vst v1  }
0x1d7: {  	v1 =	vld [tilespmem:s23+$0x400];
	_ =	sdelay $0x2  }
0x1d8: {  	s24 =	sadd.s32 $0xFFFFFF38, s7  }
0x1d9: {  	s24 =	sand.u32 $0x1FF0, s24  }
0x1da: {  	[tilespmem:s24+$0x14DA8] =	vst v1  }
0x1db: {  	v1 =	vld [tilespmem:s23+$0x410];
	_ =	sdelay $0x4  }
0x1dc: {  	[tilespmem:s16+$0xFFFFFFC8] =	vst v1  }
0x1dd: {  	v1 =	vld [tilespmem:s23+$0x420];
	_ =	sdelay $0x4  }
0x1de: {  	[tilespmem:s16+$0xFFFFFFD8] =	vst v1  }
0x1df: {  	v1 =	vld [tilespmem:s23+$0x430];
	_ =	sdelay $0x4  }
0x1e0: {  	[tilespmem:s16+$0xFFFFFFE8] =	vst v1  }
0x1e1: {  	v2 =	vld.msk [tilespmem:s23+$0x440], $0xff;
	_ =	sdelay $0x4  }
0x1e2: {  	v1 =	vperm.xlane v1, v0;
	v2 =	vperm.xlane v2, v0;
	_ =	sdelay $0x1  }
0x1e3: {  	s23 =	sand.u32 $0x380, s8;
	v1 =	vsel vm0, v1, v2  }
0x1e4: {  	s20 =	sor.u32 s23, s20;
	[tilespmem:s16+$0xFFFFFFF0] =	vst v1  }
0x1e5: {  	v1 =	vld [tilespmem:s20+$0x0];
	_ =	sdelay $0x4  }
0x1e6: {  	[tilespmem:s16+$0x0] =	vst v1  }
0x1e7: {  	v1 =	vld [tilespmem:s20+$0x10];
	_ =	sdelay $0x4  }
0x1e8: {  	[tilespmem:s16+$0x10] =	vst v1  }
0x1e9: {  	v1 =	vld [tilespmem:s20+$0x20];
	_ =	sdelay $0x4  }
0x1ea: {  	[tilespmem:s16+$0x20] =	vst v1  }
0x1eb: {  	v1 =	vld [tilespmem:s20+$0x30];
	_ =	sdelay $0x4  }
0x1ec: {  	[tilespmem:s16+$0x30] =	vst v1  }
0x1ed: {  	v1 =	vld [tilespmem:s20+$0x40];
	_ =	sdelay $0x4  }
0x1ee: {  	[tilespmem:s16+$0x40] =	vst v1  }
0x1ef: {  	v1 =	vld [tilespmem:s20+$0x50];
	_ =	sdelay $0x4  }
0x1f0: {  	[tilespmem:s16+$0x50] =	vst v1  }
0x1f1: {  	v1 =	vld [tilespmem:s20+$0x60];
	_ =	sdelay $0x4  }
0x1f2: {  	[tilespmem:s16+$0x60] =	vst v1  }
0x1f3: {  	v1 =	vld [tilespmem:s20+$0x70];
	_ =	sdelay $0x4  }
0x1f4: {  	[tilespmem:s16+$0x70] =	vst v1  }
0x1f5: {  	v1 =	vld [tilespmem:s20+$0x400];
	_ =	sdelay $0x3  }
0x1f6: {  	s23 =	sand.u32 $0x1FF8, s7  }
0x1f7: {  	[tilespmem:s23+$0x14DA8] =	vst v1  }
0x1f8: {  	v1 =	vld [tilespmem:s20+$0x410];
	_ =	sdelay $0x4  }
0x1f9: {  	[tilespmem:s16+$0x90] =	vst v1  }
0x1fa: {  	v1 =	vld [tilespmem:s20+$0x420];
	_ =	sdelay $0x4  }
0x1fb: {  	[tilespmem:s16+$0xA0] =	vst v1  }
0x1fc: {  	v1 =	vld [tilespmem:s20+$0x430];
	_ =	sdelay $0x4  }
0x1fd: {  	[tilespmem:s16+$0xB0] =	vst v1  }
0x1fe: {  	v2 =	vld.msk [tilespmem:s20+$0x440], $0xff;
	_ =	sdelay $0x2  }
.Ltmp1:
0x1ff: {  	(pc) =	sbr.rel @p1 .LBB2_5-.Ltmp1, $4  }
0x200: {  	_ = 	snop  }
0x201: {  	s13 =	sadd.s32 $0x200, s13;
	s8 =	sadd.s32 $0x100, s8;
	v1 =	vperm.xlane v1, v0;
	v2 =	vperm.xlane v2, v0  }
0x202: {  	s23 =	sadd.s32 $0xFFFFFF80, s8;
	s20 =	sand.u32 $0x1800, s13  }
0x203: {  	s23 =	sand.u32 $0x300, s23;
	s16 =	sadd.s32 $0x190, s16;
	s20 =	sadd.s32 $0x11428, s20;
	v1 =	vsel vm0, v1, v2  }
0x204: {  	s12 =	sor.u32 s23, s20;
	[tilespmem:s17+$0xB8] =	vst v1  }
0x205: {  	v1 =	vld [tilespmem:s12+$0x0];
	_ =	sdelay $0x4  }
0x206: {  	[tilespmem:s16+$0xFFFFFF38] =	vst v1  }
0x207: {  	v1 =	vld [tilespmem:s12+$0x10];
	_ =	sdelay $0x4  }
0x208: {  	[tilespmem:s16+$0xFFFFFF48] =	vst v1  }
0x209: {  	v1 =	vld [tilespmem:s12+$0x20];
	_ =	sdelay $0x4  }
0x20a: {  	[tilespmem:s16+$0xFFFFFF58] =	vst v1  }
0x20b: {  	v1 =	vld [tilespmem:s12+$0x30];
	_ =	sdelay $0x4  }
0x20c: {  	[tilespmem:s16+$0xFFFFFF68] =	vst v1  }
0x20d: {  	v1 =	vld [tilespmem:s12+$0x40];
	_ =	sdelay $0x4  }
0x20e: {  	[tilespmem:s16+$0xFFFFFF78] =	vst v1  }
0x20f: {  	v1 =	vld [tilespmem:s12+$0x50];
	_ =	sdelay $0x4  }
0x210: {  	[tilespmem:s16+$0xFFFFFF88] =	vst v1  }
0x211: {  	v1 =	vld [tilespmem:s12+$0x60];
	_ =	sdelay $0x4  }
0x212: {  	[tilespmem:s16+$0xFFFFFF98] =	vst v1  }
0x213: {  	v1 =	vld [tilespmem:s12+$0x70];
	_ =	sdelay $0x4  }
0x214: {  	[tilespmem:s16+$0xFFFFFFA8] =	vst v1  }
0x215: {  	v1 =	vld [tilespmem:s12+$0x400];
	_ =	sdelay $0x1  }
0x216: {  	s7 =	sadd.s32 $0x190, s7  }
0x217: {  	s13 =	sadd.s32 $0xFFFFFF38, s7  }
0x218: {  	s13 =	sand.u32 $0x1FF0, s13  }
0x219: {  	[tilespmem:s13+$0x14DA8] =	vst v1  }
0x21a: {  	v1 =	vld [tilespmem:s12+$0x410];
	_ =	sdelay $0x4  }
0x21b: {  	[tilespmem:s16+$0xFFFFFFC8] =	vst v1  }
0x21c: {  	v1 =	vld [tilespmem:s12+$0x420];
	_ =	sdelay $0x4  }
0x21d: {  	[tilespmem:s16+$0xFFFFFFD8] =	vst v1  }
0x21e: {  	v1 =	vld [tilespmem:s12+$0x430];
	_ =	sdelay $0x4  }
0x21f: {  	[tilespmem:s16+$0xFFFFFFE8] =	vst v1  }
0x220: {  	v2 =	vld.msk [tilespmem:s12+$0x440], $0xff;
	_ =	sdelay $0x4  }
0x221: {  	v1 =	vperm.xlane v1, v0;
	v2 =	vperm.xlane v2, v0;
	_ =	sdelay $0x1  }
0x222: {  	s8 =	sand.u32 $0x380, s8;
	v1 =	vsel vm0, v1, v2  }
0x223: {  	s8 =	sor.u32 s8, s20;
	[tilespmem:s16+$0xFFFFFFF0] =	vst v1  }
0x224: {  	v1 =	vld [tilespmem:s8+$0x0];
	_ =	sdelay $0x4  }
0x225: {  	[tilespmem:s16+$0x0] =	vst v1  }
0x226: {  	v1 =	vld [tilespmem:s8+$0x10];
	_ =	sdelay $0x4  }
0x227: {  	[tilespmem:s16+$0x10] =	vst v1  }
0x228: {  	v1 =	vld [tilespmem:s8+$0x20];
	_ =	sdelay $0x4  }
0x229: {  	[tilespmem:s16+$0x20] =	vst v1  }
0x22a: {  	v1 =	vld [tilespmem:s8+$0x30];
	_ =	sdelay $0x4  }
0x22b: {  	[tilespmem:s16+$0x30] =	vst v1  }
0x22c: {  	v1 =	vld [tilespmem:s8+$0x40];
	_ =	sdelay $0x4  }
0x22d: {  	[tilespmem:s16+$0x40] =	vst v1  }
0x22e: {  	v1 =	vld [tilespmem:s8+$0x50];
	_ =	sdelay $0x4  }
0x22f: {  	[tilespmem:s16+$0x50] =	vst v1  }
0x230: {  	v1 =	vld [tilespmem:s8+$0x60];
	_ =	sdelay $0x4  }
0x231: {  	[tilespmem:s16+$0x60] =	vst v1  }
0x232: {  	v1 =	vld [tilespmem:s8+$0x70];
	_ =	sdelay $0x4  }
0x233: {  	[tilespmem:s16+$0x70] =	vst v1  }
0x234: {  	v1 =	vld [tilespmem:s8+$0x400];
	_ =	sdelay $0x3  }
0x235: {  	s7 =	sand.u32 $0x1FF8, s7  }
0x236: {  	[tilespmem:s7+$0x14DA8] =	vst v1  }
0x237: {  	v1 =	vld [tilespmem:s8+$0x410];
	_ =	sdelay $0x4  }
0x238: {  	[tilespmem:s16+$0x90] =	vst v1  }
0x239: {  	v1 =	vld [tilespmem:s8+$0x420];
	_ =	sdelay $0x4  }
0x23a: {  	[tilespmem:s16+$0xA0] =	vst v1  }
0x23b: {  	v1 =	vld [tilespmem:s8+$0x430];
	_ =	sdelay $0x4  }
0x23c: {  	[tilespmem:s16+$0xB0] =	vst v1  }
0x23d: {  	v2 =	vld.msk [tilespmem:s8+$0x440], $0xff;
	_ =	sdelay $0x4  }
0x23e: {  	s17 =	sshll.u32 s15, $0x6;
	p2 =	seq.s32 s15, $0x7;
	v1 =	vperm.xlane v1, v0;
	v2 =	vperm.xlane v2, v0  }
0x23f: {  	s7 =	sadd.s32 @!p2 s17, s18  }
0x240: {  	s7 =	sshll.u32 @!p2 s7, $0x5;
	v1 =	vsel vm0, v1, v2  }
0x241: {  	s12 =	simm.s32 @!p2 $0xF428;
	s7 =	sadd.s32 @!p2 s5, s7;
	s8 =	simm.s32 @!p2 $0x0;
	[tilespmem:s16+$0xB8] =	vst v1  }
0x242: {  	[tilespmem:s12], [sflag:$0x5] =	stream.linear.gather @!p2 [hbm4b:s7+s8], $0x2000, $0x38;
	[tilespmem:$0x19828] =	vst v63  }
0x243: {  	_ =	swait.ge [sflag:s3], $0x1900  }
0x244: {  	p1 =	seq.s32 s15, $0x0;
	[sflag:s3] =	ssyncset.done $0x0  }
0x245: {  	s7 =	simm.s32 @!p1 $0x9;
	[sflag:s3] =	ssyncadd.s32 $0xFFFFE700  }
0x246: {  	[tilespmem:s22], [sflag:$0x8] =	stream.indirect.gather [spmem:s2], $0x1, s9, s30, $0xb8;
	[tilespmem:$0x19828] =	vst v63  }
0x247: {  	_ =	swait.ge @!p1 [sflag:s7], $0x1900  }
0x248: {  	[sflag:s7] =	ssyncset.done @!p1 $0x0  }
0x249: {  	[sflag:s7] =	ssyncadd.s32 @!p1 $0xFFFFE700;
	s7 =	simm.s32 $0x16668  }
0x24a: {  	v1 =	vld [tilespmem:s7+$0xFFFFFFC0]  }
0x24b: {  	v2 =	vld [tilespmem:s7+$0xFFFFFFD0];
	_ =	sdelay $0x2  }
0x24c: {  	v3 =	vld [tilespmem:s7+$0xFFFFFFE0]  }
0x24d: {  	v4 =	vld [tilespmem:s7+$0x0];
	v1 =	vmul.f32 $1.442695020e+00, v1  }
0x24e: {  	v5 =	vld [tilespmem:s7+$0x10];
	v2 =	vmul.f32 $1.442695020e+00, v2  }
0x24f: {  	(erf) = vpow2.f32 v1;
	v1 =	vld [tilespmem:s7+$0x20]  }
0x250: {  	(erf) = vpow2.f32 v2;
	v2 =	vld [tilespmem:s7+$0x30]  }
0x251: {  	v6 =	vld [tilespmem:s7+$0xFFFFFFF0];
	v3 =	vmul.f32 $1.442695020e+00, v3  }
0x252: {  	v4 =	vmul.f32 $1.442695020e+00, v4  }
0x253: {  	v5 =	vmul.f32 $1.442695020e+00, v5;
	(erf) = vpow2.f32 v3  }
0x254: {  	(erf) = vpow2.f32 v4;
	v1 =	vmul.f32 $1.442695020e+00, v1  }
0x255: {  	(erf) = vpow2.f32 v5;
	v2 =	vmul.f32 $1.442695020e+00, v2  }
0x256: {  	v3 =	vmul.f32 $1.442695020e+00, v6;
	(erf) = vpow2.f32 v1  }
0x257: {  	(erf) = vpow2.f32 v2  }
0x258: {  	v1 =	vpop (erf);
	(erf) = vpow2.f32 v3;
	_ =	sdelay $0x1  }
0x259: {  	s31 =	sadd.s32 s17, s6  }
0x25a: {  	s16 =	sadd.s32 $0x20, s31;
	s8 =	simm.s32 $0x0;
	s12 =	simm.s32 $0x166E8;
	[tilespmem:s7+$0xFFFFFFC0] =	vst v1;
	v1 =	vpop (erf)  }
.LBB2_7:
0x25b: {  	v2 =	vld [tilespmem:s12+$0xFFFFFFC0];
	[tilespmem:s7+$0xFFFFFFD0] =	vst v1;
	v1 =	vpop (erf)  }
0x25c: {  	v3 =	vld [tilespmem:s12+$0xFFFFFFD0];
	[tilespmem:s7+$0xFFFFFFE0] =	vst v1;
	v1 =	vpop (erf)  }
0x25d: {  	v4 =	vld [tilespmem:s12+$0xFFFFFFE0];
	[tilespmem:s7+$0x0] =	vst v1;
	v1 =	vpop (erf)  }
0x25e: {  	v5 =	vld [tilespmem:s12+$0x0];
	[tilespmem:s7+$0x10] =	vst v1;
	v1 =	vpop (erf)  }
0x25f: {  	v6 =	vld [tilespmem:s12+$0x10];
	[tilespmem:s7+$0x20] =	vst v1;
	v1 =	vpop (erf)  }
0x260: {  	v2 =	vmul.f32 $1.442695020e+00, v2;
	v7 =	vld [tilespmem:s12+$0x20];
	[tilespmem:s7+$0x30] =	vst v1;
	v1 =	vpop (erf)  }
0x261: {  	s8 =	sadd.s32 $0x8, s8;
	v3 =	vmul.f32 $1.442695020e+00, v3;
	v8 =	vld [tilespmem:s12+$0x30];
	[tilespmem:s7+$0xFFFFFFF0] =	vst v1;
	s7 =	smov.u32 s12  }
0x262: {  	p3 =	slt.u32 s8, $0x188;
	v1 =	vmul.f32 $1.442695020e+00, v4;
	v4 =	vld [tilespmem:s12+$0xFFFFFFF0];
	(erf) = vpow2.f32 v2  }
0x263: {  	v2 =	vmul.f32 $1.442695020e+00, v5;
	(erf) = vpow2.f32 v3  }
0x264: {  	v3 =	vmul.f32 $1.442695020e+00, v6;
	(erf) = vpow2.f32 v1  }
0x265: {  	v1 =	vmul.f32 $1.442695020e+00, v7;
	(erf) = vpow2.f32 v2  }
0x266: {  	v2 =	vmul.f32 $1.442695020e+00, v8;
	(erf) = vpow2.f32 v3  }
0x267: {  	v3 =	vmul.f32 $1.442695020e+00, v4;
	(erf) = vpow2.f32 v1  }
.Ltmp2:
0x268: {  	(erf) = vpow2.f32 v2;
	(pc) =	sbr.rel @p3 .LBB2_7-.Ltmp2, $3  }
0x269: {  	(erf) = vpow2.f32 v3;
	_ =	sdelay $0x1  }
0x26a: {  	v1 =	vpop (erf)  }
0x26b: {  	s12 =	sadd.s32 $0x80, s12;
	[tilespmem:s7+$0xFFFFFFC0] =	vst v1;
	v1 =	vpop (erf)  }
0x26c: {  	[tilespmem:s7+$0xFFFFFFD0] =	vst v1;
	v1 =	vpop (erf)  }
0x26d: {  	[tilespmem:s7+$0xFFFFFFE0] =	vst v1;
	v1 =	vpop (erf)  }
0x26e: {  	[tilespmem:s7+$0x0] =	vst v1;
	v1 =	vpop (erf)  }
.Ltmp3:
0x26f: {  	s8 =	sadd.s32 s6, s17;
	[tilespmem:s7+$0x10] =	vst v1;
	v1 =	vpop (erf);
	(pc) =	sbr.rel @!p2 .LBB2_9-.Ltmp3, $4  }
0x270: {  	s8 =	smul.u32 $0x19, s8;
	[tilespmem:s7+$0x20] =	vst v1;
	v1 =	vpop (erf)  }
0x271: {  	[tilespmem:s7+$0x30] =	vst v1;
	v1 =	vpop (erf)  }
0x272: {  	s31 =	sadd.s32 s1, s8;
	[tilespmem:s7+$0xFFFFFFF0] =	vst v1  }
0x273: {  	[hbm4b:s31+s4] =	stream.linear.scatter [tilespmem:s21], [sflag:$0x9], $0x1900, $0x38;
	[tilespmem:$0x19828] =	vst v63  }
.Ltmp4:
0x274: {  	(pc) =	sbr.rel .LBB2_12-.Ltmp4, $4  }
0x275: {  	_ = 	snop  }
0x276: {  	_ =	swait.ge [sflag:s10], $0x1900  }
0x277: {  	[sflag:s10] =	ssyncset.done $0x0  }
0x278: {  	[sflag:s10] =	ssyncadd.s32 $0xFFFFE700  }
.LBB2_9:
0x279: {  	s7 =	simm.s32 $0x0  }
0x27a: {  	_ =	swait.ge [sflag:s29], $0x2000;
	s8 =	simm.s32 $0x0;
	s7 =	sand.u32 $0x1800, s7  }
0x27b: {  	[sflag:s29] =	ssyncset.done $0x0;
	s8 =	sand.u32 $0x300, s8;
	s12 =	sadd.s32 $0xF428, s7  }
0x27c: {  	[sflag:s29] =	ssyncadd.s32 $0xFFFFE000;
	s8 =	sor.u32 s8, s12  }
0x27d: {  	v1 =	vld [tilespmem:s8+$0x0];
	_ =	sdelay $0x3  }
0x27e: {  	s7 =	simm.s32 $0x134F0  }
0x27f: {  	[tilespmem:s7+$0xFFFFFF38] =	vst v1  }
0x280: {  	v1 =	vld [tilespmem:s8+$0x10];
	_ =	sdelay $0x4  }
0x281: {  	[tilespmem:s7+$0xFFFFFF48] =	vst v1  }
0x282: {  	v1 =	vld [tilespmem:s8+$0x20];
	_ =	sdelay $0x4  }
0x283: {  	[tilespmem:s7+$0xFFFFFF58] =	vst v1  }
0x284: {  	v1 =	vld [tilespmem:s8+$0x30];
	_ =	sdelay $0x4  }
0x285: {  	[tilespmem:s7+$0xFFFFFF68] =	vst v1  }
0x286: {  	v1 =	vld [tilespmem:s8+$0x40];
	_ =	sdelay $0x4  }
0x287: {  	[tilespmem:s7+$0xFFFFFF78] =	vst v1  }
0x288: {  	v1 =	vld [tilespmem:s8+$0x50];
	_ =	sdelay $0x4  }
0x289: {  	[tilespmem:s7+$0xFFFFFF88] =	vst v1  }
0x28a: {  	v1 =	vld [tilespmem:s8+$0x60];
	_ =	sdelay $0x4  }
0x28b: {  	[tilespmem:s7+$0xFFFFFF98] =	vst v1  }
0x28c: {  	v1 =	vld [tilespmem:s8+$0x70];
	_ =	sdelay $0x4  }
0x28d: {  	[tilespmem:s7+$0xFFFFFFA8] =	vst v1  }
0x28e: {  	v1 =	vld [tilespmem:s8+$0x400];
	_ =	sdelay $0x2  }
0x28f: {  	s13 =	simm.s32 $0x0  }
0x290: {  	s13 =	sand.u32 $0x1FF0, s13  }
0x291: {  	[tilespmem:s13+$0x134A8] =	vst v1  }
0x292: {  	v1 =	vld [tilespmem:s8+$0x410];
	_ =	sdelay $0x4  }
0x293: {  	[tilespmem:s7+$0xFFFFFFC8] =	vst v1  }
0x294: {  	v1 =	vld [tilespmem:s8+$0x420];
	_ =	sdelay $0x4  }
0x295: {  	[tilespmem:s7+$0xFFFFFFD8] =	vst v1  }
0x296: {  	v1 =	vld [tilespmem:s8+$0x430];
	_ =	sdelay $0x4  }
0x297: {  	[tilespmem:s7+$0xFFFFFFE8] =	vst v1  }
0x298: {  	v2 =	vld.msk [tilespmem:s8+$0x440], $0xff;
	_ =	sdelay $0x4  }
0x299: {  	v1 =	vperm.xlane v1, v0;
	v2 =	vperm.xlane v2, v0  }
0x29a: {  	s23 =	simm.s32 $0x80  }
0x29b: {  	s8 =	sand.u32 $0x380, s23;
	v1 =	vsel vm0, v1, v2  }
0x29c: {  	s8 =	sor.u32 s8, s12;
	[tilespmem:s7+$0xFFFFFFF0] =	vst v1  }
0x29d: {  	v1 =	vld [tilespmem:s8+$0x0];
	_ =	sdelay $0x4  }
0x29e: {  	[tilespmem:s7+$0x0] =	vst v1  }
0x29f: {  	v1 =	vld [tilespmem:s8+$0x10];
	_ =	sdelay $0x4  }
0x2a0: {  	[tilespmem:s7+$0x10] =	vst v1  }
0x2a1: {  	v1 =	vld [tilespmem:s8+$0x20];
	_ =	sdelay $0x4  }
0x2a2: {  	[tilespmem:s7+$0x20] =	vst v1  }
0x2a3: {  	v1 =	vld [tilespmem:s8+$0x30];
	_ =	sdelay $0x4  }
0x2a4: {  	[tilespmem:s7+$0x30] =	vst v1  }
0x2a5: {  	v1 =	vld [tilespmem:s8+$0x40];
	_ =	sdelay $0x4  }
0x2a6: {  	[tilespmem:s7+$0x40] =	vst v1  }
0x2a7: {  	v1 =	vld [tilespmem:s8+$0x50];
	_ =	sdelay $0x4  }
0x2a8: {  	[tilespmem:s7+$0x50] =	vst v1  }
0x2a9: {  	v1 =	vld [tilespmem:s8+$0x60];
	_ =	sdelay $0x4  }
0x2aa: {  	[tilespmem:s7+$0x60] =	vst v1  }
0x2ab: {  	v1 =	vld [tilespmem:s8+$0x70];
	_ =	sdelay $0x4  }
0x2ac: {  	[tilespmem:s7+$0x70] =	vst v1  }
0x2ad: {  	v1 =	vld [tilespmem:s8+$0x400];
	_ =	sdelay $0x2  }
0x2ae: {  	s12 =	simm.s32 $0xC8  }
0x2af: {  	s24 =	sand.u32 $0x1FF8, s12  }
0x2b0: {  	[tilespmem:s24+$0x134A8] =	vst v1  }
0x2b1: {  	v1 =	vld [tilespmem:s8+$0x410];
	_ =	sdelay $0x4  }
0x2b2: {  	[tilespmem:s7+$0x90] =	vst v1  }
0x2b3: {  	v1 =	vld [tilespmem:s8+$0x420];
	_ =	sdelay $0x4  }
0x2b4: {  	[tilespmem:s7+$0xA0] =	vst v1  }
0x2b5: {  	v1 =	vld [tilespmem:s8+$0x430];
	_ =	sdelay $0x4  }
0x2b6: {  	[tilespmem:s7+$0xB0] =	vst v1  }
0x2b7: {  	v2 =	vld.msk [tilespmem:s8+$0x440], $0xff;
	_ =	sdelay $0x3  }
0x2b8: {  	s20 =	simm.s32 $0x200  }
0x2b9: {  	s25 =	sand.u32 $0x1800, s20;
	v1 =	vperm.xlane v1, v0;
	v2 =	vperm.xlane v2, v0  }
0x2ba: {  	s31 =	sadd.s32 $0xF428, s25;
	s13 =	simm.s32 $0x2;
	s24 =	simm.s32 $0x100  }
0x2bb: {  	s23 =	simm.s32 $0x180;
	s24 =	sand.u32 $0x300, s24;
	s8 =	simm.s32 $0x13680;
	v1 =	vsel vm0, v1, v2  }
.LBB2_10:
0x2bc: {  	s13 =	sadd.s32 $0x2, s13;
	s24 =	sor.u32 s24, s31;
	[tilespmem:s7+$0xB8] =	vst v1;
	s12 =	sadd.s32 $0x190, s12  }
0x2bd: {  	s7 =	smov.u32 s8;
	p2 =	slt.u32 s13, $0x1E;
	v1 =	vld [tilespmem:s24+$0x0];
	_ =	sdelay $0x4  }
0x2be: {  	[tilespmem:s8+$0xFFFFFF38] =	vst v1  }
0x2bf: {  	v1 =	vld [tilespmem:s24+$0x10];
	_ =	sdelay $0x4  }
0x2c0: {  	[tilespmem:s8+$0xFFFFFF48] =	vst v1  }
0x2c1: {  	v1 =	vld [tilespmem:s24+$0x20];
	_ =	sdelay $0x4  }
0x2c2: {  	[tilespmem:s8+$0xFFFFFF58] =	vst v1  }
0x2c3: {  	v1 =	vld [tilespmem:s24+$0x30];
	_ =	sdelay $0x4  }
0x2c4: {  	[tilespmem:s8+$0xFFFFFF68] =	vst v1  }
0x2c5: {  	v1 =	vld [tilespmem:s24+$0x40];
	_ =	sdelay $0x4  }
0x2c6: {  	[tilespmem:s8+$0xFFFFFF78] =	vst v1  }
0x2c7: {  	v1 =	vld [tilespmem:s24+$0x50];
	_ =	sdelay $0x4  }
0x2c8: {  	[tilespmem:s8+$0xFFFFFF88] =	vst v1  }
0x2c9: {  	v1 =	vld [tilespmem:s24+$0x60];
	_ =	sdelay $0x4  }
0x2ca: {  	[tilespmem:s8+$0xFFFFFF98] =	vst v1  }
0x2cb: {  	v1 =	vld [tilespmem:s24+$0x70];
	_ =	sdelay $0x4  }
0x2cc: {  	[tilespmem:s8+$0xFFFFFFA8] =	vst v1  }
0x2cd: {  	v1 =	vld [tilespmem:s24+$0x400];
	_ =	sdelay $0x2  }
0x2ce: {  	s25 =	sadd.s32 $0xFFFFFF38, s12  }
0x2cf: {  	s25 =	sand.u32 $0x1FF0, s25  }
0x2d0: {  	[tilespmem:s25+$0x134A8] =	vst v1  }
0x2d1: {  	v1 =	vld [tilespmem:s24+$0x410];
	_ =	sdelay $0x4  }
0x2d2: {  	[tilespmem:s8+$0xFFFFFFC8] =	vst v1  }
0x2d3: {  	v1 =	vld [tilespmem:s24+$0x420];
	_ =	sdelay $0x4  }
0x2d4: {  	[tilespmem:s8+$0xFFFFFFD8] =	vst v1  }
0x2d5: {  	v1 =	vld [tilespmem:s24+$0x430];
	_ =	sdelay $0x4  }
0x2d6: {  	[tilespmem:s8+$0xFFFFFFE8] =	vst v1  }
0x2d7: {  	v2 =	vld.msk [tilespmem:s24+$0x440], $0xff;
	_ =	sdelay $0x4  }
0x2d8: {  	v1 =	vperm.xlane v1, v0;
	v2 =	vperm.xlane v2, v0;
	_ =	sdelay $0x1  }
0x2d9: {  	s24 =	sand.u32 $0x380, s23;
	v1 =	vsel vm0, v1, v2  }
0x2da: {  	s24 =	sor.u32 s24, s31;
	[tilespmem:s8+$0xFFFFFFF0] =	vst v1  }
0x2db: {  	v1 =	vld [tilespmem:s24+$0x0];
	_ =	sdelay $0x4  }
0x2dc: {  	[tilespmem:s8+$0x0] =	vst v1  }
0x2dd: {  	v1 =	vld [tilespmem:s24+$0x10];
	_ =	sdelay $0x4  }
0x2de: {  	[tilespmem:s8+$0x10] =	vst v1  }
0x2df: {  	v1 =	vld [tilespmem:s24+$0x20];
	_ =	sdelay $0x4  }
0x2e0: {  	[tilespmem:s8+$0x20] =	vst v1  }
0x2e1: {  	v1 =	vld [tilespmem:s24+$0x30];
	_ =	sdelay $0x4  }
0x2e2: {  	[tilespmem:s8+$0x30] =	vst v1  }
0x2e3: {  	v1 =	vld [tilespmem:s24+$0x40];
	_ =	sdelay $0x4  }
0x2e4: {  	[tilespmem:s8+$0x40] =	vst v1  }
0x2e5: {  	v1 =	vld [tilespmem:s24+$0x50];
	_ =	sdelay $0x4  }
0x2e6: {  	[tilespmem:s8+$0x50] =	vst v1  }
0x2e7: {  	v1 =	vld [tilespmem:s24+$0x60];
	_ =	sdelay $0x4  }
0x2e8: {  	[tilespmem:s8+$0x60] =	vst v1  }
0x2e9: {  	v1 =	vld [tilespmem:s24+$0x70];
	_ =	sdelay $0x4  }
0x2ea: {  	[tilespmem:s8+$0x70] =	vst v1  }
0x2eb: {  	v1 =	vld [tilespmem:s24+$0x400];
	_ =	sdelay $0x3  }
0x2ec: {  	s25 =	sand.u32 $0x1FF8, s12  }
0x2ed: {  	[tilespmem:s25+$0x134A8] =	vst v1  }
0x2ee: {  	v1 =	vld [tilespmem:s24+$0x410];
	_ =	sdelay $0x4  }
0x2ef: {  	[tilespmem:s8+$0x90] =	vst v1  }
0x2f0: {  	v1 =	vld [tilespmem:s24+$0x420];
	_ =	sdelay $0x4  }
0x2f1: {  	[tilespmem:s8+$0xA0] =	vst v1  }
0x2f2: {  	v1 =	vld [tilespmem:s24+$0x430];
	_ =	sdelay $0x4  }
0x2f3: {  	[tilespmem:s8+$0xB0] =	vst v1  }
0x2f4: {  	v2 =	vld.msk [tilespmem:s24+$0x440], $0xff;
	_ =	sdelay $0x2  }
.Ltmp5:
0x2f5: {  	(pc) =	sbr.rel @p2 .LBB2_10-.Ltmp5, $4  }
0x2f6: {  	_ = 	snop  }
0x2f7: {  	s20 =	sadd.s32 $0x200, s20;
	s23 =	sadd.s32 $0x100, s23;
	v1 =	vperm.xlane v1, v0;
	v2 =	vperm.xlane v2, v0  }
0x2f8: {  	s25 =	sand.u32 $0x1800, s20;
	s24 =	sadd.s32 $0xFFFFFF80, s23  }
0x2f9: {  	s31 =	sadd.s32 $0xF428, s25;
	s8 =	sadd.s32 $0x190, s8;
	s24 =	sand.u32 $0x300, s24;
	v1 =	vsel vm0, v1, v2  }
0x2fa: {  	s13 =	sor.u32 s24, s31;
	[tilespmem:s7+$0xB8] =	vst v1  }
0x2fb: {  	v1 =	vld [tilespmem:s13+$0x0];
	_ =	sdelay $0x4  }
0x2fc: {  	[tilespmem:s8+$0xFFFFFF38] =	vst v1  }
0x2fd: {  	v1 =	vld [tilespmem:s13+$0x10];
	_ =	sdelay $0x4  }
0x2fe: {  	[tilespmem:s8+$0xFFFFFF48] =	vst v1  }
0x2ff: {  	v1 =	vld [tilespmem:s13+$0x20];
	_ =	sdelay $0x4  }
0x300: {  	[tilespmem:s8+$0xFFFFFF58] =	vst v1  }
0x301: {  	v1 =	vld [tilespmem:s13+$0x30];
	_ =	sdelay $0x4  }
0x302: {  	[tilespmem:s8+$0xFFFFFF68] =	vst v1  }
0x303: {  	v1 =	vld [tilespmem:s13+$0x40];
	_ =	sdelay $0x4  }
0x304: {  	[tilespmem:s8+$0xFFFFFF78] =	vst v1  }
0x305: {  	v1 =	vld [tilespmem:s13+$0x50];
	_ =	sdelay $0x4  }
0x306: {  	[tilespmem:s8+$0xFFFFFF88] =	vst v1  }
0x307: {  	v1 =	vld [tilespmem:s13+$0x60];
	_ =	sdelay $0x4  }
0x308: {  	[tilespmem:s8+$0xFFFFFF98] =	vst v1  }
0x309: {  	v1 =	vld [tilespmem:s13+$0x70];
	_ =	sdelay $0x4  }
0x30a: {  	[tilespmem:s8+$0xFFFFFFA8] =	vst v1  }
0x30b: {  	v1 =	vld [tilespmem:s13+$0x400];
	_ =	sdelay $0x1  }
0x30c: {  	s20 =	sadd.s32 $0x190, s12  }
0x30d: {  	s12 =	sadd.s32 $0xFFFFFF38, s20  }
0x30e: {  	s12 =	sand.u32 $0x1FF0, s12  }
0x30f: {  	[tilespmem:s12+$0x134A8] =	vst v1  }
0x310: {  	v1 =	vld [tilespmem:s13+$0x410];
	_ =	sdelay $0x4  }
0x311: {  	[tilespmem:s8+$0xFFFFFFC8] =	vst v1  }
0x312: {  	v1 =	vld [tilespmem:s13+$0x420];
	_ =	sdelay $0x4  }
0x313: {  	[tilespmem:s8+$0xFFFFFFD8] =	vst v1  }
0x314: {  	v1 =	vld [tilespmem:s13+$0x430];
	_ =	sdelay $0x4  }
0x315: {  	[tilespmem:s8+$0xFFFFFFE8] =	vst v1  }
0x316: {  	v2 =	vld.msk [tilespmem:s13+$0x440], $0xff;
	_ =	sdelay $0x4  }
0x317: {  	v1 =	vperm.xlane v1, v0;
	v2 =	vperm.xlane v2, v0;
	_ =	sdelay $0x1  }
0x318: {  	s23 =	sand.u32 $0x380, s23;
	v1 =	vsel vm0, v1, v2  }
0x319: {  	s12 =	sor.u32 s23, s31;
	[tilespmem:s8+$0xFFFFFFF0] =	vst v1  }
0x31a: {  	v1 =	vld [tilespmem:s12+$0x0];
	_ =	sdelay $0x4  }
0x31b: {  	[tilespmem:s8+$0x0] =	vst v1  }
0x31c: {  	v1 =	vld [tilespmem:s12+$0x10];
	_ =	sdelay $0x4  }
0x31d: {  	[tilespmem:s8+$0x10] =	vst v1  }
0x31e: {  	v1 =	vld [tilespmem:s12+$0x20];
	_ =	sdelay $0x4  }
0x31f: {  	[tilespmem:s8+$0x20] =	vst v1  }
0x320: {  	v1 =	vld [tilespmem:s12+$0x30];
	_ =	sdelay $0x4  }
0x321: {  	[tilespmem:s8+$0x30] =	vst v1  }
0x322: {  	v1 =	vld [tilespmem:s12+$0x40];
	_ =	sdelay $0x4  }
0x323: {  	[tilespmem:s8+$0x40] =	vst v1  }
0x324: {  	v1 =	vld [tilespmem:s12+$0x50];
	_ =	sdelay $0x4  }
0x325: {  	[tilespmem:s8+$0x50] =	vst v1  }
0x326: {  	v1 =	vld [tilespmem:s12+$0x60];
	_ =	sdelay $0x4  }
0x327: {  	[tilespmem:s8+$0x60] =	vst v1  }
0x328: {  	v1 =	vld [tilespmem:s12+$0x70];
	_ =	sdelay $0x4  }
0x329: {  	[tilespmem:s8+$0x70] =	vst v1  }
0x32a: {  	v1 =	vld [tilespmem:s12+$0x400];
	_ =	sdelay $0x3  }
0x32b: {  	s7 =	sand.u32 $0x1FF8, s20  }
0x32c: {  	[tilespmem:s7+$0x134A8] =	vst v1  }
0x32d: {  	v1 =	vld [tilespmem:s12+$0x410];
	_ =	sdelay $0x4  }
0x32e: {  	[tilespmem:s8+$0x90] =	vst v1  }
0x32f: {  	v1 =	vld [tilespmem:s12+$0x420];
	_ =	sdelay $0x4  }
0x330: {  	[tilespmem:s8+$0xA0] =	vst v1  }
0x331: {  	v1 =	vld [tilespmem:s12+$0x430];
	_ =	sdelay $0x4  }
0x332: {  	[tilespmem:s8+$0xB0] =	vst v1  }
0x333: {  	v2 =	vld.msk [tilespmem:s12+$0x440], $0xff;
	_ =	sdelay $0x4  }
0x334: {  	v1 =	vperm.xlane v1, v0;
	v2 =	vperm.xlane v2, v0  }
0x335: {  	s24 =	sadd.s32 s17, s19  }
0x336: {  	s7 =	sshll.u32 s24, $0x5;
	v1 =	vsel vm0, v1, v2  }
0x337: {  	s25 =	simm.s32 $0x11428;
	s7 =	sadd.s32 s5, s7;
	[tilespmem:s8+$0xB8] =	vst v1  }
0x338: {  	[tilespmem:s25], [sflag:$0x6] =	stream.linear.gather [hbm4b:s7+s4], $0x2000, $0x38;
	[tilespmem:$0x19828] =	vst v63  }
.Ltmp6:
0x339: {  	_ = 	snop;
	(pc) =	sbr.rel @p1 .LBB2_13-.Ltmp6, $4  }
0x33a: {  	_ =	swait.ge [sflag:s10], $0x1900  }
0x33b: {  	[sflag:s10] =	ssyncset.done $0x0  }
0x33c: {  	s31 =	simm.s32 $0x13428;
	[sflag:s10] =	ssyncadd.s32 $0xFFFFE700  }
0x33d: {  	[tilespmem:s21], [sflag:$0x7] =	stream.indirect.gather [spmem:s2], $0x1, s31, s30, $0xb8;
	[tilespmem:$0x19828] =	vst v63  }
.LBB2_12:
0x33e: {  	_ =	swait.ge [sflag:s11], $0x1900  }
0x33f: {  	[sflag:s11] =	ssyncset.done $0x0  }
0x340: {  	[sflag:s11] =	ssyncadd.s32 $0xFFFFE700  }
.LBB2_13:
0x341: {  	s7 =	simm.s32 $0x17F68  }
0x342: {  	v1 =	vld [tilespmem:s7+$0xFFFFFFC0]  }
0x343: {  	v2 =	vld [tilespmem:s7+$0xFFFFFFD0];
	_ =	sdelay $0x2  }
0x344: {  	v3 =	vld [tilespmem:s7+$0xFFFFFFE0]  }
0x345: {  	v4 =	vld [tilespmem:s7+$0x0];
	v1 =	vmul.f32 $1.442695020e+00, v1  }
0x346: {  	v5 =	vld [tilespmem:s7+$0x10];
	v2 =	vmul.f32 $1.442695020e+00, v2  }
0x347: {  	(erf) = vpow2.f32 v1;
	v1 =	vld [tilespmem:s7+$0x20]  }
0x348: {  	(erf) = vpow2.f32 v2;
	v2 =	vld [tilespmem:s7+$0x30]  }
0x349: {  	v6 =	vld [tilespmem:s7+$0xFFFFFFF0];
	v3 =	vmul.f32 $1.442695020e+00, v3  }
0x34a: {  	v4 =	vmul.f32 $1.442695020e+00, v4  }
0x34b: {  	v5 =	vmul.f32 $1.442695020e+00, v5;
	(erf) = vpow2.f32 v3  }
0x34c: {  	(erf) = vpow2.f32 v4;
	v1 =	vmul.f32 $1.442695020e+00, v1  }
0x34d: {  	(erf) = vpow2.f32 v5;
	v2 =	vmul.f32 $1.442695020e+00, v2  }
0x34e: {  	v3 =	vmul.f32 $1.442695020e+00, v6;
	(erf) = vpow2.f32 v1  }
0x34f: {  	(erf) = vpow2.f32 v2  }
0x350: {  	v1 =	vpop (erf);
	(erf) = vpow2.f32 v3;
	_ =	sdelay $0x2  }
0x351: {  	s8 =	simm.s32 $0x0;
	s12 =	simm.s32 $0x17FE8;
	[tilespmem:s7+$0xFFFFFFC0] =	vst v1;
	v1 =	vpop (erf)  }
.LBB2_14:
0x352: {  	v2 =	vld [tilespmem:s12+$0xFFFFFFC0];
	[tilespmem:s7+$0xFFFFFFD0] =	vst v1;
	v1 =	vpop (erf)  }
0x353: {  	v3 =	vld [tilespmem:s12+$0xFFFFFFD0];
	[tilespmem:s7+$0xFFFFFFE0] =	vst v1;
	v1 =	vpop (erf)  }
0x354: {  	v4 =	vld [tilespmem:s12+$0xFFFFFFE0];
	[tilespmem:s7+$0x0] =	vst v1;
	v1 =	vpop (erf)  }
0x355: {  	v5 =	vld [tilespmem:s12+$0x0];
	[tilespmem:s7+$0x10] =	vst v1;
	v1 =	vpop (erf)  }
0x356: {  	v6 =	vld [tilespmem:s12+$0x10];
	[tilespmem:s7+$0x20] =	vst v1;
	v1 =	vpop (erf)  }
0x357: {  	v2 =	vmul.f32 $1.442695020e+00, v2;
	v7 =	vld [tilespmem:s12+$0x20];
	[tilespmem:s7+$0x30] =	vst v1;
	v1 =	vpop (erf)  }
0x358: {  	s8 =	sadd.s32 $0x8, s8;
	v3 =	vmul.f32 $1.442695020e+00, v3;
	v8 =	vld [tilespmem:s12+$0x30];
	[tilespmem:s7+$0xFFFFFFF0] =	vst v1;
	s7 =	smov.u32 s12  }
0x359: {  	p1 =	slt.u32 s8, $0x188;
	v1 =	vmul.f32 $1.442695020e+00, v4;
	v4 =	vld [tilespmem:s12+$0xFFFFFFF0];
	(erf) = vpow2.f32 v2  }
0x35a: {  	v2 =	vmul.f32 $1.442695020e+00, v5;
	(erf) = vpow2.f32 v3  }
0x35b: {  	v3 =	vmul.f32 $1.442695020e+00, v6;
	(erf) = vpow2.f32 v1  }
0x35c: {  	v1 =	vmul.f32 $1.442695020e+00, v7;
	(erf) = vpow2.f32 v2  }
0x35d: {  	v2 =	vmul.f32 $1.442695020e+00, v8;
	(erf) = vpow2.f32 v3  }
0x35e: {  	v3 =	vmul.f32 $1.442695020e+00, v4;
	(erf) = vpow2.f32 v1  }
.Ltmp7:
0x35f: {  	(erf) = vpow2.f32 v2;
	(pc) =	sbr.rel @p1 .LBB2_14-.Ltmp7, $3  }
0x360: {  	(erf) = vpow2.f32 v3;
	_ =	sdelay $0x1  }
0x361: {  	v1 =	vpop (erf)  }
0x362: {  	s12 =	sadd.s32 $0x80, s12;
	[tilespmem:s7+$0xFFFFFFC0] =	vst v1;
	v1 =	vpop (erf)  }
0x363: {  	[tilespmem:s7+$0xFFFFFFD0] =	vst v1;
	v1 =	vpop (erf)  }
0x364: {  	s15 =	sadd.s32 $0x1, s15;
	[tilespmem:s7+$0xFFFFFFE0] =	vst v1;
	v1 =	vpop (erf)  }
0x365: {  	p1 =	sne.s32 s15, $0x8;
	[tilespmem:s7+$0x0] =	vst v1;
	v1 =	vpop (erf)  }
.Ltmp8:
0x366: {  	[tilespmem:s7+$0x10] =	vst v1;
	v1 =	vpop (erf);
	(pc) =	sbr.rel @p1 .LBB2_4-.Ltmp8, $4  }
0x367: {  	s8 =	smul.u32 $0x19, s16;
	[tilespmem:s7+$0x20] =	vst v1;
	v1 =	vpop (erf)  }
0x368: {  	[tilespmem:s7+$0x30] =	vst v1;
	v1 =	vpop (erf)  }
0x369: {  	s31 =	sadd.s32 s1, s8;
	[tilespmem:s7+$0xFFFFFFF0] =	vst v1  }
0x36a: {  	[hbm4b:s31+s4] =	stream.linear.scatter [tilespmem:s22], [sflag:$0xA], $0x1900, $0x38;
	[tilespmem:$0x19828] =	vst v63  }
0x36b: {  	s7 =	simm.s32 $0x9  }
0x36c: {  	_ =	swait.ge [sflag:s7], $0x1900  }
0x36d: {  	[sflag:s7] =	ssyncset.done $0x0  }
0x36e: {  	[sflag:s7] =	ssyncadd.s32 $0xFFFFE700  }
0x36f: {  	_ =	swait.ge [sflag:s11], $0x1900  }
0x370: {  	s8 =	sld [smem:$0x7F5];
	_ =	sdelay $0x2  }
0x371: {  	s31 =	rddreg [dreg:$0x17];
	s8 =	sadd.s32 $0x1, s8  }
0x372: {  	p1 =	sne.s32 s8, s31  }
.Ltmp9:
0x373: {  	_ = 	snop;
	(pc) =	sbr.rel @p1 .LBB2_1-.Ltmp9, $3  }
0x374: {  	_ =	sdelay $0x1  }
0x375: {  	[sflag:s11] =	ssyncset.done $0x0  }
0x376: {  	[sflag:s11] =	ssyncadd.s32 $0xFFFFE700  }
0x377: {  	_ =	sfence.sel $0x180000  }
0x378: {  	[bflag:$0x0] =	sbarrier.arrive $0xFFFF  }
0x379: {  	_ =	strace $0x90000047  }
0x37a: {  	s0 =	stileid.u32;
	[bflag:$0x2] =	sbarrier.arrive $0xFFFF  }
0x37b: {  	p0 =	sne.s32 s0, $0x0;
	s0 =	rddreg [dreg:$0x4]  }
0x37c: {  	s0 =	sadd.s32 @!p0 $0x100000, s0  }
0x37d: {  	[sflag:s0] =	ssyncadd.tile.s32 @!p0 $0x1;
	_ =	shalt  }
.Lfunc_end2:
_tile_overlayer_lowered:
.L_overlay_start_2:
0x37e: {  	(tag) =	ssettag $0x2  }
0x37f: {  	s0 =	rddreg [dreg:$0x0];
	s2 =	stileid.u32  }
0x380: {  	s1 =	rddreg [dreg:$0x1];
	p0 =	sne.s32 s2, $0x0  }
0x381: {  	s3 =	rddreg [dreg:$0x2];
	[bflag:$0x3] =	sbarrier.arrive $0xFFFF;
	s2 =	simm.s32 @!p0 $0x1C0B  }
0x382: {  	[timem:s3], [sflag:s2] =	dma.local @!p0 [hbm:s0], s1  }
0x383: {  	s0 =	simm.s32 @!p0 $0xB  }
0x384: {  	_ =	swait.ge @!p0 [sflag:s0], s1  }
0x385: {  	s1 =	ssub.s32 @!p0 $0x0, s1;
	[sflag:s0] =	ssyncset.done @!p0 $0x0  }
0x386: {  	[sflag:s0] =	ssyncadd.s32 @!p0 s1  }
0x387: {  	[bflag:$0x3] =	sbarrier.arrive $0xFFFF  }
0x388: {  	_ =	shalt  }

</sc_bundles>
